<compile_context>
chip_gen: v7x
topology: tpu7x:2x2x1
jax: 0.10.2.dev20260603
libtpu: 0.0.44.dev20260713+nightly
codegen_flags: <defaults>
</compile_context>

<pallas_src>
import jax
import jax.numpy as jnp
from jax import lax
from jax.experimental import pallas as pl
from jax.experimental.pallas import tpu as pltpu
from jax.experimental.pallas import tpu_sc as plsc

NC = 2
NS = 16
NW = NC * NS

F = 256
NH = 50000
NOUT = 100000

BS = 80
NSBLK = NH // BS
SB_LO = NSBLK // NW
SB_XT = NSBLK % NW
MAXB = SB_LO + 1

BZ = 200
NZBLK = (NOUT - NH) // BZ
ZB_LO = NZBLK // NW
ZB_XT = NZBLK % NW
MAXZ = ZB_LO + 1


def _unpool_body(h_hbm, idx_hbm, out_hbm,
                 idx_a, idx_b, rows_a, rows_b, zeros_v,
                 gsem, isem, ssem, zsem):
    wid = lax.axis_index("s") * NC + lax.axis_index("c")
    ns = SB_LO + (wid < SB_XT).astype(jnp.int32)
    start = wid * SB_LO + jnp.minimum(wid, SB_XT)
    nz = ZB_LO + (wid < ZB_XT).astype(jnp.int32)
    zstart = wid * ZB_LO + jnp.minimum(wid, ZB_XT)

    idx_v = (idx_a, idx_b)
    rows_v = (rows_a, rows_b)

    def issue_gather(i):
        b = start + i
        pltpu.async_copy(h_hbm.at[pl.ds(b * BS, BS)], rows_v[i % 2], gsem)
        pltpu.async_copy(idx_hbm.at[pl.ds(b * BS, BS)], idx_v[i % 2], isem)

    def wait_gather():
        pltpu.make_async_copy(h_hbm.at[pl.ds(0, BS)], rows_a, gsem).wait()
        pltpu.make_async_copy(idx_hbm.at[pl.ds(0, BS)], idx_a, isem).wait()

    def issue_scatter(i):
        pltpu.async_copy(rows_v[i % 2], out_hbm.at[idx_v[i % 2]], ssem)

    def wait_scatter():
        pltpu.make_async_copy(rows_a, out_hbm.at[idx_a], ssem).wait()

    def issue_zero(zb):
        pltpu.async_copy(
            zeros_v, out_hbm.at[pl.ds(NH + (zstart + zb) * BZ, BZ)], zsem)

    def wait_zero():
        pltpu.make_async_copy(zeros_v, out_hbm.at[pl.ds(NH, BZ)], zsem).wait()

    issue_gather(0)

    z16 = jnp.zeros((16,), jnp.float32)

    def zfill(i, carry):
        r = i // (F // 16)
        c = (i % (F // 16)) * 16
        zeros_v[r, pl.ds(c, 16)] = z16
        return carry

    lax.fori_loop(0, BZ * (F // 16), zfill, 0, unroll=8)

    issue_zero(0)

    for i in range(MAXB):
        def body(i=i):
            wait_gather()
            if i >= 1:
                wait_scatter()
            issue_scatter(i)
            if i + 1 < SB_LO:
                issue_gather(i + 1)
            elif i + 1 < MAXB:
                @pl.when(ns == MAXB)
                def _():
                    issue_gather(i + 1)
            if i + 1 < ZB_LO:
                issue_zero(i + 1)
            elif i + 1 < MAXZ:
                @pl.when(nz == MAXZ)
                def _():
                    issue_zero(i + 1)

        if i < SB_LO:
            body()
        else:
            pl.when(ns == MAXB)(body)

    wait_scatter()
    lax.fori_loop(0, nz, lambda i, c: (wait_zero(), c)[1], 0)


@jax.jit
def _unpool(h, idx):
    mesh = plsc.VectorSubcoreMesh(core_axis_name="c", subcore_axis_name="s")
    return pl.kernel(
        _unpool_body,
        out_type=jax.ShapeDtypeStruct((NOUT, F), jnp.float32),
        mesh=mesh,
        scratch_types=[
            pltpu.VMEM((BS,), jnp.int32),
            pltpu.VMEM((BS,), jnp.int32),
            pltpu.VMEM((BS, F), jnp.float32),
            pltpu.VMEM((BS, F), jnp.float32),
            pltpu.VMEM((BZ, F), jnp.float32),
            pltpu.SemaphoreType.DMA,
            pltpu.SemaphoreType.DMA,
            pltpu.SemaphoreType.DMA,
            pltpu.SemaphoreType.DMA,
        ],
    )(h, idx)


def kernel(g, h, idx):
    del g
    return _unpool(h, idx.astype(jnp.int32))

# --- scband reference (transcript-rebuilt; emitter-appended) ---
"""Pipeline reference for scband-simple-unpool-4320737100487 (READ-ONLY COPY).

The authoritative reference and input builder live on the scoring server;
editing this copy changes nothing except your own understanding.
"""

import jax, jax.numpy as jnp
import numpy as np


def setup_inputs(seed: int = 0) -> dict:
    key = jax.random.key(seed)
    k1, k2 = jax.random.split(key)
    g = jax.random.normal(k1, (100000, 256), dtype=jnp.float32)
    h = jax.random.normal(k2, (50000, 256), dtype=jnp.float32)
    # idx = arange(50000): in-range (< g.shape[0]) and duplicate-free, matching
    # the unpool semantics where each coarse node writes to a distinct fine node.
    idx = jnp.arange(50000)
    return {"g": g, "h": h, "idx": idx}


def reference(g, h, idx):
    # new_h = h.new_zeros([g.shape[0], h.shape[1]]); new_h[idx] = h
    new_h = jnp.zeros((g.shape[0], h.shape[1]), dtype=h.dtype)
    new_h = new_h.at[idx].set(h)
    return new_h

if __name__ == "__main__":
    import jax
    _d = setup_inputs()
    print(jax.jit(kernel)(*tuple(_d.values())))

</pallas_src>

<mosaic_0001>
#map = affine_map<(d0, d1) -> (0, 0)>
#map1 = affine_map<(d0, d1) -> (0)>
module attributes {stable_mosaic.version = 14 : i64} {
  func.func @_unpool_body(%arg0: i32, %arg1: i32, %arg2: memref<50000x256xf32, #tpu.memory_space<hbm>>, %arg3: memref<50000xi32, #tpu.memory_space<hbm>>, %arg4: memref<100000x256xf32, #tpu.memory_space<hbm>>, %arg5: memref<80xi32, #tpu.memory_space<vmem>>, %arg6: memref<80xi32, #tpu.memory_space<vmem>>, %arg7: memref<80x256xf32, #tpu.memory_space<vmem>>, %arg8: memref<80x256xf32, #tpu.memory_space<vmem>>, %arg9: memref<200x256xf32, #tpu.memory_space<vmem>>, %arg10: memref<!tpu.dma_semaphore, #tpu.memory_space<semaphore_mem>>, %arg11: memref<!tpu.dma_semaphore, #tpu.memory_space<semaphore_mem>>, %arg12: memref<!tpu.dma_semaphore, #tpu.memory_space<semaphore_mem>>, %arg13: memref<!tpu.dma_semaphore, #tpu.memory_space<semaphore_mem>>) attributes {dimension_semantics = [#tpu.dimension_semantics<core_parallel>, #tpu.dimension_semantics<subcore_parallel>], iteration_bounds = array<i64: 2, 16>, scalar_prefetch = 0 : i64, scratch_operands = 9 : i64, tpu.core_type = #tpu.core_type<sc_vector_subcore>, window_params = [{transform_indices = #map}, {transform_indices = #map1}, {transform_indices = #map}]} {
    %mul3A = arith.constant 2 : i32
    %mul3A_0 = arith.muli %arg1, %mul3A : i32
    %add3A = arith.addi %mul3A_0, %arg0 : i32
    %lt3A = arith.constant 17 : i32
    %lt3A_1 = arith.cmpi slt, %add3A, %lt3A : i32
    %convert_element_type3A = arith.extui %lt3A_1 : i1 to i32
    %add3A_2 = arith.constant 19 : i32
    %add3A_3 = arith.addi %add3A_2, %convert_element_type3A : i32
    %mul3A_4 = arith.constant 19 : i32
    %mul3A_5 = arith.muli %add3A, %mul3A_4 : i32
    %min3A = arith.constant 17 : i32
    %min3A_6 = arith.minsi %add3A, %min3A : i32
    %add3A_7 = arith.addi %mul3A_5, %min3A_6 : i32
    %lt3A_8 = arith.constant 26 : i32
    %lt3A_9 = arith.cmpi slt, %add3A, %lt3A_8 : i32
    %convert_element_type3A_10 = arith.extui %lt3A_9 : i1 to i32
    %add3A_11 = arith.constant 7 : i32
    %add3A_12 = arith.addi %add3A_11, %convert_element_type3A_10 : i32
    %mul3A_13 = arith.constant 7 : i32
    %mul3A_14 = arith.muli %add3A, %mul3A_13 : i32
    %min3A_15 = arith.constant 26 : i32
    %min3A_16 = arith.minsi %add3A, %min3A_15 : i32
    %add3A_17 = arith.addi %mul3A_14, %min3A_16 : i32
    %add3A_18 = arith.constant 0 : i32
    %add3A_19 = arith.addi %add3A_7, %add3A_18 : i32
    %mul3A_20 = arith.constant 80 : i32
    %mul3A_21 = arith.muli %add3A_19, %mul3A_20 : i32
    %dma_start3A = arith.constant 0 : i32
    %dma_start3A_22 = tpu.memref_slice %arg2[%mul3A_21, %dma_start3A] : memref<50000x256xf32, #tpu.memory_space<hbm>> -> memref<80x256xf32, #tpu.memory_space<hbm>>
    %dma_start3A_23 = arith.constant 0 : i32
    %dma_start3A_24 = tpu.memref_slice %arg2[%mul3A_21, %dma_start3A_23] : memref<50000x256xf32, #tpu.memory_space<hbm>> -> memref<80x256xf32, #tpu.memory_space<hbm>>
    tpu.enqueue_dma source(%dma_start3A_24 : memref<80x256xf32, #tpu.memory_space<hbm>>) target(%arg7 : memref<80x256xf32, #tpu.memory_space<vmem>>) target_semaphore(%arg10 : memref<!tpu.dma_semaphore, #tpu.memory_space<semaphore_mem>>)
    %mul3A_25 = arith.constant 80 : i32
    %mul3A_26 = arith.muli %add3A_19, %mul3A_25 : i32
    %dma_start3A_27 = tpu.memref_slice %arg3[%mul3A_26] : memref<50000xi32, #tpu.memory_space<hbm>> -> memref<80xi32, #tpu.memory_space<hbm>>
    %dma_start3A_28 = tpu.memref_slice %arg3[%mul3A_26] : memref<50000xi32, #tpu.memory_space<hbm>> -> memref<80xi32, #tpu.memory_space<hbm>>
    tpu.enqueue_dma source(%dma_start3A_28 : memref<80xi32, #tpu.memory_space<hbm>>) target(%arg5 : memref<80xi32, #tpu.memory_space<vmem>>) target_semaphore(%arg11 : memref<!tpu.dma_semaphore, #tpu.memory_space<semaphore_mem>>)
    %broadcast_in_dim3A = arith.constant 0.000000e+00 : f32
    %broadcast_in_dim3A_29 = vector.broadcast %broadcast_in_dim3A : f32 to vector<16xf32>
    %scan3A = arith.constant 0 : i32
    %scan3A_30 = arith.constant 0 : i32
    %scan3A_31 = arith.constant 3200 : i32
    %scan3A_32 = arith.addi %scan3A_30, %scan3A_31 : i32
    %scan3A_33 = arith.constant 8 : i32
    scf.for %scan3A_646 = %scan3A_30 to %scan3A_32 step %scan3A_33  : i32 {
      %jit3A = arith.constant 16 : i32
      %div3A = arith.divsi %scan3A_646, %jit3A : i32
      %sign3A = arith.constant 0 : i32
      %sign3A_647 = arith.cmpi sgt, %scan3A_646, %sign3A : i32
      %sign3A_648 = arith.extui %sign3A_647 : i1 to i32
      %sign3A_649 = arith.constant 0 : i32
      %sign3A_650 = arith.cmpi slt, %scan3A_646, %sign3A_649 : i32
      %sign3A_651 = arith.extui %sign3A_650 : i1 to i32
      %sign3A_652 = arith.subi %sign3A_648, %sign3A_651 : i32
      %sign3A_653 = arith.constant 0 : i32
      %sign3A_654 = arith.cmpi sgt, %jit3A, %sign3A_653 : i32
      %sign3A_655 = arith.extui %sign3A_654 : i1 to i32
      %sign3A_656 = arith.constant 0 : i32
      %sign3A_657 = arith.cmpi slt, %jit3A, %sign3A_656 : i32
      %sign3A_658 = arith.extui %sign3A_657 : i1 to i32
      %sign3A_659 = arith.subi %sign3A_655, %sign3A_658 : i32
      %ne3A = arith.cmpi ne, %sign3A_652, %sign3A_659 : i32
      %rem3A = arith.remsi %scan3A_646, %jit3A : i32
      %ne3A_660 = arith.constant 0 : i32
      %ne3A_661 = arith.cmpi ne, %rem3A, %ne3A_660 : i32
      %and3A = arith.andi %ne3A, %ne3A_661 : i1
      %sub3A = arith.constant 1 : i32
      %sub3A_662 = arith.subi %div3A, %sub3A : i32
      %select_n3A = arith.select %and3A, %sub3A_662, %div3A : i32
      %jit3A_663 = arith.constant 16 : i32
      %eq3A_664 = arith.constant 0 : i32
      %eq3A_665 = arith.cmpi eq, %jit3A_663, %eq3A_664 : i32
      %jit3A_666 = arith.constant 1 : i32
      %select_n3A_667 = arith.select %eq3A_665, %jit3A_666, %jit3A_663 : i32
      %rem3A_668 = arith.remsi %scan3A_646, %select_n3A_667 : i32
      %ne3A_669 = arith.constant 0 : i32
      %ne3A_670 = arith.cmpi ne, %rem3A_668, %ne3A_669 : i32
      %lt3A_671 = arith.constant 0 : i32
      %lt3A_672 = arith.cmpi slt, %rem3A_668, %lt3A_671 : i32
      %lt3A_673 = arith.constant 0 : i32
      %lt3A_674 = arith.cmpi slt, %select_n3A_667, %lt3A_673 : i32
      %ne3A_675 = arith.xori %lt3A_672, %lt3A_674 : i1
      %and3A_676 = arith.andi %ne3A_675, %ne3A_670 : i1
      %add3A_677 = arith.addi %rem3A_668, %select_n3A_667 : i32
      %select_n3A_678 = arith.select %and3A_676, %add3A_677, %rem3A_668 : i32
      %mul3A_679 = arith.constant 16 : i32
      %mul3A_680 = arith.muli %select_n3A_678, %mul3A_679 : i32
      %swap3A = arith.index_cast %select_n3A : i32 to index
      %swap3A_681 = arith.index_cast %mul3A_680 : i32 to index
      %swap3A_682 = tpu.vector_load %arg9[%swap3A, %swap3A_681] {strides = array<i32>} : memref<200x256xf32, #tpu.memory_space<vmem>>, vector<1x16xf32>,
      %swap3A_683 = vector.shape_cast %swap3A_682 : vector<1x16xf32> to vector<16xf32>
      %swap3A_684 = vector.shape_cast %broadcast_in_dim3A_29 : vector<16xf32> to vector<1x16xf32>
      tpu.vector_store %arg9[%swap3A, %swap3A_681], %swap3A_684 {strides = array<i32>} : memref<200x256xf32, #tpu.memory_space<vmem>>, vector<1x16xf32>,
      %scan3A_685 = arith.constant 1 : i32
      %scan3A_686 = arith.addi %scan3A_646, %scan3A_685 : i32
      %jit3A_687 = arith.constant 16 : i32
      %div3A_688 = arith.divsi %scan3A_686, %jit3A_687 : i32
      %sign3A_689 = arith.constant 0 : i32
      %sign3A_690 = arith.cmpi sgt, %scan3A_686, %sign3A_689 : i32
      %sign3A_691 = arith.extui %sign3A_690 : i1 to i32
      %sign3A_692 = arith.constant 0 : i32
      %sign3A_693 = arith.cmpi slt, %scan3A_686, %sign3A_692 : i32
      %sign3A_694 = arith.extui %sign3A_693 : i1 to i32
      %sign3A_695 = arith.subi %sign3A_691, %sign3A_694 : i32
      %sign3A_696 = arith.constant 0 : i32
      %sign3A_697 = arith.cmpi sgt, %jit3A_687, %sign3A_696 : i32
      %sign3A_698 = arith.extui %sign3A_697 : i1 to i32
      %sign3A_699 = arith.constant 0 : i32
      %sign3A_700 = arith.cmpi slt, %jit3A_687, %sign3A_699 : i32
      %sign3A_701 = arith.extui %sign3A_700 : i1 to i32
      %sign3A_702 = arith.subi %sign3A_698, %sign3A_701 : i32
      %ne3A_703 = arith.cmpi ne, %sign3A_695, %sign3A_702 : i32
      %rem3A_704 = arith.remsi %scan3A_686, %jit3A_687 : i32
      %ne3A_705 = arith.constant 0 : i32
      %ne3A_706 = arith.cmpi ne, %rem3A_704, %ne3A_705 : i32
      %and3A_707 = arith.andi %ne3A_703, %ne3A_706 : i1
      %sub3A_708 = arith.constant 1 : i32
      %sub3A_709 = arith.subi %div3A_688, %sub3A_708 : i32
      %select_n3A_710 = arith.select %and3A_707, %sub3A_709, %div3A_688 : i32
      %jit3A_711 = arith.constant 16 : i32
      %eq3A_712 = arith.constant 0 : i32
      %eq3A_713 = arith.cmpi eq, %jit3A_711, %eq3A_712 : i32
      %jit3A_714 = arith.constant 1 : i32
      %select_n3A_715 = arith.select %eq3A_713, %jit3A_714, %jit3A_711 : i32
      %rem3A_716 = arith.remsi %scan3A_686, %select_n3A_715 : i32
      %ne3A_717 = arith.constant 0 : i32
      %ne3A_718 = arith.cmpi ne, %rem3A_716, %ne3A_717 : i32
      %lt3A_719 = arith.constant 0 : i32
      %lt3A_720 = arith.cmpi slt, %rem3A_716, %lt3A_719 : i32
      %lt3A_721 = arith.constant 0 : i32
      %lt3A_722 = arith.cmpi slt, %select_n3A_715, %lt3A_721 : i32
      %ne3A_723 = arith.xori %lt3A_720, %lt3A_722 : i1
      %and3A_724 = arith.andi %ne3A_723, %ne3A_718 : i1
      %add3A_725 = arith.addi %rem3A_716, %select_n3A_715 : i32
      %select_n3A_726 = arith.select %and3A_724, %add3A_725, %rem3A_716 : i32
      %mul3A_727 = arith.constant 16 : i32
      %mul3A_728 = arith.muli %select_n3A_726, %mul3A_727 : i32
      %swap3A_729 = arith.index_cast %select_n3A_710 : i32 to index
      %swap3A_730 = arith.index_cast %mul3A_728 : i32 to index
      %swap3A_731 = tpu.vector_load %arg9[%swap3A_729, %swap3A_730] {strides = array<i32>} : memref<200x256xf32, #tpu.memory_space<vmem>>, vector<1x16xf32>,
      %swap3A_732 = vector.shape_cast %swap3A_731 : vector<1x16xf32> to vector<16xf32>
      %swap3A_733 = vector.shape_cast %broadcast_in_dim3A_29 : vector<16xf32> to vector<1x16xf32>
      tpu.vector_store %arg9[%swap3A_729, %swap3A_730], %swap3A_733 {strides = array<i32>} : memref<200x256xf32, #tpu.memory_space<vmem>>, vector<1x16xf32>,
      %scan3A_734 = arith.constant 2 : i32
      %scan3A_735 = arith.addi %scan3A_646, %scan3A_734 : i32
      %jit3A_736 = arith.constant 16 : i32
      %div3A_737 = arith.divsi %scan3A_735, %jit3A_736 : i32
      %sign3A_738 = arith.constant 0 : i32
      %sign3A_739 = arith.cmpi sgt, %scan3A_735, %sign3A_738 : i32
      %sign3A_740 = arith.extui %sign3A_739 : i1 to i32
      %sign3A_741 = arith.constant 0 : i32
      %sign3A_742 = arith.cmpi slt, %scan3A_735, %sign3A_741 : i32
      %sign3A_743 = arith.extui %sign3A_742 : i1 to i32
      %sign3A_744 = arith.subi %sign3A_740, %sign3A_743 : i32
      %sign3A_745 = arith.constant 0 : i32
      %sign3A_746 = arith.cmpi sgt, %jit3A_736, %sign3A_745 : i32
      %sign3A_747 = arith.extui %sign3A_746 : i1 to i32
      %sign3A_748 = arith.constant 0 : i32
      %sign3A_749 = arith.cmpi slt, %jit3A_736, %sign3A_748 : i32
      %sign3A_750 = arith.extui %sign3A_749 : i1 to i32
      %sign3A_751 = arith.subi %sign3A_747, %sign3A_750 : i32
      %ne3A_752 = arith.cmpi ne, %sign3A_744, %sign3A_751 : i32
      %rem3A_753 = arith.remsi %scan3A_735, %jit3A_736 : i32
      %ne3A_754 = arith.constant 0 : i32
      %ne3A_755 = arith.cmpi ne, %rem3A_753, %ne3A_754 : i32
      %and3A_756 = arith.andi %ne3A_752, %ne3A_755 : i1
      %sub3A_757 = arith.constant 1 : i32
      %sub3A_758 = arith.subi %div3A_737, %sub3A_757 : i32
      %select_n3A_759 = arith.select %and3A_756, %sub3A_758, %div3A_737 : i32
      %jit3A_760 = arith.constant 16 : i32
      %eq3A_761 = arith.constant 0 : i32
      %eq3A_762 = arith.cmpi eq, %jit3A_760, %eq3A_761 : i32
      %jit3A_763 = arith.constant 1 : i32
      %select_n3A_764 = arith.select %eq3A_762, %jit3A_763, %jit3A_760 : i32
      %rem3A_765 = arith.remsi %scan3A_735, %select_n3A_764 : i32
      %ne3A_766 = arith.constant 0 : i32
      %ne3A_767 = arith.cmpi ne, %rem3A_765, %ne3A_766 : i32
      %lt3A_768 = arith.constant 0 : i32
      %lt3A_769 = arith.cmpi slt, %rem3A_765, %lt3A_768 : i32
      %lt3A_770 = arith.constant 0 : i32
      %lt3A_771 = arith.cmpi slt, %select_n3A_764, %lt3A_770 : i32
      %ne3A_772 = arith.xori %lt3A_769, %lt3A_771 : i1
      %and3A_773 = arith.andi %ne3A_772, %ne3A_767 : i1
      %add3A_774 = arith.addi %rem3A_765, %select_n3A_764 : i32
      %select_n3A_775 = arith.select %and3A_773, %add3A_774, %rem3A_765 : i32
      %mul3A_776 = arith.constant 16 : i32
      %mul3A_777 = arith.muli %select_n3A_775, %mul3A_776 : i32
      %swap3A_778 = arith.index_cast %select_n3A_759 : i32 to index
      %swap3A_779 = arith.index_cast %mul3A_777 : i32 to index
      %swap3A_780 = tpu.vector_load %arg9[%swap3A_778, %swap3A_779] {strides = array<i32>} : memref<200x256xf32, #tpu.memory_space<vmem>>, vector<1x16xf32>,
      %swap3A_781 = vector.shape_cast %swap3A_780 : vector<1x16xf32> to vector<16xf32>
      %swap3A_782 = vector.shape_cast %broadcast_in_dim3A_29 : vector<16xf32> to vector<1x16xf32>
      tpu.vector_store %arg9[%swap3A_778, %swap3A_779], %swap3A_782 {strides = array<i32>} : memref<200x256xf32, #tpu.memory_space<vmem>>, vector<1x16xf32>,
      %scan3A_783 = arith.constant 3 : i32
      %scan3A_784 = arith.addi %scan3A_646, %scan3A_783 : i32
      %jit3A_785 = arith.constant 16 : i32
      %div3A_786 = arith.divsi %scan3A_784, %jit3A_785 : i32
      %sign3A_787 = arith.constant 0 : i32
      %sign3A_788 = arith.cmpi sgt, %scan3A_784, %sign3A_787 : i32
      %sign3A_789 = arith.extui %sign3A_788 : i1 to i32
      %sign3A_790 = arith.constant 0 : i32
      %sign3A_791 = arith.cmpi slt, %scan3A_784, %sign3A_790 : i32
      %sign3A_792 = arith.extui %sign3A_791 : i1 to i32
      %sign3A_793 = arith.subi %sign3A_789, %sign3A_792 : i32
      %sign3A_794 = arith.constant 0 : i32
      %sign3A_795 = arith.cmpi sgt, %jit3A_785, %sign3A_794 : i32
      %sign3A_796 = arith.extui %sign3A_795 : i1 to i32
      %sign3A_797 = arith.constant 0 : i32
      %sign3A_798 = arith.cmpi slt, %jit3A_785, %sign3A_797 : i32
      %sign3A_799 = arith.extui %sign3A_798 : i1 to i32
      %sign3A_800 = arith.subi %sign3A_796, %sign3A_799 : i32
      %ne3A_801 = arith.cmpi ne, %sign3A_793, %sign3A_800 : i32
      %rem3A_802 = arith.remsi %scan3A_784, %jit3A_785 : i32
      %ne3A_803 = arith.constant 0 : i32
      %ne3A_804 = arith.cmpi ne, %rem3A_802, %ne3A_803 : i32
      %and3A_805 = arith.andi %ne3A_801, %ne3A_804 : i1
      %sub3A_806 = arith.constant 1 : i32
      %sub3A_807 = arith.subi %div3A_786, %sub3A_806 : i32
      %select_n3A_808 = arith.select %and3A_805, %sub3A_807, %div3A_786 : i32
      %jit3A_809 = arith.constant 16 : i32
      %eq3A_810 = arith.constant 0 : i32
      %eq3A_811 = arith.cmpi eq, %jit3A_809, %eq3A_810 : i32
      %jit3A_812 = arith.constant 1 : i32
      %select_n3A_813 = arith.select %eq3A_811, %jit3A_812, %jit3A_809 : i32
      %rem3A_814 = arith.remsi %scan3A_784, %select_n3A_813 : i32
      %ne3A_815 = arith.constant 0 : i32
      %ne3A_816 = arith.cmpi ne, %rem3A_814, %ne3A_815 : i32
      %lt3A_817 = arith.constant 0 : i32
      %lt3A_818 = arith.cmpi slt, %rem3A_814, %lt3A_817 : i32
      %lt3A_819 = arith.constant 0 : i32
      %lt3A_820 = arith.cmpi slt, %select_n3A_813, %lt3A_819 : i32
      %ne3A_821 = arith.xori %lt3A_818, %lt3A_820 : i1
      %and3A_822 = arith.andi %ne3A_821, %ne3A_816 : i1
      %add3A_823 = arith.addi %rem3A_814, %select_n3A_813 : i32
      %select_n3A_824 = arith.select %and3A_822, %add3A_823, %rem3A_814 : i32
      %mul3A_825 = arith.constant 16 : i32
      %mul3A_826 = arith.muli %select_n3A_824, %mul3A_825 : i32
      %swap3A_827 = arith.index_cast %select_n3A_808 : i32 to index
      %swap3A_828 = arith.index_cast %mul3A_826 : i32 to index
      %swap3A_829 = tpu.vector_load %arg9[%swap3A_827, %swap3A_828] {strides = array<i32>} : memref<200x256xf32, #tpu.memory_space<vmem>>, vector<1x16xf32>,
      %swap3A_830 = vector.shape_cast %swap3A_829 : vector<1x16xf32> to vector<16xf32>
      %swap3A_831 = vector.shape_cast %broadcast_in_dim3A_29 : vector<16xf32> to vector<1x16xf32>
      tpu.vector_store %arg9[%swap3A_827, %swap3A_828], %swap3A_831 {strides = array<i32>} : memref<200x256xf32, #tpu.memory_space<vmem>>, vector<1x16xf32>,
      %scan3A_832 = arith.constant 4 : i32
      %scan3A_833 = arith.addi %scan3A_646, %scan3A_832 : i32
      %jit3A_834 = arith.constant 16 : i32
      %div3A_835 = arith.divsi %scan3A_833, %jit3A_834 : i32
      %sign3A_836 = arith.constant 0 : i32
      %sign3A_837 = arith.cmpi sgt, %scan3A_833, %sign3A_836 : i32
      %sign3A_838 = arith.extui %sign3A_837 : i1 to i32
      %sign3A_839 = arith.constant 0 : i32
      %sign3A_840 = arith.cmpi slt, %scan3A_833, %sign3A_839 : i32
      %sign3A_841 = arith.extui %sign3A_840 : i1 to i32
      %sign3A_842 = arith.subi %sign3A_838, %sign3A_841 : i32
      %sign3A_843 = arith.constant 0 : i32
      %sign3A_844 = arith.cmpi sgt, %jit3A_834, %sign3A_843 : i32
      %sign3A_845 = arith.extui %sign3A_844 : i1 to i32
      %sign3A_846 = arith.constant 0 : i32
      %sign3A_847 = arith.cmpi slt, %jit3A_834, %sign3A_846 : i32
      %sign3A_848 = arith.extui %sign3A_847 : i1 to i32
      %sign3A_849 = arith.subi %sign3A_845, %sign3A_848 : i32
      %ne3A_850 = arith.cmpi ne, %sign3A_842, %sign3A_849 : i32
      %rem3A_851 = arith.remsi %scan3A_833, %jit3A_834 : i32
      %ne3A_852 = arith.constant 0 : i32
      %ne3A_853 = arith.cmpi ne, %rem3A_851, %ne3A_852 : i32
      %and3A_854 = arith.andi %ne3A_850, %ne3A_853 : i1
      %sub3A_855 = arith.constant 1 : i32
      %sub3A_856 = arith.subi %div3A_835, %sub3A_855 : i32
      %select_n3A_857 = arith.select %and3A_854, %sub3A_856, %div3A_835 : i32
      %jit3A_858 = arith.constant 16 : i32
      %eq3A_859 = arith.constant 0 : i32
      %eq3A_860 = arith.cmpi eq, %jit3A_858, %eq3A_859 : i32
      %jit3A_861 = arith.constant 1 : i32
      %select_n3A_862 = arith.select %eq3A_860, %jit3A_861, %jit3A_858 : i32
      %rem3A_863 = arith.remsi %scan3A_833, %select_n3A_862 : i32
      %ne3A_864 = arith.constant 0 : i32
      %ne3A_865 = arith.cmpi ne, %rem3A_863, %ne3A_864 : i32
      %lt3A_866 = arith.constant 0 : i32
      %lt3A_867 = arith.cmpi slt, %rem3A_863, %lt3A_866 : i32
      %lt3A_868 = arith.constant 0 : i32
      %lt3A_869 = arith.cmpi slt, %select_n3A_862, %lt3A_868 : i32
      %ne3A_870 = arith.xori %lt3A_867, %lt3A_869 : i1
      %and3A_871 = arith.andi %ne3A_870, %ne3A_865 : i1
      %add3A_872 = arith.addi %rem3A_863, %select_n3A_862 : i32
      %select_n3A_873 = arith.select %and3A_871, %add3A_872, %rem3A_863 : i32
      %mul3A_874 = arith.constant 16 : i32
      %mul3A_875 = arith.muli %select_n3A_873, %mul3A_874 : i32
      %swap3A_876 = arith.index_cast %select_n3A_857 : i32 to index
      %swap3A_877 = arith.index_cast %mul3A_875 : i32 to index
      %swap3A_878 = tpu.vector_load %arg9[%swap3A_876, %swap3A_877] {strides = array<i32>} : memref<200x256xf32, #tpu.memory_space<vmem>>, vector<1x16xf32>,
      %swap3A_879 = vector.shape_cast %swap3A_878 : vector<1x16xf32> to vector<16xf32>
      %swap3A_880 = vector.shape_cast %broadcast_in_dim3A_29 : vector<16xf32> to vector<1x16xf32>
      tpu.vector_store %arg9[%swap3A_876, %swap3A_877], %swap3A_880 {strides = array<i32>} : memref<200x256xf32, #tpu.memory_space<vmem>>, vector<1x16xf32>,
      %scan3A_881 = arith.constant 5 : i32
      %scan3A_882 = arith.addi %scan3A_646, %scan3A_881 : i32
      %jit3A_883 = arith.constant 16 : i32
      %div3A_884 = arith.divsi %scan3A_882, %jit3A_883 : i32
      %sign3A_885 = arith.constant 0 : i32
      %sign3A_886 = arith.cmpi sgt, %scan3A_882, %sign3A_885 : i32
      %sign3A_887 = arith.extui %sign3A_886 : i1 to i32
      %sign3A_888 = arith.constant 0 : i32
      %sign3A_889 = arith.cmpi slt, %scan3A_882, %sign3A_888 : i32
      %sign3A_890 = arith.extui %sign3A_889 : i1 to i32
      %sign3A_891 = arith.subi %sign3A_887, %sign3A_890 : i32
      %sign3A_892 = arith.constant 0 : i32
      %sign3A_893 = arith.cmpi sgt, %jit3A_883, %sign3A_892 : i32
      %sign3A_894 = arith.extui %sign3A_893 : i1 to i32
      %sign3A_895 = arith.constant 0 : i32
      %sign3A_896 = arith.cmpi slt, %jit3A_883, %sign3A_895 : i32
      %sign3A_897 = arith.extui %sign3A_896 : i1 to i32
      %sign3A_898 = arith.subi %sign3A_894, %sign3A_897 : i32
      %ne3A_899 = arith.cmpi ne, %sign3A_891, %sign3A_898 : i32
      %rem3A_900 = arith.remsi %scan3A_882, %jit3A_883 : i32
      %ne3A_901 = arith.constant 0 : i32
      %ne3A_902 = arith.cmpi ne, %rem3A_900, %ne3A_901 : i32
      %and3A_903 = arith.andi %ne3A_899, %ne3A_902 : i1
      %sub3A_904 = arith.constant 1 : i32
      %sub3A_905 = arith.subi %div3A_884, %sub3A_904 : i32
      %select_n3A_906 = arith.select %and3A_903, %sub3A_905, %div3A_884 : i32
      %jit3A_907 = arith.constant 16 : i32
      %eq3A_908 = arith.constant 0 : i32
      %eq3A_909 = arith.cmpi eq, %jit3A_907, %eq3A_908 : i32
      %jit3A_910 = arith.constant 1 : i32
      %select_n3A_911 = arith.select %eq3A_909, %jit3A_910, %jit3A_907 : i32
      %rem3A_912 = arith.remsi %scan3A_882, %select_n3A_911 : i32
      %ne3A_913 = arith.constant 0 : i32
      %ne3A_914 = arith.cmpi ne, %rem3A_912, %ne3A_913 : i32
      %lt3A_915 = arith.constant 0 : i32
      %lt3A_916 = arith.cmpi slt, %rem3A_912, %lt3A_915 : i32
      %lt3A_917 = arith.constant 0 : i32
      %lt3A_918 = arith.cmpi slt, %select_n3A_911, %lt3A_917 : i32
      %ne3A_919 = arith.xori %lt3A_916, %lt3A_918 : i1
      %and3A_920 = arith.andi %ne3A_919, %ne3A_914 : i1
      %add3A_921 = arith.addi %rem3A_912, %select_n3A_911 : i32
      %select_n3A_922 = arith.select %and3A_920, %add3A_921, %rem3A_912 : i32
      %mul3A_923 = arith.constant 16 : i32
      %mul3A_924 = arith.muli %select_n3A_922, %mul3A_923 : i32
      %swap3A_925 = arith.index_cast %select_n3A_906 : i32 to index
      %swap3A_926 = arith.index_cast %mul3A_924 : i32 to index
      %swap3A_927 = tpu.vector_load %arg9[%swap3A_925, %swap3A_926] {strides = array<i32>} : memref<200x256xf32, #tpu.memory_space<vmem>>, vector<1x16xf32>,
      %swap3A_928 = vector.shape_cast %swap3A_927 : vector<1x16xf32> to vector<16xf32>
      %swap3A_929 = vector.shape_cast %broadcast_in_dim3A_29 : vector<16xf32> to vector<1x16xf32>
      tpu.vector_store %arg9[%swap3A_925, %swap3A_926], %swap3A_929 {strides = array<i32>} : memref<200x256xf32, #tpu.memory_space<vmem>>, vector<1x16xf32>,
      %scan3A_930 = arith.constant 6 : i32
      %scan3A_931 = arith.addi %scan3A_646, %scan3A_930 : i32
      %jit3A_932 = arith.constant 16 : i32
      %div3A_933 = arith.divsi %scan3A_931, %jit3A_932 : i32
      %sign3A_934 = arith.constant 0 : i32
      %sign3A_935 = arith.cmpi sgt, %scan3A_931, %sign3A_934 : i32
      %sign3A_936 = arith.extui %sign3A_935 : i1 to i32
      %sign3A_937 = arith.constant 0 : i32
      %sign3A_938 = arith.cmpi slt, %scan3A_931, %sign3A_937 : i32
      %sign3A_939 = arith.extui %sign3A_938 : i1 to i32
      %sign3A_940 = arith.subi %sign3A_936, %sign3A_939 : i32
      %sign3A_941 = arith.constant 0 : i32
      %sign3A_942 = arith.cmpi sgt, %jit3A_932, %sign3A_941 : i32
      %sign3A_943 = arith.extui %sign3A_942 : i1 to i32
      %sign3A_944 = arith.constant 0 : i32
      %sign3A_945 = arith.cmpi slt, %jit3A_932, %sign3A_944 : i32
      %sign3A_946 = arith.extui %sign3A_945 : i1 to i32
      %sign3A_947 = arith.subi %sign3A_943, %sign3A_946 : i32
      %ne3A_948 = arith.cmpi ne, %sign3A_940, %sign3A_947 : i32
      %rem3A_949 = arith.remsi %scan3A_931, %jit3A_932 : i32
      %ne3A_950 = arith.constant 0 : i32
      %ne3A_951 = arith.cmpi ne, %rem3A_949, %ne3A_950 : i32
      %and3A_952 = arith.andi %ne3A_948, %ne3A_951 : i1
      %sub3A_953 = arith.constant 1 : i32
      %sub3A_954 = arith.subi %div3A_933, %sub3A_953 : i32
      %select_n3A_955 = arith.select %and3A_952, %sub3A_954, %div3A_933 : i32
      %jit3A_956 = arith.constant 16 : i32
      %eq3A_957 = arith.constant 0 : i32
      %eq3A_958 = arith.cmpi eq, %jit3A_956, %eq3A_957 : i32
      %jit3A_959 = arith.constant 1 : i32
      %select_n3A_960 = arith.select %eq3A_958, %jit3A_959, %jit3A_956 : i32
      %rem3A_961 = arith.remsi %scan3A_931, %select_n3A_960 : i32
      %ne3A_962 = arith.constant 0 : i32
      %ne3A_963 = arith.cmpi ne, %rem3A_961, %ne3A_962 : i32
      %lt3A_964 = arith.constant 0 : i32
      %lt3A_965 = arith.cmpi slt, %rem3A_961, %lt3A_964 : i32
      %lt3A_966 = arith.constant 0 : i32
      %lt3A_967 = arith.cmpi slt, %select_n3A_960, %lt3A_966 : i32
      %ne3A_968 = arith.xori %lt3A_965, %lt3A_967 : i1
      %and3A_969 = arith.andi %ne3A_968, %ne3A_963 : i1
      %add3A_970 = arith.addi %rem3A_961, %select_n3A_960 : i32
      %select_n3A_971 = arith.select %and3A_969, %add3A_970, %rem3A_961 : i32
      %mul3A_972 = arith.constant 16 : i32
      %mul3A_973 = arith.muli %select_n3A_971, %mul3A_972 : i32
      %swap3A_974 = arith.index_cast %select_n3A_955 : i32 to index
      %swap3A_975 = arith.index_cast %mul3A_973 : i32 to index
      %swap3A_976 = tpu.vector_load %arg9[%swap3A_974, %swap3A_975] {strides = array<i32>} : memref<200x256xf32, #tpu.memory_space<vmem>>, vector<1x16xf32>,
      %swap3A_977 = vector.shape_cast %swap3A_976 : vector<1x16xf32> to vector<16xf32>
      %swap3A_978 = vector.shape_cast %broadcast_in_dim3A_29 : vector<16xf32> to vector<1x16xf32>
      tpu.vector_store %arg9[%swap3A_974, %swap3A_975], %swap3A_978 {strides = array<i32>} : memref<200x256xf32, #tpu.memory_space<vmem>>, vector<1x16xf32>,
      %scan3A_979 = arith.constant 7 : i32
      %scan3A_980 = arith.addi %scan3A_646, %scan3A_979 : i32
      %jit3A_981 = arith.constant 16 : i32
      %div3A_982 = arith.divsi %scan3A_980, %jit3A_981 : i32
      %sign3A_983 = arith.constant 0 : i32
      %sign3A_984 = arith.cmpi sgt, %scan3A_980, %sign3A_983 : i32
      %sign3A_985 = arith.extui %sign3A_984 : i1 to i32
      %sign3A_986 = arith.constant 0 : i32
      %sign3A_987 = arith.cmpi slt, %scan3A_980, %sign3A_986 : i32
      %sign3A_988 = arith.extui %sign3A_987 : i1 to i32
      %sign3A_989 = arith.subi %sign3A_985, %sign3A_988 : i32
      %sign3A_990 = arith.constant 0 : i32
      %sign3A_991 = arith.cmpi sgt, %jit3A_981, %sign3A_990 : i32
      %sign3A_992 = arith.extui %sign3A_991 : i1 to i32
      %sign3A_993 = arith.constant 0 : i32
      %sign3A_994 = arith.cmpi slt, %jit3A_981, %sign3A_993 : i32
      %sign3A_995 = arith.extui %sign3A_994 : i1 to i32
      %sign3A_996 = arith.subi %sign3A_992, %sign3A_995 : i32
      %ne3A_997 = arith.cmpi ne, %sign3A_989, %sign3A_996 : i32
      %rem3A_998 = arith.remsi %scan3A_980, %jit3A_981 : i32
      %ne3A_999 = arith.constant 0 : i32
      %ne3A_1000 = arith.cmpi ne, %rem3A_998, %ne3A_999 : i32
      %and3A_1001 = arith.andi %ne3A_997, %ne3A_1000 : i1
      %sub3A_1002 = arith.constant 1 : i32
      %sub3A_1003 = arith.subi %div3A_982, %sub3A_1002 : i32
      %select_n3A_1004 = arith.select %and3A_1001, %sub3A_1003, %div3A_982 : i32
      %jit3A_1005 = arith.constant 16 : i32
      %eq3A_1006 = arith.constant 0 : i32
      %eq3A_1007 = arith.cmpi eq, %jit3A_1005, %eq3A_1006 : i32
      %jit3A_1008 = arith.constant 1 : i32
      %select_n3A_1009 = arith.select %eq3A_1007, %jit3A_1008, %jit3A_1005 : i32
      %rem3A_1010 = arith.remsi %scan3A_980, %select_n3A_1009 : i32
      %ne3A_1011 = arith.constant 0 : i32
      %ne3A_1012 = arith.cmpi ne, %rem3A_1010, %ne3A_1011 : i32
      %lt3A_1013 = arith.constant 0 : i32
      %lt3A_1014 = arith.cmpi slt, %rem3A_1010, %lt3A_1013 : i32
      %lt3A_1015 = arith.constant 0 : i32
      %lt3A_1016 = arith.cmpi slt, %select_n3A_1009, %lt3A_1015 : i32
      %ne3A_1017 = arith.xori %lt3A_1014, %lt3A_1016 : i1
      %and3A_1018 = arith.andi %ne3A_1017, %ne3A_1012 : i1
      %add3A_1019 = arith.addi %rem3A_1010, %select_n3A_1009 : i32
      %select_n3A_1020 = arith.select %and3A_1018, %add3A_1019, %rem3A_1010 : i32
      %mul3A_1021 = arith.constant 16 : i32
      %mul3A_1022 = arith.muli %select_n3A_1020, %mul3A_1021 : i32
      %swap3A_1023 = arith.index_cast %select_n3A_1004 : i32 to index
      %swap3A_1024 = arith.index_cast %mul3A_1022 : i32 to index
      %swap3A_1025 = tpu.vector_load %arg9[%swap3A_1023, %swap3A_1024] {strides = array<i32>} : memref<200x256xf32, #tpu.memory_space<vmem>>, vector<1x16xf32>,
      %swap3A_1026 = vector.shape_cast %swap3A_1025 : vector<1x16xf32> to vector<16xf32>
      %swap3A_1027 = vector.shape_cast %broadcast_in_dim3A_29 : vector<16xf32> to vector<1x16xf32>
      tpu.vector_store %arg9[%swap3A_1023, %swap3A_1024], %swap3A_1027 {strides = array<i32>} : memref<200x256xf32, #tpu.memory_space<vmem>>, vector<1x16xf32>,
    }
    %scan3A_34 = arith.constant 3200 : i32
    %add3A_35 = arith.constant 0 : i32
    %add3A_36 = arith.addi %add3A_17, %add3A_35 : i32
    %mul3A_37 = arith.constant 200 : i32
    %mul3A_38 = arith.muli %add3A_36, %mul3A_37 : i32
    %add3A_39 = arith.constant 50000 : i32
    %add3A_40 = arith.addi %add3A_39, %mul3A_38 : i32
    %dma_start3A_41 = arith.constant 0 : i32
    %dma_start3A_42 = tpu.memref_slice %arg4[%add3A_40, %dma_start3A_41] : memref<100000x256xf32, #tpu.memory_space<hbm>> -> memref<200x256xf32, #tpu.memory_space<hbm>>
    %dma_start3A_43 = arith.constant 0 : i32
    %dma_start3A_44 = tpu.memref_slice %arg4[%add3A_40, %dma_start3A_43] : memref<100000x256xf32, #tpu.memory_space<hbm>> -> memref<200x256xf32, #tpu.memory_space<hbm>>
    tpu.enqueue_dma source(%arg9 : memref<200x256xf32, #tpu.memory_space<vmem>>) target(%dma_start3A_44 : memref<200x256xf32, #tpu.memory_space<hbm>>) target_semaphore(%arg13 : memref<!tpu.dma_semaphore, #tpu.memory_space<semaphore_mem>>)
    %dma_wait3A = arith.constant 0 : i32
    %dma_wait3A_45 = arith.constant 0 : i32
    %dma_wait3A_46 = tpu.memref_slice %arg2[%dma_wait3A, %dma_wait3A_45] : memref<50000x256xf32, #tpu.memory_space<hbm>> -> memref<80x256xf32, #tpu.memory_space<hbm>>
    %dma_wait3A_47 = arith.constant 0 : i32
    %dma_wait3A_48 = arith.constant 0 : i32
    %dma_wait3A_49 = tpu.memref_slice %arg2[%dma_wait3A_47, %dma_wait3A_48] : memref<50000x256xf32, #tpu.memory_space<hbm>> -> memref<80x256xf32, #tpu.memory_space<hbm>>
    tpu.wait_dma2 semaphore(%arg10 : memref<!tpu.dma_semaphore, #tpu.memory_space<semaphore_mem>>) src(%dma_wait3A_49 : memref<80x256xf32, #tpu.memory_space<hbm>>) dst(%arg7 : memref<80x256xf32, #tpu.memory_space<vmem>>)
    %dma_wait3A_50 = arith.constant 0 : i32
    %dma_wait3A_51 = tpu.memref_slice %arg3[%dma_wait3A_50] : memref<50000xi32, #tpu.memory_space<hbm>> -> memref<80xi32, #tpu.memory_space<hbm>>
    %dma_wait3A_52 = arith.constant 0 : i32
    %dma_wait3A_53 = tpu.memref_slice %arg3[%dma_wait3A_52] : memref<50000xi32, #tpu.memory_space<hbm>> -> memref<80xi32, #tpu.memory_space<hbm>>
    tpu.wait_dma2 semaphore(%arg11 : memref<!tpu.dma_semaphore, #tpu.memory_space<semaphore_mem>>) src(%dma_wait3A_53 : memref<80xi32, #tpu.memory_space<hbm>>) dst(%arg5 : memref<80xi32, #tpu.memory_space<vmem>>)
    %dma_start3A_54 = arith.constant 0 : i32
    %dma_start3A_55 = arith.constant 0 : i32
    %dma_start3A_56 = tpu.memref_slice %arg4[%dma_start3A_54, %dma_start3A_55] : memref<100000x256xf32, #tpu.memory_space<hbm>> -> memref<100000x256xf32, #tpu.memory_space<hbm>>
    tpu.enqueue_indirect_dma source(%arg7 : memref<80x256xf32, #tpu.memory_space<vmem>>) target(%dma_start3A_56 : memref<100000x256xf32, #tpu.memory_space<hbm>>) offsets(%arg5 : memref<80xi32, #tpu.memory_space<vmem>>) semaphore(%arg12 : memref<!tpu.dma_semaphore, #tpu.memory_space<semaphore_mem>>)
    %add3A_57 = arith.constant 1 : i32
    %add3A_58 = arith.addi %add3A_7, %add3A_57 : i32
    %mul3A_59 = arith.constant 80 : i32
    %mul3A_60 = arith.muli %add3A_58, %mul3A_59 : i32
    %dma_start3A_61 = arith.constant 0 : i32
    %dma_start3A_62 = tpu.memref_slice %arg2[%mul3A_60, %dma_start3A_61] : memref<50000x256xf32, #tpu.memory_space<hbm>> -> memref<80x256xf32, #tpu.memory_space<hbm>>
    %dma_start3A_63 = arith.constant 0 : i32
    %dma_start3A_64 = tpu.memref_slice %arg2[%mul3A_60, %dma_start3A_63] : memref<50000x256xf32, #tpu.memory_space<hbm>> -> memref<80x256xf32, #tpu.memory_space<hbm>>
    tpu.enqueue_dma source(%dma_start3A_64 : memref<80x256xf32, #tpu.memory_space<hbm>>) target(%arg8 : memref<80x256xf32, #tpu.memory_space<vmem>>) target_semaphore(%arg10 : memref<!tpu.dma_semaphore, #tpu.memory_space<semaphore_mem>>)
    %mul3A_65 = arith.constant 80 : i32
    %mul3A_66 = arith.muli %add3A_58, %mul3A_65 : i32
    %dma_start3A_67 = tpu.memref_slice %arg3[%mul3A_66] : memref<50000xi32, #tpu.memory_space<hbm>> -> memref<80xi32, #tpu.memory_space<hbm>>
    %dma_start3A_68 = tpu.memref_slice %arg3[%mul3A_66] : memref<50000xi32, #tpu.memory_space<hbm>> -> memref<80xi32, #tpu.memory_space<hbm>>
    tpu.enqueue_dma source(%dma_start3A_68 : memref<80xi32, #tpu.memory_space<hbm>>) target(%arg6 : memref<80xi32, #tpu.memory_space<vmem>>) target_semaphore(%arg11 : memref<!tpu.dma_semaphore, #tpu.memory_space<semaphore_mem>>)
    %add3A_69 = arith.constant 1 : i32
    %add3A_70 = arith.addi %add3A_17, %add3A_69 : i32
    %mul3A_71 = arith.constant 200 : i32
    %mul3A_72 = arith.muli %add3A_70, %mul3A_71 : i32
    %add3A_73 = arith.constant 50000 : i32
    %add3A_74 = arith.addi %add3A_73, %mul3A_72 : i32
    %dma_start3A_75 = arith.constant 0 : i32
    %dma_start3A_76 = tpu.memref_slice %arg4[%add3A_74, %dma_start3A_75] : memref<100000x256xf32, #tpu.memory_space<hbm>> -> memref<200x256xf32, #tpu.memory_space<hbm>>
    %dma_start3A_77 = arith.constant 0 : i32
    %dma_start3A_78 = tpu.memref_slice %arg4[%add3A_74, %dma_start3A_77] : memref<100000x256xf32, #tpu.memory_space<hbm>> -> memref<200x256xf32, #tpu.memory_space<hbm>>
    tpu.enqueue_dma source(%arg9 : memref<200x256xf32, #tpu.memory_space<vmem>>) target(%dma_start3A_78 : memref<200x256xf32, #tpu.memory_space<hbm>>) target_semaphore(%arg13 : memref<!tpu.dma_semaphore, #tpu.memory_space<semaphore_mem>>)
    %dma_wait3A_79 = arith.constant 0 : i32
    %dma_wait3A_80 = arith.constant 0 : i32
    %dma_wait3A_81 = tpu.memref_slice %arg2[%dma_wait3A_79, %dma_wait3A_80] : memref<50000x256xf32, #tpu.memory_space<hbm>> -> memref<80x256xf32, #tpu.memory_space<hbm>>
    %dma_wait3A_82 = arith.constant 0 : i32
    %dma_wait3A_83 = arith.constant 0 : i32
    %dma_wait3A_84 = tpu.memref_slice %arg2[%dma_wait3A_82, %dma_wait3A_83] : memref<50000x256xf32, #tpu.memory_space<hbm>> -> memref<80x256xf32, #tpu.memory_space<hbm>>
    tpu.wait_dma2 semaphore(%arg10 : memref<!tpu.dma_semaphore, #tpu.memory_space<semaphore_mem>>) src(%dma_wait3A_84 : memref<80x256xf32, #tpu.memory_space<hbm>>) dst(%arg7 : memref<80x256xf32, #tpu.memory_space<vmem>>)
    %dma_wait3A_85 = arith.constant 0 : i32
    %dma_wait3A_86 = tpu.memref_slice %arg3[%dma_wait3A_85] : memref<50000xi32, #tpu.memory_space<hbm>> -> memref<80xi32, #tpu.memory_space<hbm>>
    %dma_wait3A_87 = arith.constant 0 : i32
    %dma_wait3A_88 = tpu.memref_slice %arg3[%dma_wait3A_87] : memref<50000xi32, #tpu.memory_space<hbm>> -> memref<80xi32, #tpu.memory_space<hbm>>
    tpu.wait_dma2 semaphore(%arg11 : memref<!tpu.dma_semaphore, #tpu.memory_space<semaphore_mem>>) src(%dma_wait3A_88 : memref<80xi32, #tpu.memory_space<hbm>>) dst(%arg5 : memref<80xi32, #tpu.memory_space<vmem>>)
    %dma_wait3A_89 = arith.constant 0 : i32
    %dma_wait3A_90 = arith.constant 0 : i32
    %dma_wait3A_91 = tpu.memref_slice %arg4[%dma_wait3A_89, %dma_wait3A_90] : memref<100000x256xf32, #tpu.memory_space<hbm>> -> memref<100000x256xf32, #tpu.memory_space<hbm>>
    tpu.wait_indirect_dma semaphore(%arg12 : memref<!tpu.dma_semaphore, #tpu.memory_space<semaphore_mem>>) src(%arg7 : memref<80x256xf32, #tpu.memory_space<vmem>>) dst(%dma_wait3A_91 : memref<100000x256xf32, #tpu.memory_space<hbm>>)
    %dma_start3A_92 = arith.constant 0 : i32
    %dma_start3A_93 = arith.constant 0 : i32
    %dma_start3A_94 = tpu.memref_slice %arg4[%dma_start3A_92, %dma_start3A_93] : memref<100000x256xf32, #tpu.memory_space<hbm>> -> memref<100000x256xf32, #tpu.memory_space<hbm>>
    tpu.enqueue_indirect_dma source(%arg8 : memref<80x256xf32, #tpu.memory_space<vmem>>) target(%dma_start3A_94 : memref<100000x256xf32, #tpu.memory_space<hbm>>) offsets(%arg6 : memref<80xi32, #tpu.memory_space<vmem>>) semaphore(%arg12 : memref<!tpu.dma_semaphore, #tpu.memory_space<semaphore_mem>>)
    %add3A_95 = arith.constant 2 : i32
    %add3A_96 = arith.addi %add3A_7, %add3A_95 : i32
    %mul3A_97 = arith.constant 80 : i32
    %mul3A_98 = arith.muli %add3A_96, %mul3A_97 : i32
    %dma_start3A_99 = arith.constant 0 : i32
    %dma_start3A_100 = tpu.memref_slice %arg2[%mul3A_98, %dma_start3A_99] : memref<50000x256xf32, #tpu.memory_space<hbm>> -> memref<80x256xf32, #tpu.memory_space<hbm>>
    %dma_start3A_101 = arith.constant 0 : i32
    %dma_start3A_102 = tpu.memref_slice %arg2[%mul3A_98, %dma_start3A_101] : memref<50000x256xf32, #tpu.memory_space<hbm>> -> memref<80x256xf32, #tpu.memory_space<hbm>>
    tpu.enqueue_dma source(%dma_start3A_102 : memref<80x256xf32, #tpu.memory_space<hbm>>) target(%arg7 : memref<80x256xf32, #tpu.memory_space<vmem>>) target_semaphore(%arg10 : memref<!tpu.dma_semaphore, #tpu.memory_space<semaphore_mem>>)
    %mul3A_103 = arith.constant 80 : i32
    %mul3A_104 = arith.muli %add3A_96, %mul3A_103 : i32
    %dma_start3A_105 = tpu.memref_slice %arg3[%mul3A_104] : memref<50000xi32, #tpu.memory_space<hbm>> -> memref<80xi32, #tpu.memory_space<hbm>>
    %dma_start3A_106 = tpu.memref_slice %arg3[%mul3A_104] : memref<50000xi32, #tpu.memory_space<hbm>> -> memref<80xi32, #tpu.memory_space<hbm>>
    tpu.enqueue_dma source(%dma_start3A_106 : memref<80xi32, #tpu.memory_space<hbm>>) target(%arg5 : memref<80xi32, #tpu.memory_space<vmem>>) target_semaphore(%arg11 : memref<!tpu.dma_semaphore, #tpu.memory_space<semaphore_mem>>)
    %add3A_107 = arith.constant 2 : i32
    %add3A_108 = arith.addi %add3A_17, %add3A_107 : i32
    %mul3A_109 = arith.constant 200 : i32
    %mul3A_110 = arith.muli %add3A_108, %mul3A_109 : i32
    %add3A_111 = arith.constant 50000 : i32
    %add3A_112 = arith.addi %add3A_111, %mul3A_110 : i32
    %dma_start3A_113 = arith.constant 0 : i32
    %dma_start3A_114 = tpu.memref_slice %arg4[%add3A_112, %dma_start3A_113] : memref<100000x256xf32, #tpu.memory_space<hbm>> -> memref<200x256xf32, #tpu.memory_space<hbm>>
    %dma_start3A_115 = arith.constant 0 : i32
    %dma_start3A_116 = tpu.memref_slice %arg4[%add3A_112, %dma_start3A_115] : memref<100000x256xf32, #tpu.memory_space<hbm>> -> memref<200x256xf32, #tpu.memory_space<hbm>>
    tpu.enqueue_dma source(%arg9 : memref<200x256xf32, #tpu.memory_space<vmem>>) target(%dma_start3A_116 : memref<200x256xf32, #tpu.memory_space<hbm>>) target_semaphore(%arg13 : memref<!tpu.dma_semaphore, #tpu.memory_space<semaphore_mem>>)
    %dma_wait3A_117 = arith.constant 0 : i32
    %dma_wait3A_118 = arith.constant 0 : i32
    %dma_wait3A_119 = tpu.memref_slice %arg2[%dma_wait3A_117, %dma_wait3A_118] : memref<50000x256xf32, #tpu.memory_space<hbm>> -> memref<80x256xf32, #tpu.memory_space<hbm>>
    %dma_wait3A_120 = arith.constant 0 : i32
    %dma_wait3A_121 = arith.constant 0 : i32
    %dma_wait3A_122 = tpu.memref_slice %arg2[%dma_wait3A_120, %dma_wait3A_121] : memref<50000x256xf32, #tpu.memory_space<hbm>> -> memref<80x256xf32, #tpu.memory_space<hbm>>
    tpu.wait_dma2 semaphore(%arg10 : memref<!tpu.dma_semaphore, #tpu.memory_space<semaphore_mem>>) src(%dma_wait3A_122 : memref<80x256xf32, #tpu.memory_space<hbm>>) dst(%arg7 : memref<80x256xf32, #tpu.memory_space<vmem>>)
    %dma_wait3A_123 = arith.constant 0 : i32
    %dma_wait3A_124 = tpu.memref_slice %arg3[%dma_wait3A_123] : memref<50000xi32, #tpu.memory_space<hbm>> -> memref<80xi32, #tpu.memory_space<hbm>>
    %dma_wait3A_125 = arith.constant 0 : i32
    %dma_wait3A_126 = tpu.memref_slice %arg3[%dma_wait3A_125] : memref<50000xi32, #tpu.memory_space<hbm>> -> memref<80xi32, #tpu.memory_space<hbm>>
    tpu.wait_dma2 semaphore(%arg11 : memref<!tpu.dma_semaphore, #tpu.memory_space<semaphore_mem>>) src(%dma_wait3A_126 : memref<80xi32, #tpu.memory_space<hbm>>) dst(%arg5 : memref<80xi32, #tpu.memory_space<vmem>>)
    %dma_wait3A_127 = arith.constant 0 : i32
    %dma_wait3A_128 = arith.constant 0 : i32
    %dma_wait3A_129 = tpu.memref_slice %arg4[%dma_wait3A_127, %dma_wait3A_128] : memref<100000x256xf32, #tpu.memory_space<hbm>> -> memref<100000x256xf32, #tpu.memory_space<hbm>>
    tpu.wait_indirect_dma semaphore(%arg12 : memref<!tpu.dma_semaphore, #tpu.memory_space<semaphore_mem>>) src(%arg7 : memref<80x256xf32, #tpu.memory_space<vmem>>) dst(%dma_wait3A_129 : memref<100000x256xf32, #tpu.memory_space<hbm>>)
    %dma_start3A_130 = arith.constant 0 : i32
    %dma_start3A_131 = arith.constant 0 : i32
    %dma_start3A_132 = tpu.memref_slice %arg4[%dma_start3A_130, %dma_start3A_131] : memref<100000x256xf32, #tpu.memory_space<hbm>> -> memref<100000x256xf32, #tpu.memory_space<hbm>>
    tpu.enqueue_indirect_dma source(%arg7 : memref<80x256xf32, #tpu.memory_space<vmem>>) target(%dma_start3A_132 : memref<100000x256xf32, #tpu.memory_space<hbm>>) offsets(%arg5 : memref<80xi32, #tpu.memory_space<vmem>>) semaphore(%arg12 : memref<!tpu.dma_semaphore, #tpu.memory_space<semaphore_mem>>)
    %add3A_133 = arith.constant 3 : i32
    %add3A_134 = arith.addi %add3A_7, %add3A_133 : i32
    %mul3A_135 = arith.constant 80 : i32
    %mul3A_136 = arith.muli %add3A_134, %mul3A_135 : i32
    %dma_start3A_137 = arith.constant 0 : i32
    %dma_start3A_138 = tpu.memref_slice %arg2[%mul3A_136, %dma_start3A_137] : memref<50000x256xf32, #tpu.memory_space<hbm>> -> memref<80x256xf32, #tpu.memory_space<hbm>>
    %dma_start3A_139 = arith.constant 0 : i32
    %dma_start3A_140 = tpu.memref_slice %arg2[%mul3A_136, %dma_start3A_139] : memref<50000x256xf32, #tpu.memory_space<hbm>> -> memref<80x256xf32, #tpu.memory_space<hbm>>
    tpu.enqueue_dma source(%dma_start3A_140 : memref<80x256xf32, #tpu.memory_space<hbm>>) target(%arg8 : memref<80x256xf32, #tpu.memory_space<vmem>>) target_semaphore(%arg10 : memref<!tpu.dma_semaphore, #tpu.memory_space<semaphore_mem>>)
    %mul3A_141 = arith.constant 80 : i32
    %mul3A_142 = arith.muli %add3A_134, %mul3A_141 : i32
    %dma_start3A_143 = tpu.memref_slice %arg3[%mul3A_142] : memref<50000xi32, #tpu.memory_space<hbm>> -> memref<80xi32, #tpu.memory_space<hbm>>
    %dma_start3A_144 = tpu.memref_slice %arg3[%mul3A_142] : memref<50000xi32, #tpu.memory_space<hbm>> -> memref<80xi32, #tpu.memory_space<hbm>>
    tpu.enqueue_dma source(%dma_start3A_144 : memref<80xi32, #tpu.memory_space<hbm>>) target(%arg6 : memref<80xi32, #tpu.memory_space<vmem>>) target_semaphore(%arg11 : memref<!tpu.dma_semaphore, #tpu.memory_space<semaphore_mem>>)
    %add3A_145 = arith.constant 3 : i32
    %add3A_146 = arith.addi %add3A_17, %add3A_145 : i32
    %mul3A_147 = arith.constant 200 : i32
    %mul3A_148 = arith.muli %add3A_146, %mul3A_147 : i32
    %add3A_149 = arith.constant 50000 : i32
    %add3A_150 = arith.addi %add3A_149, %mul3A_148 : i32
    %dma_start3A_151 = arith.constant 0 : i32
    %dma_start3A_152 = tpu.memref_slice %arg4[%add3A_150, %dma_start3A_151] : memref<100000x256xf32, #tpu.memory_space<hbm>> -> memref<200x256xf32, #tpu.memory_space<hbm>>
    %dma_start3A_153 = arith.constant 0 : i32
    %dma_start3A_154 = tpu.memref_slice %arg4[%add3A_150, %dma_start3A_153] : memref<100000x256xf32, #tpu.memory_space<hbm>> -> memref<200x256xf32, #tpu.memory_space<hbm>>
    tpu.enqueue_dma source(%arg9 : memref<200x256xf32, #tpu.memory_space<vmem>>) target(%dma_start3A_154 : memref<200x256xf32, #tpu.memory_space<hbm>>) target_semaphore(%arg13 : memref<!tpu.dma_semaphore, #tpu.memory_space<semaphore_mem>>)
    %dma_wait3A_155 = arith.constant 0 : i32
    %dma_wait3A_156 = arith.constant 0 : i32
    %dma_wait3A_157 = tpu.memref_slice %arg2[%dma_wait3A_155, %dma_wait3A_156] : memref<50000x256xf32, #tpu.memory_space<hbm>> -> memref<80x256xf32, #tpu.memory_space<hbm>>
    %dma_wait3A_158 = arith.constant 0 : i32
    %dma_wait3A_159 = arith.constant 0 : i32
    %dma_wait3A_160 = tpu.memref_slice %arg2[%dma_wait3A_158, %dma_wait3A_159] : memref<50000x256xf32, #tpu.memory_space<hbm>> -> memref<80x256xf32, #tpu.memory_space<hbm>>
    tpu.wait_dma2 semaphore(%arg10 : memref<!tpu.dma_semaphore, #tpu.memory_space<semaphore_mem>>) src(%dma_wait3A_160 : memref<80x256xf32, #tpu.memory_space<hbm>>) dst(%arg7 : memref<80x256xf32, #tpu.memory_space<vmem>>)
    %dma_wait3A_161 = arith.constant 0 : i32
    %dma_wait3A_162 = tpu.memref_slice %arg3[%dma_wait3A_161] : memref<50000xi32, #tpu.memory_space<hbm>> -> memref<80xi32, #tpu.memory_space<hbm>>
    %dma_wait3A_163 = arith.constant 0 : i32
    %dma_wait3A_164 = tpu.memref_slice %arg3[%dma_wait3A_163] : memref<50000xi32, #tpu.memory_space<hbm>> -> memref<80xi32, #tpu.memory_space<hbm>>
    tpu.wait_dma2 semaphore(%arg11 : memref<!tpu.dma_semaphore, #tpu.memory_space<semaphore_mem>>) src(%dma_wait3A_164 : memref<80xi32, #tpu.memory_space<hbm>>) dst(%arg5 : memref<80xi32, #tpu.memory_space<vmem>>)
    %dma_wait3A_165 = arith.constant 0 : i32
    %dma_wait3A_166 = arith.constant 0 : i32
    %dma_wait3A_167 = tpu.memref_slice %arg4[%dma_wait3A_165, %dma_wait3A_166] : memref<100000x256xf32, #tpu.memory_space<hbm>> -> memref<100000x256xf32, #tpu.memory_space<hbm>>
    tpu.wait_indirect_dma semaphore(%arg12 : memref<!tpu.dma_semaphore, #tpu.memory_space<semaphore_mem>>) src(%arg7 : memref<80x256xf32, #tpu.memory_space<vmem>>) dst(%dma_wait3A_167 : memref<100000x256xf32, #tpu.memory_space<hbm>>)
    %dma_start3A_168 = arith.constant 0 : i32
    %dma_start3A_169 = arith.constant 0 : i32
    %dma_start3A_170 = tpu.memref_slice %arg4[%dma_start3A_168, %dma_start3A_169] : memref<100000x256xf32, #tpu.memory_space<hbm>> -> memref<100000x256xf32, #tpu.memory_space<hbm>>
    tpu.enqueue_indirect_dma source(%arg8 : memref<80x256xf32, #tpu.memory_space<vmem>>) target(%dma_start3A_170 : memref<100000x256xf32, #tpu.memory_space<hbm>>) offsets(%arg6 : memref<80xi32, #tpu.memory_space<vmem>>) semaphore(%arg12 : memref<!tpu.dma_semaphore, #tpu.memory_space<semaphore_mem>>)
    %add3A_171 = arith.constant 4 : i32
    %add3A_172 = arith.addi %add3A_7, %add3A_171 : i32
    %mul3A_173 = arith.constant 80 : i32
    %mul3A_174 = arith.muli %add3A_172, %mul3A_173 : i32
    %dma_start3A_175 = arith.constant 0 : i32
    %dma_start3A_176 = tpu.memref_slice %arg2[%mul3A_174, %dma_start3A_175] : memref<50000x256xf32, #tpu.memory_space<hbm>> -> memref<80x256xf32, #tpu.memory_space<hbm>>
    %dma_start3A_177 = arith.constant 0 : i32
    %dma_start3A_178 = tpu.memref_slice %arg2[%mul3A_174, %dma_start3A_177] : memref<50000x256xf32, #tpu.memory_space<hbm>> -> memref<80x256xf32, #tpu.memory_space<hbm>>
    tpu.enqueue_dma source(%dma_start3A_178 : memref<80x256xf32, #tpu.memory_space<hbm>>) target(%arg7 : memref<80x256xf32, #tpu.memory_space<vmem>>) target_semaphore(%arg10 : memref<!tpu.dma_semaphore, #tpu.memory_space<semaphore_mem>>)
    %mul3A_179 = arith.constant 80 : i32
    %mul3A_180 = arith.muli %add3A_172, %mul3A_179 : i32
    %dma_start3A_181 = tpu.memref_slice %arg3[%mul3A_180] : memref<50000xi32, #tpu.memory_space<hbm>> -> memref<80xi32, #tpu.memory_space<hbm>>
    %dma_start3A_182 = tpu.memref_slice %arg3[%mul3A_180] : memref<50000xi32, #tpu.memory_space<hbm>> -> memref<80xi32, #tpu.memory_space<hbm>>
    tpu.enqueue_dma source(%dma_start3A_182 : memref<80xi32, #tpu.memory_space<hbm>>) target(%arg5 : memref<80xi32, #tpu.memory_space<vmem>>) target_semaphore(%arg11 : memref<!tpu.dma_semaphore, #tpu.memory_space<semaphore_mem>>)
    %add3A_183 = arith.constant 4 : i32
    %add3A_184 = arith.addi %add3A_17, %add3A_183 : i32
    %mul3A_185 = arith.constant 200 : i32
    %mul3A_186 = arith.muli %add3A_184, %mul3A_185 : i32
    %add3A_187 = arith.constant 50000 : i32
    %add3A_188 = arith.addi %add3A_187, %mul3A_186 : i32
    %dma_start3A_189 = arith.constant 0 : i32
    %dma_start3A_190 = tpu.memref_slice %arg4[%add3A_188, %dma_start3A_189] : memref<100000x256xf32, #tpu.memory_space<hbm>> -> memref<200x256xf32, #tpu.memory_space<hbm>>
    %dma_start3A_191 = arith.constant 0 : i32
    %dma_start3A_192 = tpu.memref_slice %arg4[%add3A_188, %dma_start3A_191] : memref<100000x256xf32, #tpu.memory_space<hbm>> -> memref<200x256xf32, #tpu.memory_space<hbm>>
    tpu.enqueue_dma source(%arg9 : memref<200x256xf32, #tpu.memory_space<vmem>>) target(%dma_start3A_192 : memref<200x256xf32, #tpu.memory_space<hbm>>) target_semaphore(%arg13 : memref<!tpu.dma_semaphore, #tpu.memory_space<semaphore_mem>>)
    %dma_wait3A_193 = arith.constant 0 : i32
    %dma_wait3A_194 = arith.constant 0 : i32
    %dma_wait3A_195 = tpu.memref_slice %arg2[%dma_wait3A_193, %dma_wait3A_194] : memref<50000x256xf32, #tpu.memory_space<hbm>> -> memref<80x256xf32, #tpu.memory_space<hbm>>
    %dma_wait3A_196 = arith.constant 0 : i32
    %dma_wait3A_197 = arith.constant 0 : i32
    %dma_wait3A_198 = tpu.memref_slice %arg2[%dma_wait3A_196, %dma_wait3A_197] : memref<50000x256xf32, #tpu.memory_space<hbm>> -> memref<80x256xf32, #tpu.memory_space<hbm>>
    tpu.wait_dma2 semaphore(%arg10 : memref<!tpu.dma_semaphore, #tpu.memory_space<semaphore_mem>>) src(%dma_wait3A_198 : memref<80x256xf32, #tpu.memory_space<hbm>>) dst(%arg7 : memref<80x256xf32, #tpu.memory_space<vmem>>)
    %dma_wait3A_199 = arith.constant 0 : i32
    %dma_wait3A_200 = tpu.memref_slice %arg3[%dma_wait3A_199] : memref<50000xi32, #tpu.memory_space<hbm>> -> memref<80xi32, #tpu.memory_space<hbm>>
    %dma_wait3A_201 = arith.constant 0 : i32
    %dma_wait3A_202 = tpu.memref_slice %arg3[%dma_wait3A_201] : memref<50000xi32, #tpu.memory_space<hbm>> -> memref<80xi32, #tpu.memory_space<hbm>>
    tpu.wait_dma2 semaphore(%arg11 : memref<!tpu.dma_semaphore, #tpu.memory_space<semaphore_mem>>) src(%dma_wait3A_202 : memref<80xi32, #tpu.memory_space<hbm>>) dst(%arg5 : memref<80xi32, #tpu.memory_space<vmem>>)
    %dma_wait3A_203 = arith.constant 0 : i32
    %dma_wait3A_204 = arith.constant 0 : i32
    %dma_wait3A_205 = tpu.memref_slice %arg4[%dma_wait3A_203, %dma_wait3A_204] : memref<100000x256xf32, #tpu.memory_space<hbm>> -> memref<100000x256xf32, #tpu.memory_space<hbm>>
    tpu.wait_indirect_dma semaphore(%arg12 : memref<!tpu.dma_semaphore, #tpu.memory_space<semaphore_mem>>) src(%arg7 : memref<80x256xf32, #tpu.memory_space<vmem>>) dst(%dma_wait3A_205 : memref<100000x256xf32, #tpu.memory_space<hbm>>)
    %dma_start3A_206 = arith.constant 0 : i32
    %dma_start3A_207 = arith.constant 0 : i32
    %dma_start3A_208 = tpu.memref_slice %arg4[%dma_start3A_206, %dma_start3A_207] : memref<100000x256xf32, #tpu.memory_space<hbm>> -> memref<100000x256xf32, #tpu.memory_space<hbm>>
    tpu.enqueue_indirect_dma source(%arg7 : memref<80x256xf32, #tpu.memory_space<vmem>>) target(%dma_start3A_208 : memref<100000x256xf32, #tpu.memory_space<hbm>>) offsets(%arg5 : memref<80xi32, #tpu.memory_space<vmem>>) semaphore(%arg12 : memref<!tpu.dma_semaphore, #tpu.memory_space<semaphore_mem>>)
    %add3A_209 = arith.constant 5 : i32
    %add3A_210 = arith.addi %add3A_7, %add3A_209 : i32
    %mul3A_211 = arith.constant 80 : i32
    %mul3A_212 = arith.muli %add3A_210, %mul3A_211 : i32
    %dma_start3A_213 = arith.constant 0 : i32
    %dma_start3A_214 = tpu.memref_slice %arg2[%mul3A_212, %dma_start3A_213] : memref<50000x256xf32, #tpu.memory_space<hbm>> -> memref<80x256xf32, #tpu.memory_space<hbm>>
    %dma_start3A_215 = arith.constant 0 : i32
    %dma_start3A_216 = tpu.memref_slice %arg2[%mul3A_212, %dma_start3A_215] : memref<50000x256xf32, #tpu.memory_space<hbm>> -> memref<80x256xf32, #tpu.memory_space<hbm>>
    tpu.enqueue_dma source(%dma_start3A_216 : memref<80x256xf32, #tpu.memory_space<hbm>>) target(%arg8 : memref<80x256xf32, #tpu.memory_space<vmem>>) target_semaphore(%arg10 : memref<!tpu.dma_semaphore, #tpu.memory_space<semaphore_mem>>)
    %mul3A_217 = arith.constant 80 : i32
    %mul3A_218 = arith.muli %add3A_210, %mul3A_217 : i32
    %dma_start3A_219 = tpu.memref_slice %arg3[%mul3A_218] : memref<50000xi32, #tpu.memory_space<hbm>> -> memref<80xi32, #tpu.memory_space<hbm>>
    %dma_start3A_220 = tpu.memref_slice %arg3[%mul3A_218] : memref<50000xi32, #tpu.memory_space<hbm>> -> memref<80xi32, #tpu.memory_space<hbm>>
    tpu.enqueue_dma source(%dma_start3A_220 : memref<80xi32, #tpu.memory_space<hbm>>) target(%arg6 : memref<80xi32, #tpu.memory_space<vmem>>) target_semaphore(%arg11 : memref<!tpu.dma_semaphore, #tpu.memory_space<semaphore_mem>>)
    %add3A_221 = arith.constant 5 : i32
    %add3A_222 = arith.addi %add3A_17, %add3A_221 : i32
    %mul3A_223 = arith.constant 200 : i32
    %mul3A_224 = arith.muli %add3A_222, %mul3A_223 : i32
    %add3A_225 = arith.constant 50000 : i32
    %add3A_226 = arith.addi %add3A_225, %mul3A_224 : i32
    %dma_start3A_227 = arith.constant 0 : i32
    %dma_start3A_228 = tpu.memref_slice %arg4[%add3A_226, %dma_start3A_227] : memref<100000x256xf32, #tpu.memory_space<hbm>> -> memref<200x256xf32, #tpu.memory_space<hbm>>
    %dma_start3A_229 = arith.constant 0 : i32
    %dma_start3A_230 = tpu.memref_slice %arg4[%add3A_226, %dma_start3A_229] : memref<100000x256xf32, #tpu.memory_space<hbm>> -> memref<200x256xf32, #tpu.memory_space<hbm>>
    tpu.enqueue_dma source(%arg9 : memref<200x256xf32, #tpu.memory_space<vmem>>) target(%dma_start3A_230 : memref<200x256xf32, #tpu.memory_space<hbm>>) target_semaphore(%arg13 : memref<!tpu.dma_semaphore, #tpu.memory_space<semaphore_mem>>)
    %dma_wait3A_231 = arith.constant 0 : i32
    %dma_wait3A_232 = arith.constant 0 : i32
    %dma_wait3A_233 = tpu.memref_slice %arg2[%dma_wait3A_231, %dma_wait3A_232] : memref<50000x256xf32, #tpu.memory_space<hbm>> -> memref<80x256xf32, #tpu.memory_space<hbm>>
    %dma_wait3A_234 = arith.constant 0 : i32
    %dma_wait3A_235 = arith.constant 0 : i32
    %dma_wait3A_236 = tpu.memref_slice %arg2[%dma_wait3A_234, %dma_wait3A_235] : memref<50000x256xf32, #tpu.memory_space<hbm>> -> memref<80x256xf32, #tpu.memory_space<hbm>>
    tpu.wait_dma2 semaphore(%arg10 : memref<!tpu.dma_semaphore, #tpu.memory_space<semaphore_mem>>) src(%dma_wait3A_236 : memref<80x256xf32, #tpu.memory_space<hbm>>) dst(%arg7 : memref<80x256xf32, #tpu.memory_space<vmem>>)
    %dma_wait3A_237 = arith.constant 0 : i32
    %dma_wait3A_238 = tpu.memref_slice %arg3[%dma_wait3A_237] : memref<50000xi32, #tpu.memory_space<hbm>> -> memref<80xi32, #tpu.memory_space<hbm>>
    %dma_wait3A_239 = arith.constant 0 : i32
    %dma_wait3A_240 = tpu.memref_slice %arg3[%dma_wait3A_239] : memref<50000xi32, #tpu.memory_space<hbm>> -> memref<80xi32, #tpu.memory_space<hbm>>
    tpu.wait_dma2 semaphore(%arg11 : memref<!tpu.dma_semaphore, #tpu.memory_space<semaphore_mem>>) src(%dma_wait3A_240 : memref<80xi32, #tpu.memory_space<hbm>>) dst(%arg5 : memref<80xi32, #tpu.memory_space<vmem>>)
    %dma_wait3A_241 = arith.constant 0 : i32
    %dma_wait3A_242 = arith.constant 0 : i32
    %dma_wait3A_243 = tpu.memref_slice %arg4[%dma_wait3A_241, %dma_wait3A_242] : memref<100000x256xf32, #tpu.memory_space<hbm>> -> memref<100000x256xf32, #tpu.memory_space<hbm>>
    tpu.wait_indirect_dma semaphore(%arg12 : memref<!tpu.dma_semaphore, #tpu.memory_space<semaphore_mem>>) src(%arg7 : memref<80x256xf32, #tpu.memory_space<vmem>>) dst(%dma_wait3A_243 : memref<100000x256xf32, #tpu.memory_space<hbm>>)
    %dma_start3A_244 = arith.constant 0 : i32
    %dma_start3A_245 = arith.constant 0 : i32
    %dma_start3A_246 = tpu.memref_slice %arg4[%dma_start3A_244, %dma_start3A_245] : memref<100000x256xf32, #tpu.memory_space<hbm>> -> memref<100000x256xf32, #tpu.memory_space<hbm>>
    tpu.enqueue_indirect_dma source(%arg8 : memref<80x256xf32, #tpu.memory_space<vmem>>) target(%dma_start3A_246 : memref<100000x256xf32, #tpu.memory_space<hbm>>) offsets(%arg6 : memref<80xi32, #tpu.memory_space<vmem>>) semaphore(%arg12 : memref<!tpu.dma_semaphore, #tpu.memory_space<semaphore_mem>>)
    %add3A_247 = arith.constant 6 : i32
    %add3A_248 = arith.addi %add3A_7, %add3A_247 : i32
    %mul3A_249 = arith.constant 80 : i32
    %mul3A_250 = arith.muli %add3A_248, %mul3A_249 : i32
    %dma_start3A_251 = arith.constant 0 : i32
    %dma_start3A_252 = tpu.memref_slice %arg2[%mul3A_250, %dma_start3A_251] : memref<50000x256xf32, #tpu.memory_space<hbm>> -> memref<80x256xf32, #tpu.memory_space<hbm>>
    %dma_start3A_253 = arith.constant 0 : i32
    %dma_start3A_254 = tpu.memref_slice %arg2[%mul3A_250, %dma_start3A_253] : memref<50000x256xf32, #tpu.memory_space<hbm>> -> memref<80x256xf32, #tpu.memory_space<hbm>>
    tpu.enqueue_dma source(%dma_start3A_254 : memref<80x256xf32, #tpu.memory_space<hbm>>) target(%arg7 : memref<80x256xf32, #tpu.memory_space<vmem>>) target_semaphore(%arg10 : memref<!tpu.dma_semaphore, #tpu.memory_space<semaphore_mem>>)
    %mul3A_255 = arith.constant 80 : i32
    %mul3A_256 = arith.muli %add3A_248, %mul3A_255 : i32
    %dma_start3A_257 = tpu.memref_slice %arg3[%mul3A_256] : memref<50000xi32, #tpu.memory_space<hbm>> -> memref<80xi32, #tpu.memory_space<hbm>>
    %dma_start3A_258 = tpu.memref_slice %arg3[%mul3A_256] : memref<50000xi32, #tpu.memory_space<hbm>> -> memref<80xi32, #tpu.memory_space<hbm>>
    tpu.enqueue_dma source(%dma_start3A_258 : memref<80xi32, #tpu.memory_space<hbm>>) target(%arg5 : memref<80xi32, #tpu.memory_space<vmem>>) target_semaphore(%arg11 : memref<!tpu.dma_semaphore, #tpu.memory_space<semaphore_mem>>)
    %add3A_259 = arith.constant 6 : i32
    %add3A_260 = arith.addi %add3A_17, %add3A_259 : i32
    %mul3A_261 = arith.constant 200 : i32
    %mul3A_262 = arith.muli %add3A_260, %mul3A_261 : i32
    %add3A_263 = arith.constant 50000 : i32
    %add3A_264 = arith.addi %add3A_263, %mul3A_262 : i32
    %dma_start3A_265 = arith.constant 0 : i32
    %dma_start3A_266 = tpu.memref_slice %arg4[%add3A_264, %dma_start3A_265] : memref<100000x256xf32, #tpu.memory_space<hbm>> -> memref<200x256xf32, #tpu.memory_space<hbm>>
    %dma_start3A_267 = arith.constant 0 : i32
    %dma_start3A_268 = tpu.memref_slice %arg4[%add3A_264, %dma_start3A_267] : memref<100000x256xf32, #tpu.memory_space<hbm>> -> memref<200x256xf32, #tpu.memory_space<hbm>>
    tpu.enqueue_dma source(%arg9 : memref<200x256xf32, #tpu.memory_space<vmem>>) target(%dma_start3A_268 : memref<200x256xf32, #tpu.memory_space<hbm>>) target_semaphore(%arg13 : memref<!tpu.dma_semaphore, #tpu.memory_space<semaphore_mem>>)
    %dma_wait3A_269 = arith.constant 0 : i32
    %dma_wait3A_270 = arith.constant 0 : i32
    %dma_wait3A_271 = tpu.memref_slice %arg2[%dma_wait3A_269, %dma_wait3A_270] : memref<50000x256xf32, #tpu.memory_space<hbm>> -> memref<80x256xf32, #tpu.memory_space<hbm>>
    %dma_wait3A_272 = arith.constant 0 : i32
    %dma_wait3A_273 = arith.constant 0 : i32
    %dma_wait3A_274 = tpu.memref_slice %arg2[%dma_wait3A_272, %dma_wait3A_273] : memref<50000x256xf32, #tpu.memory_space<hbm>> -> memref<80x256xf32, #tpu.memory_space<hbm>>
    tpu.wait_dma2 semaphore(%arg10 : memref<!tpu.dma_semaphore, #tpu.memory_space<semaphore_mem>>) src(%dma_wait3A_274 : memref<80x256xf32, #tpu.memory_space<hbm>>) dst(%arg7 : memref<80x256xf32, #tpu.memory_space<vmem>>)
    %dma_wait3A_275 = arith.constant 0 : i32
    %dma_wait3A_276 = tpu.memref_slice %arg3[%dma_wait3A_275] : memref<50000xi32, #tpu.memory_space<hbm>> -> memref<80xi32, #tpu.memory_space<hbm>>
    %dma_wait3A_277 = arith.constant 0 : i32
    %dma_wait3A_278 = tpu.memref_slice %arg3[%dma_wait3A_277] : memref<50000xi32, #tpu.memory_space<hbm>> -> memref<80xi32, #tpu.memory_space<hbm>>
    tpu.wait_dma2 semaphore(%arg11 : memref<!tpu.dma_semaphore, #tpu.memory_space<semaphore_mem>>) src(%dma_wait3A_278 : memref<80xi32, #tpu.memory_space<hbm>>) dst(%arg5 : memref<80xi32, #tpu.memory_space<vmem>>)
    %dma_wait3A_279 = arith.constant 0 : i32
    %dma_wait3A_280 = arith.constant 0 : i32
    %dma_wait3A_281 = tpu.memref_slice %arg4[%dma_wait3A_279, %dma_wait3A_280] : memref<100000x256xf32, #tpu.memory_space<hbm>> -> memref<100000x256xf32, #tpu.memory_space<hbm>>
    tpu.wait_indirect_dma semaphore(%arg12 : memref<!tpu.dma_semaphore, #tpu.memory_space<semaphore_mem>>) src(%arg7 : memref<80x256xf32, #tpu.memory_space<vmem>>) dst(%dma_wait3A_281 : memref<100000x256xf32, #tpu.memory_space<hbm>>)
    %dma_start3A_282 = arith.constant 0 : i32
    %dma_start3A_283 = arith.constant 0 : i32
    %dma_start3A_284 = tpu.memref_slice %arg4[%dma_start3A_282, %dma_start3A_283] : memref<100000x256xf32, #tpu.memory_space<hbm>> -> memref<100000x256xf32, #tpu.memory_space<hbm>>
    tpu.enqueue_indirect_dma source(%arg7 : memref<80x256xf32, #tpu.memory_space<vmem>>) target(%dma_start3A_284 : memref<100000x256xf32, #tpu.memory_space<hbm>>) offsets(%arg5 : memref<80xi32, #tpu.memory_space<vmem>>) semaphore(%arg12 : memref<!tpu.dma_semaphore, #tpu.memory_space<semaphore_mem>>)
    %add3A_285 = arith.constant 7 : i32
    %add3A_286 = arith.addi %add3A_7, %add3A_285 : i32
    %mul3A_287 = arith.constant 80 : i32
    %mul3A_288 = arith.muli %add3A_286, %mul3A_287 : i32
    %dma_start3A_289 = arith.constant 0 : i32
    %dma_start3A_290 = tpu.memref_slice %arg2[%mul3A_288, %dma_start3A_289] : memref<50000x256xf32, #tpu.memory_space<hbm>> -> memref<80x256xf32, #tpu.memory_space<hbm>>
    %dma_start3A_291 = arith.constant 0 : i32
    %dma_start3A_292 = tpu.memref_slice %arg2[%mul3A_288, %dma_start3A_291] : memref<50000x256xf32, #tpu.memory_space<hbm>> -> memref<80x256xf32, #tpu.memory_space<hbm>>
    tpu.enqueue_dma source(%dma_start3A_292 : memref<80x256xf32, #tpu.memory_space<hbm>>) target(%arg8 : memref<80x256xf32, #tpu.memory_space<vmem>>) target_semaphore(%arg10 : memref<!tpu.dma_semaphore, #tpu.memory_space<semaphore_mem>>)
    %mul3A_293 = arith.constant 80 : i32
    %mul3A_294 = arith.muli %add3A_286, %mul3A_293 : i32
    %dma_start3A_295 = tpu.memref_slice %arg3[%mul3A_294] : memref<50000xi32, #tpu.memory_space<hbm>> -> memref<80xi32, #tpu.memory_space<hbm>>
    %dma_start3A_296 = tpu.memref_slice %arg3[%mul3A_294] : memref<50000xi32, #tpu.memory_space<hbm>> -> memref<80xi32, #tpu.memory_space<hbm>>
    tpu.enqueue_dma source(%dma_start3A_296 : memref<80xi32, #tpu.memory_space<hbm>>) target(%arg6 : memref<80xi32, #tpu.memory_space<vmem>>) target_semaphore(%arg11 : memref<!tpu.dma_semaphore, #tpu.memory_space<semaphore_mem>>)
    %eq3A = arith.constant 8 : i32
    %eq3A_297 = arith.cmpi eq, %add3A_12, %eq3A : i32
    %convert_element_type3A_298 = arith.extui %eq3A_297 : i1 to i32
    %cond3A = arith.constant 0 : i32
    %cond3A_299 = arith.cmpi ne, %convert_element_type3A_298, %cond3A : i32
    scf.if %cond3A_299 {
      %add3A_646 = arith.constant 7 : i32
      %add3A_647 = arith.addi %add3A_17, %add3A_646 : i32
      %mul3A_648 = arith.constant 200 : i32
      %mul3A_649 = arith.muli %add3A_647, %mul3A_648 : i32
      %add3A_650 = arith.constant 50000 : i32
      %add3A_651 = arith.addi %add3A_650, %mul3A_649 : i32
      %dma_start3A_652 = arith.constant 0 : i32
      %dma_start3A_653 = tpu.memref_slice %arg4[%add3A_651, %dma_start3A_652] : memref<100000x256xf32, #tpu.memory_space<hbm>> -> memref<200x256xf32, #tpu.memory_space<hbm>>
      %dma_start3A_654 = arith.constant 0 : i32
      %dma_start3A_655 = tpu.memref_slice %arg4[%add3A_651, %dma_start3A_654] : memref<100000x256xf32, #tpu.memory_space<hbm>> -> memref<200x256xf32, #tpu.memory_space<hbm>>
      tpu.enqueue_dma source(%arg9 : memref<200x256xf32, #tpu.memory_space<vmem>>) target(%dma_start3A_655 : memref<200x256xf32, #tpu.memory_space<hbm>>) target_semaphore(%arg13 : memref<!tpu.dma_semaphore, #tpu.memory_space<semaphore_mem>>)
    } else {
    }
    %dma_wait3A_300 = arith.constant 0 : i32
    %dma_wait3A_301 = arith.constant 0 : i32
    %dma_wait3A_302 = tpu.memref_slice %arg2[%dma_wait3A_300, %dma_wait3A_301] : memref<50000x256xf32, #tpu.memory_space<hbm>> -> memref<80x256xf32, #tpu.memory_space<hbm>>
    %dma_wait3A_303 = arith.constant 0 : i32
    %dma_wait3A_304 = arith.constant 0 : i32
    %dma_wait3A_305 = tpu.memref_slice %arg2[%dma_wait3A_303, %dma_wait3A_304] : memref<50000x256xf32, #tpu.memory_space<hbm>> -> memref<80x256xf32, #tpu.memory_space<hbm>>
    tpu.wait_dma2 semaphore(%arg10 : memref<!tpu.dma_semaphore, #tpu.memory_space<semaphore_mem>>) src(%dma_wait3A_305 : memref<80x256xf32, #tpu.memory_space<hbm>>) dst(%arg7 : memref<80x256xf32, #tpu.memory_space<vmem>>)
    %dma_wait3A_306 = arith.constant 0 : i32
    %dma_wait3A_307 = tpu.memref_slice %arg3[%dma_wait3A_306] : memref<50000xi32, #tpu.memory_space<hbm>> -> memref<80xi32, #tpu.memory_space<hbm>>
    %dma_wait3A_308 = arith.constant 0 : i32
    %dma_wait3A_309 = tpu.memref_slice %arg3[%dma_wait3A_308] : memref<50000xi32, #tpu.memory_space<hbm>> -> memref<80xi32, #tpu.memory_space<hbm>>
    tpu.wait_dma2 semaphore(%arg11 : memref<!tpu.dma_semaphore, #tpu.memory_space<semaphore_mem>>) src(%dma_wait3A_309 : memref<80xi32, #tpu.memory_space<hbm>>) dst(%arg5 : memref<80xi32, #tpu.memory_space<vmem>>)
    %dma_wait3A_310 = arith.constant 0 : i32
    %dma_wait3A_311 = arith.constant 0 : i32
    %dma_wait3A_312 = tpu.memref_slice %arg4[%dma_wait3A_310, %dma_wait3A_311] : memref<100000x256xf32, #tpu.memory_space<hbm>> -> memref<100000x256xf32, #tpu.memory_space<hbm>>
    tpu.wait_indirect_dma semaphore(%arg12 : memref<!tpu.dma_semaphore, #tpu.memory_space<semaphore_mem>>) src(%arg7 : memref<80x256xf32, #tpu.memory_space<vmem>>) dst(%dma_wait3A_312 : memref<100000x256xf32, #tpu.memory_space<hbm>>)
    %dma_start3A_313 = arith.constant 0 : i32
    %dma_start3A_314 = arith.constant 0 : i32
    %dma_start3A_315 = tpu.memref_slice %arg4[%dma_start3A_313, %dma_start3A_314] : memref<100000x256xf32, #tpu.memory_space<hbm>> -> memref<100000x256xf32, #tpu.memory_space<hbm>>
    tpu.enqueue_indirect_dma source(%arg8 : memref<80x256xf32, #tpu.memory_space<vmem>>) target(%dma_start3A_315 : memref<100000x256xf32, #tpu.memory_space<hbm>>) offsets(%arg6 : memref<80xi32, #tpu.memory_space<vmem>>) semaphore(%arg12 : memref<!tpu.dma_semaphore, #tpu.memory_space<semaphore_mem>>)
    %add3A_316 = arith.constant 8 : i32
    %add3A_317 = arith.addi %add3A_7, %add3A_316 : i32
    %mul3A_318 = arith.constant 80 : i32
    %mul3A_319 = arith.muli %add3A_317, %mul3A_318 : i32
    %dma_start3A_320 = arith.constant 0 : i32
    %dma_start3A_321 = tpu.memref_slice %arg2[%mul3A_319, %dma_start3A_320] : memref<50000x256xf32, #tpu.memory_space<hbm>> -> memref<80x256xf32, #tpu.memory_space<hbm>>
    %dma_start3A_322 = arith.constant 0 : i32
    %dma_start3A_323 = tpu.memref_slice %arg2[%mul3A_319, %dma_start3A_322] : memref<50000x256xf32, #tpu.memory_space<hbm>> -> memref<80x256xf32, #tpu.memory_space<hbm>>
    tpu.enqueue_dma source(%dma_start3A_323 : memref<80x256xf32, #tpu.memory_space<hbm>>) target(%arg7 : memref<80x256xf32, #tpu.memory_space<vmem>>) target_semaphore(%arg10 : memref<!tpu.dma_semaphore, #tpu.memory_space<semaphore_mem>>)
    %mul3A_324 = arith.constant 80 : i32
    %mul3A_325 = arith.muli %add3A_317, %mul3A_324 : i32
    %dma_start3A_326 = tpu.memref_slice %arg3[%mul3A_325] : memref<50000xi32, #tpu.memory_space<hbm>> -> memref<80xi32, #tpu.memory_space<hbm>>
    %dma_start3A_327 = tpu.memref_slice %arg3[%mul3A_325] : memref<50000xi32, #tpu.memory_space<hbm>> -> memref<80xi32, #tpu.memory_space<hbm>>
    tpu.enqueue_dma source(%dma_start3A_327 : memref<80xi32, #tpu.memory_space<hbm>>) target(%arg5 : memref<80xi32, #tpu.memory_space<vmem>>) target_semaphore(%arg11 : memref<!tpu.dma_semaphore, #tpu.memory_space<semaphore_mem>>)
    %dma_wait3A_328 = arith.constant 0 : i32
    %dma_wait3A_329 = arith.constant 0 : i32
    %dma_wait3A_330 = tpu.memref_slice %arg2[%dma_wait3A_328, %dma_wait3A_329] : memref<50000x256xf32, #tpu.memory_space<hbm>> -> memref<80x256xf32, #tpu.memory_space<hbm>>
    %dma_wait3A_331 = arith.constant 0 : i32
    %dma_wait3A_332 = arith.constant 0 : i32
    %dma_wait3A_333 = tpu.memref_slice %arg2[%dma_wait3A_331, %dma_wait3A_332] : memref<50000x256xf32, #tpu.memory_space<hbm>> -> memref<80x256xf32, #tpu.memory_space<hbm>>
    tpu.wait_dma2 semaphore(%arg10 : memref<!tpu.dma_semaphore, #tpu.memory_space<semaphore_mem>>) src(%dma_wait3A_333 : memref<80x256xf32, #tpu.memory_space<hbm>>) dst(%arg7 : memref<80x256xf32, #tpu.memory_space<vmem>>)
    %dma_wait3A_334 = arith.constant 0 : i32
    %dma_wait3A_335 = tpu.memref_slice %arg3[%dma_wait3A_334] : memref<50000xi32, #tpu.memory_space<hbm>> -> memref<80xi32, #tpu.memory_space<hbm>>
    %dma_wait3A_336 = arith.constant 0 : i32
    %dma_wait3A_337 = tpu.memref_slice %arg3[%dma_wait3A_336] : memref<50000xi32, #tpu.memory_space<hbm>> -> memref<80xi32, #tpu.memory_space<hbm>>
    tpu.wait_dma2 semaphore(%arg11 : memref<!tpu.dma_semaphore, #tpu.memory_space<semaphore_mem>>) src(%dma_wait3A_337 : memref<80xi32, #tpu.memory_space<hbm>>) dst(%arg5 : memref<80xi32, #tpu.memory_space<vmem>>)
    %dma_wait3A_338 = arith.constant 0 : i32
    %dma_wait3A_339 = arith.constant 0 : i32
    %dma_wait3A_340 = tpu.memref_slice %arg4[%dma_wait3A_338, %dma_wait3A_339] : memref<100000x256xf32, #tpu.memory_space<hbm>> -> memref<100000x256xf32, #tpu.memory_space<hbm>>
    tpu.wait_indirect_dma semaphore(%arg12 : memref<!tpu.dma_semaphore, #tpu.memory_space<semaphore_mem>>) src(%arg7 : memref<80x256xf32, #tpu.memory_space<vmem>>) dst(%dma_wait3A_340 : memref<100000x256xf32, #tpu.memory_space<hbm>>)
    %dma_start3A_341 = arith.constant 0 : i32
    %dma_start3A_342 = arith.constant 0 : i32
    %dma_start3A_343 = tpu.memref_slice %arg4[%dma_start3A_341, %dma_start3A_342] : memref<100000x256xf32, #tpu.memory_space<hbm>> -> memref<100000x256xf32, #tpu.memory_space<hbm>>
    tpu.enqueue_indirect_dma source(%arg7 : memref<80x256xf32, #tpu.memory_space<vmem>>) target(%dma_start3A_343 : memref<100000x256xf32, #tpu.memory_space<hbm>>) offsets(%arg5 : memref<80xi32, #tpu.memory_space<vmem>>) semaphore(%arg12 : memref<!tpu.dma_semaphore, #tpu.memory_space<semaphore_mem>>)
    %add3A_344 = arith.constant 9 : i32
    %add3A_345 = arith.addi %add3A_7, %add3A_344 : i32
    %mul3A_346 = arith.constant 80 : i32
    %mul3A_347 = arith.muli %add3A_345, %mul3A_346 : i32
    %dma_start3A_348 = arith.constant 0 : i32
    %dma_start3A_349 = tpu.memref_slice %arg2[%mul3A_347, %dma_start3A_348] : memref<50000x256xf32, #tpu.memory_space<hbm>> -> memref<80x256xf32, #tpu.memory_space<hbm>>
    %dma_start3A_350 = arith.constant 0 : i32
    %dma_start3A_351 = tpu.memref_slice %arg2[%mul3A_347, %dma_start3A_350] : memref<50000x256xf32, #tpu.memory_space<hbm>> -> memref<80x256xf32, #tpu.memory_space<hbm>>
    tpu.enqueue_dma source(%dma_start3A_351 : memref<80x256xf32, #tpu.memory_space<hbm>>) target(%arg8 : memref<80x256xf32, #tpu.memory_space<vmem>>) target_semaphore(%arg10 : memref<!tpu.dma_semaphore, #tpu.memory_space<semaphore_mem>>)
    %mul3A_352 = arith.constant 80 : i32
    %mul3A_353 = arith.muli %add3A_345, %mul3A_352 : i32
    %dma_start3A_354 = tpu.memref_slice %arg3[%mul3A_353] : memref<50000xi32, #tpu.memory_space<hbm>> -> memref<80xi32, #tpu.memory_space<hbm>>
    %dma_start3A_355 = tpu.memref_slice %arg3[%mul3A_353] : memref<50000xi32, #tpu.memory_space<hbm>> -> memref<80xi32, #tpu.memory_space<hbm>>
    tpu.enqueue_dma source(%dma_start3A_355 : memref<80xi32, #tpu.memory_space<hbm>>) target(%arg6 : memref<80xi32, #tpu.memory_space<vmem>>) target_semaphore(%arg11 : memref<!tpu.dma_semaphore, #tpu.memory_space<semaphore_mem>>)
    %dma_wait3A_356 = arith.constant 0 : i32
    %dma_wait3A_357 = arith.constant 0 : i32
    %dma_wait3A_358 = tpu.memref_slice %arg2[%dma_wait3A_356, %dma_wait3A_357] : memref<50000x256xf32, #tpu.memory_space<hbm>> -> memref<80x256xf32, #tpu.memory_space<hbm>>
    %dma_wait3A_359 = arith.constant 0 : i32
    %dma_wait3A_360 = arith.constant 0 : i32
    %dma_wait3A_361 = tpu.memref_slice %arg2[%dma_wait3A_359, %dma_wait3A_360] : memref<50000x256xf32, #tpu.memory_space<hbm>> -> memref<80x256xf32, #tpu.memory_space<hbm>>
    tpu.wait_dma2 semaphore(%arg10 : memref<!tpu.dma_semaphore, #tpu.memory_space<semaphore_mem>>) src(%dma_wait3A_361 : memref<80x256xf32, #tpu.memory_space<hbm>>) dst(%arg7 : memref<80x256xf32, #tpu.memory_space<vmem>>)
    %dma_wait3A_362 = arith.constant 0 : i32
    %dma_wait3A_363 = tpu.memref_slice %arg3[%dma_wait3A_362] : memref<50000xi32, #tpu.memory_space<hbm>> -> memref<80xi32, #tpu.memory_space<hbm>>
    %dma_wait3A_364 = arith.constant 0 : i32
    %dma_wait3A_365 = tpu.memref_slice %arg3[%dma_wait3A_364] : memref<50000xi32, #tpu.memory_space<hbm>> -> memref<80xi32, #tpu.memory_space<hbm>>
    tpu.wait_dma2 semaphore(%arg11 : memref<!tpu.dma_semaphore, #tpu.memory_space<semaphore_mem>>) src(%dma_wait3A_365 : memref<80xi32, #tpu.memory_space<hbm>>) dst(%arg5 : memref<80xi32, #tpu.memory_space<vmem>>)
    %dma_wait3A_366 = arith.constant 0 : i32
    %dma_wait3A_367 = arith.constant 0 : i32
    %dma_wait3A_368 = tpu.memref_slice %arg4[%dma_wait3A_366, %dma_wait3A_367] : memref<100000x256xf32, #tpu.memory_space<hbm>> -> memref<100000x256xf32, #tpu.memory_space<hbm>>
    tpu.wait_indirect_dma semaphore(%arg12 : memref<!tpu.dma_semaphore, #tpu.memory_space<semaphore_mem>>) src(%arg7 : memref<80x256xf32, #tpu.memory_space<vmem>>) dst(%dma_wait3A_368 : memref<100000x256xf32, #tpu.memory_space<hbm>>)
    %dma_start3A_369 = arith.constant 0 : i32
    %dma_start3A_370 = arith.constant 0 : i32
    %dma_start3A_371 = tpu.memref_slice %arg4[%dma_start3A_369, %dma_start3A_370] : memref<100000x256xf32, #tpu.memory_space<hbm>> -> memref<100000x256xf32, #tpu.memory_space<hbm>>
    tpu.enqueue_indirect_dma source(%arg8 : memref<80x256xf32, #tpu.memory_space<vmem>>) target(%dma_start3A_371 : memref<100000x256xf32, #tpu.memory_space<hbm>>) offsets(%arg6 : memref<80xi32, #tpu.memory_space<vmem>>) semaphore(%arg12 : memref<!tpu.dma_semaphore, #tpu.memory_space<semaphore_mem>>)
    %add3A_372 = arith.constant 10 : i32
    %add3A_373 = arith.addi %add3A_7, %add3A_372 : i32
    %mul3A_374 = arith.constant 80 : i32
    %mul3A_375 = arith.muli %add3A_373, %mul3A_374 : i32
    %dma_start3A_376 = arith.constant 0 : i32
    %dma_start3A_377 = tpu.memref_slice %arg2[%mul3A_375, %dma_start3A_376] : memref<50000x256xf32, #tpu.memory_space<hbm>> -> memref<80x256xf32, #tpu.memory_space<hbm>>
    %dma_start3A_378 = arith.constant 0 : i32
    %dma_start3A_379 = tpu.memref_slice %arg2[%mul3A_375, %dma_start3A_378] : memref<50000x256xf32, #tpu.memory_space<hbm>> -> memref<80x256xf32, #tpu.memory_space<hbm>>
    tpu.enqueue_dma source(%dma_start3A_379 : memref<80x256xf32, #tpu.memory_space<hbm>>) target(%arg7 : memref<80x256xf32, #tpu.memory_space<vmem>>) target_semaphore(%arg10 : memref<!tpu.dma_semaphore, #tpu.memory_space<semaphore_mem>>)
    %mul3A_380 = arith.constant 80 : i32
    %mul3A_381 = arith.muli %add3A_373, %mul3A_380 : i32
    %dma_start3A_382 = tpu.memref_slice %arg3[%mul3A_381] : memref<50000xi32, #tpu.memory_space<hbm>> -> memref<80xi32, #tpu.memory_space<hbm>>
    %dma_start3A_383 = tpu.memref_slice %arg3[%mul3A_381] : memref<50000xi32, #tpu.memory_space<hbm>> -> memref<80xi32, #tpu.memory_space<hbm>>
    tpu.enqueue_dma source(%dma_start3A_383 : memref<80xi32, #tpu.memory_space<hbm>>) target(%arg5 : memref<80xi32, #tpu.memory_space<vmem>>) target_semaphore(%arg11 : memref<!tpu.dma_semaphore, #tpu.memory_space<semaphore_mem>>)
    %dma_wait3A_384 = arith.constant 0 : i32
    %dma_wait3A_385 = arith.constant 0 : i32
    %dma_wait3A_386 = tpu.memref_slice %arg2[%dma_wait3A_384, %dma_wait3A_385] : memref<50000x256xf32, #tpu.memory_space<hbm>> -> memref<80x256xf32, #tpu.memory_space<hbm>>
    %dma_wait3A_387 = arith.constant 0 : i32
    %dma_wait3A_388 = arith.constant 0 : i32
    %dma_wait3A_389 = tpu.memref_slice %arg2[%dma_wait3A_387, %dma_wait3A_388] : memref<50000x256xf32, #tpu.memory_space<hbm>> -> memref<80x256xf32, #tpu.memory_space<hbm>>
    tpu.wait_dma2 semaphore(%arg10 : memref<!tpu.dma_semaphore, #tpu.memory_space<semaphore_mem>>) src(%dma_wait3A_389 : memref<80x256xf32, #tpu.memory_space<hbm>>) dst(%arg7 : memref<80x256xf32, #tpu.memory_space<vmem>>)
    %dma_wait3A_390 = arith.constant 0 : i32
    %dma_wait3A_391 = tpu.memref_slice %arg3[%dma_wait3A_390] : memref<50000xi32, #tpu.memory_space<hbm>> -> memref<80xi32, #tpu.memory_space<hbm>>
    %dma_wait3A_392 = arith.constant 0 : i32
    %dma_wait3A_393 = tpu.memref_slice %arg3[%dma_wait3A_392] : memref<50000xi32, #tpu.memory_space<hbm>> -> memref<80xi32, #tpu.memory_space<hbm>>
    tpu.wait_dma2 semaphore(%arg11 : memref<!tpu.dma_semaphore, #tpu.memory_space<semaphore_mem>>) src(%dma_wait3A_393 : memref<80xi32, #tpu.memory_space<hbm>>) dst(%arg5 : memref<80xi32, #tpu.memory_space<vmem>>)
    %dma_wait3A_394 = arith.constant 0 : i32
    %dma_wait3A_395 = arith.constant 0 : i32
    %dma_wait3A_396 = tpu.memref_slice %arg4[%dma_wait3A_394, %dma_wait3A_395] : memref<100000x256xf32, #tpu.memory_space<hbm>> -> memref<100000x256xf32, #tpu.memory_space<hbm>>
    tpu.wait_indirect_dma semaphore(%arg12 : memref<!tpu.dma_semaphore, #tpu.memory_space<semaphore_mem>>) src(%arg7 : memref<80x256xf32, #tpu.memory_space<vmem>>) dst(%dma_wait3A_396 : memref<100000x256xf32, #tpu.memory_space<hbm>>)
    %dma_start3A_397 = arith.constant 0 : i32
    %dma_start3A_398 = arith.constant 0 : i32
    %dma_start3A_399 = tpu.memref_slice %arg4[%dma_start3A_397, %dma_start3A_398] : memref<100000x256xf32, #tpu.memory_space<hbm>> -> memref<100000x256xf32, #tpu.memory_space<hbm>>
    tpu.enqueue_indirect_dma source(%arg7 : memref<80x256xf32, #tpu.memory_space<vmem>>) target(%dma_start3A_399 : memref<100000x256xf32, #tpu.memory_space<hbm>>) offsets(%arg5 : memref<80xi32, #tpu.memory_space<vmem>>) semaphore(%arg12 : memref<!tpu.dma_semaphore, #tpu.memory_space<semaphore_mem>>)
    %add3A_400 = arith.constant 11 : i32
    %add3A_401 = arith.addi %add3A_7, %add3A_400 : i32
    %mul3A_402 = arith.constant 80 : i32
    %mul3A_403 = arith.muli %add3A_401, %mul3A_402 : i32
    %dma_start3A_404 = arith.constant 0 : i32
    %dma_start3A_405 = tpu.memref_slice %arg2[%mul3A_403, %dma_start3A_404] : memref<50000x256xf32, #tpu.memory_space<hbm>> -> memref<80x256xf32, #tpu.memory_space<hbm>>
    %dma_start3A_406 = arith.constant 0 : i32
    %dma_start3A_407 = tpu.memref_slice %arg2[%mul3A_403, %dma_start3A_406] : memref<50000x256xf32, #tpu.memory_space<hbm>> -> memref<80x256xf32, #tpu.memory_space<hbm>>
    tpu.enqueue_dma source(%dma_start3A_407 : memref<80x256xf32, #tpu.memory_space<hbm>>) target(%arg8 : memref<80x256xf32, #tpu.memory_space<vmem>>) target_semaphore(%arg10 : memref<!tpu.dma_semaphore, #tpu.memory_space<semaphore_mem>>)
    %mul3A_408 = arith.constant 80 : i32
    %mul3A_409 = arith.muli %add3A_401, %mul3A_408 : i32
    %dma_start3A_410 = tpu.memref_slice %arg3[%mul3A_409] : memref<50000xi32, #tpu.memory_space<hbm>> -> memref<80xi32, #tpu.memory_space<hbm>>
    %dma_start3A_411 = tpu.memref_slice %arg3[%mul3A_409] : memref<50000xi32, #tpu.memory_space<hbm>> -> memref<80xi32, #tpu.memory_space<hbm>>
    tpu.enqueue_dma source(%dma_start3A_411 : memref<80xi32, #tpu.memory_space<hbm>>) target(%arg6 : memref<80xi32, #tpu.memory_space<vmem>>) target_semaphore(%arg11 : memref<!tpu.dma_semaphore, #tpu.memory_space<semaphore_mem>>)
    %dma_wait3A_412 = arith.constant 0 : i32
    %dma_wait3A_413 = arith.constant 0 : i32
    %dma_wait3A_414 = tpu.memref_slice %arg2[%dma_wait3A_412, %dma_wait3A_413] : memref<50000x256xf32, #tpu.memory_space<hbm>> -> memref<80x256xf32, #tpu.memory_space<hbm>>
    %dma_wait3A_415 = arith.constant 0 : i32
    %dma_wait3A_416 = arith.constant 0 : i32
    %dma_wait3A_417 = tpu.memref_slice %arg2[%dma_wait3A_415, %dma_wait3A_416] : memref<50000x256xf32, #tpu.memory_space<hbm>> -> memref<80x256xf32, #tpu.memory_space<hbm>>
    tpu.wait_dma2 semaphore(%arg10 : memref<!tpu.dma_semaphore, #tpu.memory_space<semaphore_mem>>) src(%dma_wait3A_417 : memref<80x256xf32, #tpu.memory_space<hbm>>) dst(%arg7 : memref<80x256xf32, #tpu.memory_space<vmem>>)
    %dma_wait3A_418 = arith.constant 0 : i32
    %dma_wait3A_419 = tpu.memref_slice %arg3[%dma_wait3A_418] : memref<50000xi32, #tpu.memory_space<hbm>> -> memref<80xi32, #tpu.memory_space<hbm>>
    %dma_wait3A_420 = arith.constant 0 : i32
    %dma_wait3A_421 = tpu.memref_slice %arg3[%dma_wait3A_420] : memref<50000xi32, #tpu.memory_space<hbm>> -> memref<80xi32, #tpu.memory_space<hbm>>
    tpu.wait_dma2 semaphore(%arg11 : memref<!tpu.dma_semaphore, #tpu.memory_space<semaphore_mem>>) src(%dma_wait3A_421 : memref<80xi32, #tpu.memory_space<hbm>>) dst(%arg5 : memref<80xi32, #tpu.memory_space<vmem>>)
    %dma_wait3A_422 = arith.constant 0 : i32
    %dma_wait3A_423 = arith.constant 0 : i32
    %dma_wait3A_424 = tpu.memref_slice %arg4[%dma_wait3A_422, %dma_wait3A_423] : memref<100000x256xf32, #tpu.memory_space<hbm>> -> memref<100000x256xf32, #tpu.memory_space<hbm>>
    tpu.wait_indirect_dma semaphore(%arg12 : memref<!tpu.dma_semaphore, #tpu.memory_space<semaphore_mem>>) src(%arg7 : memref<80x256xf32, #tpu.memory_space<vmem>>) dst(%dma_wait3A_424 : memref<100000x256xf32, #tpu.memory_space<hbm>>)
    %dma_start3A_425 = arith.constant 0 : i32
    %dma_start3A_426 = arith.constant 0 : i32
    %dma_start3A_427 = tpu.memref_slice %arg4[%dma_start3A_425, %dma_start3A_426] : memref<100000x256xf32, #tpu.memory_space<hbm>> -> memref<100000x256xf32, #tpu.memory_space<hbm>>
    tpu.enqueue_indirect_dma source(%arg8 : memref<80x256xf32, #tpu.memory_space<vmem>>) target(%dma_start3A_427 : memref<100000x256xf32, #tpu.memory_space<hbm>>) offsets(%arg6 : memref<80xi32, #tpu.memory_space<vmem>>) semaphore(%arg12 : memref<!tpu.dma_semaphore, #tpu.memory_space<semaphore_mem>>)
    %add3A_428 = arith.constant 12 : i32
    %add3A_429 = arith.addi %add3A_7, %add3A_428 : i32
    %mul3A_430 = arith.constant 80 : i32
    %mul3A_431 = arith.muli %add3A_429, %mul3A_430 : i32
    %dma_start3A_432 = arith.constant 0 : i32
    %dma_start3A_433 = tpu.memref_slice %arg2[%mul3A_431, %dma_start3A_432] : memref<50000x256xf32, #tpu.memory_space<hbm>> -> memref<80x256xf32, #tpu.memory_space<hbm>>
    %dma_start3A_434 = arith.constant 0 : i32
    %dma_start3A_435 = tpu.memref_slice %arg2[%mul3A_431, %dma_start3A_434] : memref<50000x256xf32, #tpu.memory_space<hbm>> -> memref<80x256xf32, #tpu.memory_space<hbm>>
    tpu.enqueue_dma source(%dma_start3A_435 : memref<80x256xf32, #tpu.memory_space<hbm>>) target(%arg7 : memref<80x256xf32, #tpu.memory_space<vmem>>) target_semaphore(%arg10 : memref<!tpu.dma_semaphore, #tpu.memory_space<semaphore_mem>>)
    %mul3A_436 = arith.constant 80 : i32
    %mul3A_437 = arith.muli %add3A_429, %mul3A_436 : i32
    %dma_start3A_438 = tpu.memref_slice %arg3[%mul3A_437] : memref<50000xi32, #tpu.memory_space<hbm>> -> memref<80xi32, #tpu.memory_space<hbm>>
    %dma_start3A_439 = tpu.memref_slice %arg3[%mul3A_437] : memref<50000xi32, #tpu.memory_space<hbm>> -> memref<80xi32, #tpu.memory_space<hbm>>
    tpu.enqueue_dma source(%dma_start3A_439 : memref<80xi32, #tpu.memory_space<hbm>>) target(%arg5 : memref<80xi32, #tpu.memory_space<vmem>>) target_semaphore(%arg11 : memref<!tpu.dma_semaphore, #tpu.memory_space<semaphore_mem>>)
    %dma_wait3A_440 = arith.constant 0 : i32
    %dma_wait3A_441 = arith.constant 0 : i32
    %dma_wait3A_442 = tpu.memref_slice %arg2[%dma_wait3A_440, %dma_wait3A_441] : memref<50000x256xf32, #tpu.memory_space<hbm>> -> memref<80x256xf32, #tpu.memory_space<hbm>>
    %dma_wait3A_443 = arith.constant 0 : i32
    %dma_wait3A_444 = arith.constant 0 : i32
    %dma_wait3A_445 = tpu.memref_slice %arg2[%dma_wait3A_443, %dma_wait3A_444] : memref<50000x256xf32, #tpu.memory_space<hbm>> -> memref<80x256xf32, #tpu.memory_space<hbm>>
    tpu.wait_dma2 semaphore(%arg10 : memref<!tpu.dma_semaphore, #tpu.memory_space<semaphore_mem>>) src(%dma_wait3A_445 : memref<80x256xf32, #tpu.memory_space<hbm>>) dst(%arg7 : memref<80x256xf32, #tpu.memory_space<vmem>>)
    %dma_wait3A_446 = arith.constant 0 : i32
    %dma_wait3A_447 = tpu.memref_slice %arg3[%dma_wait3A_446] : memref<50000xi32, #tpu.memory_space<hbm>> -> memref<80xi32, #tpu.memory_space<hbm>>
    %dma_wait3A_448 = arith.constant 0 : i32
    %dma_wait3A_449 = tpu.memref_slice %arg3[%dma_wait3A_448] : memref<50000xi32, #tpu.memory_space<hbm>> -> memref<80xi32, #tpu.memory_space<hbm>>
    tpu.wait_dma2 semaphore(%arg11 : memref<!tpu.dma_semaphore, #tpu.memory_space<semaphore_mem>>) src(%dma_wait3A_449 : memref<80xi32, #tpu.memory_space<hbm>>) dst(%arg5 : memref<80xi32, #tpu.memory_space<vmem>>)
    %dma_wait3A_450 = arith.constant 0 : i32
    %dma_wait3A_451 = arith.constant 0 : i32
    %dma_wait3A_452 = tpu.memref_slice %arg4[%dma_wait3A_450, %dma_wait3A_451] : memref<100000x256xf32, #tpu.memory_space<hbm>> -> memref<100000x256xf32, #tpu.memory_space<hbm>>
    tpu.wait_indirect_dma semaphore(%arg12 : memref<!tpu.dma_semaphore, #tpu.memory_space<semaphore_mem>>) src(%arg7 : memref<80x256xf32, #tpu.memory_space<vmem>>) dst(%dma_wait3A_452 : memref<100000x256xf32, #tpu.memory_space<hbm>>)
    %dma_start3A_453 = arith.constant 0 : i32
    %dma_start3A_454 = arith.constant 0 : i32
    %dma_start3A_455 = tpu.memref_slice %arg4[%dma_start3A_453, %dma_start3A_454] : memref<100000x256xf32, #tpu.memory_space<hbm>> -> memref<100000x256xf32, #tpu.memory_space<hbm>>
    tpu.enqueue_indirect_dma source(%arg7 : memref<80x256xf32, #tpu.memory_space<vmem>>) target(%dma_start3A_455 : memref<100000x256xf32, #tpu.memory_space<hbm>>) offsets(%arg5 : memref<80xi32, #tpu.memory_space<vmem>>) semaphore(%arg12 : memref<!tpu.dma_semaphore, #tpu.memory_space<semaphore_mem>>)
    %add3A_456 = arith.constant 13 : i32
    %add3A_457 = arith.addi %add3A_7, %add3A_456 : i32
    %mul3A_458 = arith.constant 80 : i32
    %mul3A_459 = arith.muli %add3A_457, %mul3A_458 : i32
    %dma_start3A_460 = arith.constant 0 : i32
    %dma_start3A_461 = tpu.memref_slice %arg2[%mul3A_459, %dma_start3A_460] : memref<50000x256xf32, #tpu.memory_space<hbm>> -> memref<80x256xf32, #tpu.memory_space<hbm>>
    %dma_start3A_462 = arith.constant 0 : i32
    %dma_start3A_463 = tpu.memref_slice %arg2[%mul3A_459, %dma_start3A_462] : memref<50000x256xf32, #tpu.memory_space<hbm>> -> memref<80x256xf32, #tpu.memory_space<hbm>>
    tpu.enqueue_dma source(%dma_start3A_463 : memref<80x256xf32, #tpu.memory_space<hbm>>) target(%arg8 : memref<80x256xf32, #tpu.memory_space<vmem>>) target_semaphore(%arg10 : memref<!tpu.dma_semaphore, #tpu.memory_space<semaphore_mem>>)
    %mul3A_464 = arith.constant 80 : i32
    %mul3A_465 = arith.muli %add3A_457, %mul3A_464 : i32
    %dma_start3A_466 = tpu.memref_slice %arg3[%mul3A_465] : memref<50000xi32, #tpu.memory_space<hbm>> -> memref<80xi32, #tpu.memory_space<hbm>>
    %dma_start3A_467 = tpu.memref_slice %arg3[%mul3A_465] : memref<50000xi32, #tpu.memory_space<hbm>> -> memref<80xi32, #tpu.memory_space<hbm>>
    tpu.enqueue_dma source(%dma_start3A_467 : memref<80xi32, #tpu.memory_space<hbm>>) target(%arg6 : memref<80xi32, #tpu.memory_space<vmem>>) target_semaphore(%arg11 : memref<!tpu.dma_semaphore, #tpu.memory_space<semaphore_mem>>)
    %dma_wait3A_468 = arith.constant 0 : i32
    %dma_wait3A_469 = arith.constant 0 : i32
    %dma_wait3A_470 = tpu.memref_slice %arg2[%dma_wait3A_468, %dma_wait3A_469] : memref<50000x256xf32, #tpu.memory_space<hbm>> -> memref<80x256xf32, #tpu.memory_space<hbm>>
    %dma_wait3A_471 = arith.constant 0 : i32
    %dma_wait3A_472 = arith.constant 0 : i32
    %dma_wait3A_473 = tpu.memref_slice %arg2[%dma_wait3A_471, %dma_wait3A_472] : memref<50000x256xf32, #tpu.memory_space<hbm>> -> memref<80x256xf32, #tpu.memory_space<hbm>>
    tpu.wait_dma2 semaphore(%arg10 : memref<!tpu.dma_semaphore, #tpu.memory_space<semaphore_mem>>) src(%dma_wait3A_473 : memref<80x256xf32, #tpu.memory_space<hbm>>) dst(%arg7 : memref<80x256xf32, #tpu.memory_space<vmem>>)
    %dma_wait3A_474 = arith.constant 0 : i32
    %dma_wait3A_475 = tpu.memref_slice %arg3[%dma_wait3A_474] : memref<50000xi32, #tpu.memory_space<hbm>> -> memref<80xi32, #tpu.memory_space<hbm>>
    %dma_wait3A_476 = arith.constant 0 : i32
    %dma_wait3A_477 = tpu.memref_slice %arg3[%dma_wait3A_476] : memref<50000xi32, #tpu.memory_space<hbm>> -> memref<80xi32, #tpu.memory_space<hbm>>
    tpu.wait_dma2 semaphore(%arg11 : memref<!tpu.dma_semaphore, #tpu.memory_space<semaphore_mem>>) src(%dma_wait3A_477 : memref<80xi32, #tpu.memory_space<hbm>>) dst(%arg5 : memref<80xi32, #tpu.memory_space<vmem>>)
    %dma_wait3A_478 = arith.constant 0 : i32
    %dma_wait3A_479 = arith.constant 0 : i32
    %dma_wait3A_480 = tpu.memref_slice %arg4[%dma_wait3A_478, %dma_wait3A_479] : memref<100000x256xf32, #tpu.memory_space<hbm>> -> memref<100000x256xf32, #tpu.memory_space<hbm>>
    tpu.wait_indirect_dma semaphore(%arg12 : memref<!tpu.dma_semaphore, #tpu.memory_space<semaphore_mem>>) src(%arg7 : memref<80x256xf32, #tpu.memory_space<vmem>>) dst(%dma_wait3A_480 : memref<100000x256xf32, #tpu.memory_space<hbm>>)
    %dma_start3A_481 = arith.constant 0 : i32
    %dma_start3A_482 = arith.constant 0 : i32
    %dma_start3A_483 = tpu.memref_slice %arg4[%dma_start3A_481, %dma_start3A_482] : memref<100000x256xf32, #tpu.memory_space<hbm>> -> memref<100000x256xf32, #tpu.memory_space<hbm>>
    tpu.enqueue_indirect_dma source(%arg8 : memref<80x256xf32, #tpu.memory_space<vmem>>) target(%dma_start3A_483 : memref<100000x256xf32, #tpu.memory_space<hbm>>) offsets(%arg6 : memref<80xi32, #tpu.memory_space<vmem>>) semaphore(%arg12 : memref<!tpu.dma_semaphore, #tpu.memory_space<semaphore_mem>>)
    %add3A_484 = arith.constant 14 : i32
    %add3A_485 = arith.addi %add3A_7, %add3A_484 : i32
    %mul3A_486 = arith.constant 80 : i32
    %mul3A_487 = arith.muli %add3A_485, %mul3A_486 : i32
    %dma_start3A_488 = arith.constant 0 : i32
    %dma_start3A_489 = tpu.memref_slice %arg2[%mul3A_487, %dma_start3A_488] : memref<50000x256xf32, #tpu.memory_space<hbm>> -> memref<80x256xf32, #tpu.memory_space<hbm>>
    %dma_start3A_490 = arith.constant 0 : i32
    %dma_start3A_491 = tpu.memref_slice %arg2[%mul3A_487, %dma_start3A_490] : memref<50000x256xf32, #tpu.memory_space<hbm>> -> memref<80x256xf32, #tpu.memory_space<hbm>>
    tpu.enqueue_dma source(%dma_start3A_491 : memref<80x256xf32, #tpu.memory_space<hbm>>) target(%arg7 : memref<80x256xf32, #tpu.memory_space<vmem>>) target_semaphore(%arg10 : memref<!tpu.dma_semaphore, #tpu.memory_space<semaphore_mem>>)
    %mul3A_492 = arith.constant 80 : i32
    %mul3A_493 = arith.muli %add3A_485, %mul3A_492 : i32
    %dma_start3A_494 = tpu.memref_slice %arg3[%mul3A_493] : memref<50000xi32, #tpu.memory_space<hbm>> -> memref<80xi32, #tpu.memory_space<hbm>>
    %dma_start3A_495 = tpu.memref_slice %arg3[%mul3A_493] : memref<50000xi32, #tpu.memory_space<hbm>> -> memref<80xi32, #tpu.memory_space<hbm>>
    tpu.enqueue_dma source(%dma_start3A_495 : memref<80xi32, #tpu.memory_space<hbm>>) target(%arg5 : memref<80xi32, #tpu.memory_space<vmem>>) target_semaphore(%arg11 : memref<!tpu.dma_semaphore, #tpu.memory_space<semaphore_mem>>)
    %dma_wait3A_496 = arith.constant 0 : i32
    %dma_wait3A_497 = arith.constant 0 : i32
    %dma_wait3A_498 = tpu.memref_slice %arg2[%dma_wait3A_496, %dma_wait3A_497] : memref<50000x256xf32, #tpu.memory_space<hbm>> -> memref<80x256xf32, #tpu.memory_space<hbm>>
    %dma_wait3A_499 = arith.constant 0 : i32
    %dma_wait3A_500 = arith.constant 0 : i32
    %dma_wait3A_501 = tpu.memref_slice %arg2[%dma_wait3A_499, %dma_wait3A_500] : memref<50000x256xf32, #tpu.memory_space<hbm>> -> memref<80x256xf32, #tpu.memory_space<hbm>>
    tpu.wait_dma2 semaphore(%arg10 : memref<!tpu.dma_semaphore, #tpu.memory_space<semaphore_mem>>) src(%dma_wait3A_501 : memref<80x256xf32, #tpu.memory_space<hbm>>) dst(%arg7 : memref<80x256xf32, #tpu.memory_space<vmem>>)
    %dma_wait3A_502 = arith.constant 0 : i32
    %dma_wait3A_503 = tpu.memref_slice %arg3[%dma_wait3A_502] : memref<50000xi32, #tpu.memory_space<hbm>> -> memref<80xi32, #tpu.memory_space<hbm>>
    %dma_wait3A_504 = arith.constant 0 : i32
    %dma_wait3A_505 = tpu.memref_slice %arg3[%dma_wait3A_504] : memref<50000xi32, #tpu.memory_space<hbm>> -> memref<80xi32, #tpu.memory_space<hbm>>
    tpu.wait_dma2 semaphore(%arg11 : memref<!tpu.dma_semaphore, #tpu.memory_space<semaphore_mem>>) src(%dma_wait3A_505 : memref<80xi32, #tpu.memory_space<hbm>>) dst(%arg5 : memref<80xi32, #tpu.memory_space<vmem>>)
    %dma_wait3A_506 = arith.constant 0 : i32
    %dma_wait3A_507 = arith.constant 0 : i32
    %dma_wait3A_508 = tpu.memref_slice %arg4[%dma_wait3A_506, %dma_wait3A_507] : memref<100000x256xf32, #tpu.memory_space<hbm>> -> memref<100000x256xf32, #tpu.memory_space<hbm>>
    tpu.wait_indirect_dma semaphore(%arg12 : memref<!tpu.dma_semaphore, #tpu.memory_space<semaphore_mem>>) src(%arg7 : memref<80x256xf32, #tpu.memory_space<vmem>>) dst(%dma_wait3A_508 : memref<100000x256xf32, #tpu.memory_space<hbm>>)
    %dma_start3A_509 = arith.constant 0 : i32
    %dma_start3A_510 = arith.constant 0 : i32
    %dma_start3A_511 = tpu.memref_slice %arg4[%dma_start3A_509, %dma_start3A_510] : memref<100000x256xf32, #tpu.memory_space<hbm>> -> memref<100000x256xf32, #tpu.memory_space<hbm>>
    tpu.enqueue_indirect_dma source(%arg7 : memref<80x256xf32, #tpu.memory_space<vmem>>) target(%dma_start3A_511 : memref<100000x256xf32, #tpu.memory_space<hbm>>) offsets(%arg5 : memref<80xi32, #tpu.memory_space<vmem>>) semaphore(%arg12 : memref<!tpu.dma_semaphore, #tpu.memory_space<semaphore_mem>>)
    %add3A_512 = arith.constant 15 : i32
    %add3A_513 = arith.addi %add3A_7, %add3A_512 : i32
    %mul3A_514 = arith.constant 80 : i32
    %mul3A_515 = arith.muli %add3A_513, %mul3A_514 : i32
    %dma_start3A_516 = arith.constant 0 : i32
    %dma_start3A_517 = tpu.memref_slice %arg2[%mul3A_515, %dma_start3A_516] : memref<50000x256xf32, #tpu.memory_space<hbm>> -> memref<80x256xf32, #tpu.memory_space<hbm>>
    %dma_start3A_518 = arith.constant 0 : i32
    %dma_start3A_519 = tpu.memref_slice %arg2[%mul3A_515, %dma_start3A_518] : memref<50000x256xf32, #tpu.memory_space<hbm>> -> memref<80x256xf32, #tpu.memory_space<hbm>>
    tpu.enqueue_dma source(%dma_start3A_519 : memref<80x256xf32, #tpu.memory_space<hbm>>) target(%arg8 : memref<80x256xf32, #tpu.memory_space<vmem>>) target_semaphore(%arg10 : memref<!tpu.dma_semaphore, #tpu.memory_space<semaphore_mem>>)
    %mul3A_520 = arith.constant 80 : i32
    %mul3A_521 = arith.muli %add3A_513, %mul3A_520 : i32
    %dma_start3A_522 = tpu.memref_slice %arg3[%mul3A_521] : memref<50000xi32, #tpu.memory_space<hbm>> -> memref<80xi32, #tpu.memory_space<hbm>>
    %dma_start3A_523 = tpu.memref_slice %arg3[%mul3A_521] : memref<50000xi32, #tpu.memory_space<hbm>> -> memref<80xi32, #tpu.memory_space<hbm>>
    tpu.enqueue_dma source(%dma_start3A_523 : memref<80xi32, #tpu.memory_space<hbm>>) target(%arg6 : memref<80xi32, #tpu.memory_space<vmem>>) target_semaphore(%arg11 : memref<!tpu.dma_semaphore, #tpu.memory_space<semaphore_mem>>)
    %dma_wait3A_524 = arith.constant 0 : i32
    %dma_wait3A_525 = arith.constant 0 : i32
    %dma_wait3A_526 = tpu.memref_slice %arg2[%dma_wait3A_524, %dma_wait3A_525] : memref<50000x256xf32, #tpu.memory_space<hbm>> -> memref<80x256xf32, #tpu.memory_space<hbm>>
    %dma_wait3A_527 = arith.constant 0 : i32
    %dma_wait3A_528 = arith.constant 0 : i32
    %dma_wait3A_529 = tpu.memref_slice %arg2[%dma_wait3A_527, %dma_wait3A_528] : memref<50000x256xf32, #tpu.memory_space<hbm>> -> memref<80x256xf32, #tpu.memory_space<hbm>>
    tpu.wait_dma2 semaphore(%arg10 : memref<!tpu.dma_semaphore, #tpu.memory_space<semaphore_mem>>) src(%dma_wait3A_529 : memref<80x256xf32, #tpu.memory_space<hbm>>) dst(%arg7 : memref<80x256xf32, #tpu.memory_space<vmem>>)
    %dma_wait3A_530 = arith.constant 0 : i32
    %dma_wait3A_531 = tpu.memref_slice %arg3[%dma_wait3A_530] : memref<50000xi32, #tpu.memory_space<hbm>> -> memref<80xi32, #tpu.memory_space<hbm>>
    %dma_wait3A_532 = arith.constant 0 : i32
    %dma_wait3A_533 = tpu.memref_slice %arg3[%dma_wait3A_532] : memref<50000xi32, #tpu.memory_space<hbm>> -> memref<80xi32, #tpu.memory_space<hbm>>
    tpu.wait_dma2 semaphore(%arg11 : memref<!tpu.dma_semaphore, #tpu.memory_space<semaphore_mem>>) src(%dma_wait3A_533 : memref<80xi32, #tpu.memory_space<hbm>>) dst(%arg5 : memref<80xi32, #tpu.memory_space<vmem>>)
    %dma_wait3A_534 = arith.constant 0 : i32
    %dma_wait3A_535 = arith.constant 0 : i32
    %dma_wait3A_536 = tpu.memref_slice %arg4[%dma_wait3A_534, %dma_wait3A_535] : memref<100000x256xf32, #tpu.memory_space<hbm>> -> memref<100000x256xf32, #tpu.memory_space<hbm>>
    tpu.wait_indirect_dma semaphore(%arg12 : memref<!tpu.dma_semaphore, #tpu.memory_space<semaphore_mem>>) src(%arg7 : memref<80x256xf32, #tpu.memory_space<vmem>>) dst(%dma_wait3A_536 : memref<100000x256xf32, #tpu.memory_space<hbm>>)
    %dma_start3A_537 = arith.constant 0 : i32
    %dma_start3A_538 = arith.constant 0 : i32
    %dma_start3A_539 = tpu.memref_slice %arg4[%dma_start3A_537, %dma_start3A_538] : memref<100000x256xf32, #tpu.memory_space<hbm>> -> memref<100000x256xf32, #tpu.memory_space<hbm>>
    tpu.enqueue_indirect_dma source(%arg8 : memref<80x256xf32, #tpu.memory_space<vmem>>) target(%dma_start3A_539 : memref<100000x256xf32, #tpu.memory_space<hbm>>) offsets(%arg6 : memref<80xi32, #tpu.memory_space<vmem>>) semaphore(%arg12 : memref<!tpu.dma_semaphore, #tpu.memory_space<semaphore_mem>>)
    %add3A_540 = arith.constant 16 : i32
    %add3A_541 = arith.addi %add3A_7, %add3A_540 : i32
    %mul3A_542 = arith.constant 80 : i32
    %mul3A_543 = arith.muli %add3A_541, %mul3A_542 : i32
    %dma_start3A_544 = arith.constant 0 : i32
    %dma_start3A_545 = tpu.memref_slice %arg2[%mul3A_543, %dma_start3A_544] : memref<50000x256xf32, #tpu.memory_space<hbm>> -> memref<80x256xf32, #tpu.memory_space<hbm>>
    %dma_start3A_546 = arith.constant 0 : i32
    %dma_start3A_547 = tpu.memref_slice %arg2[%mul3A_543, %dma_start3A_546] : memref<50000x256xf32, #tpu.memory_space<hbm>> -> memref<80x256xf32, #tpu.memory_space<hbm>>
    tpu.enqueue_dma source(%dma_start3A_547 : memref<80x256xf32, #tpu.memory_space<hbm>>) target(%arg7 : memref<80x256xf32, #tpu.memory_space<vmem>>) target_semaphore(%arg10 : memref<!tpu.dma_semaphore, #tpu.memory_space<semaphore_mem>>)
    %mul3A_548 = arith.constant 80 : i32
    %mul3A_549 = arith.muli %add3A_541, %mul3A_548 : i32
    %dma_start3A_550 = tpu.memref_slice %arg3[%mul3A_549] : memref<50000xi32, #tpu.memory_space<hbm>> -> memref<80xi32, #tpu.memory_space<hbm>>
    %dma_start3A_551 = tpu.memref_slice %arg3[%mul3A_549] : memref<50000xi32, #tpu.memory_space<hbm>> -> memref<80xi32, #tpu.memory_space<hbm>>
    tpu.enqueue_dma source(%dma_start3A_551 : memref<80xi32, #tpu.memory_space<hbm>>) target(%arg5 : memref<80xi32, #tpu.memory_space<vmem>>) target_semaphore(%arg11 : memref<!tpu.dma_semaphore, #tpu.memory_space<semaphore_mem>>)
    %dma_wait3A_552 = arith.constant 0 : i32
    %dma_wait3A_553 = arith.constant 0 : i32
    %dma_wait3A_554 = tpu.memref_slice %arg2[%dma_wait3A_552, %dma_wait3A_553] : memref<50000x256xf32, #tpu.memory_space<hbm>> -> memref<80x256xf32, #tpu.memory_space<hbm>>
    %dma_wait3A_555 = arith.constant 0 : i32
    %dma_wait3A_556 = arith.constant 0 : i32
    %dma_wait3A_557 = tpu.memref_slice %arg2[%dma_wait3A_555, %dma_wait3A_556] : memref<50000x256xf32, #tpu.memory_space<hbm>> -> memref<80x256xf32, #tpu.memory_space<hbm>>
    tpu.wait_dma2 semaphore(%arg10 : memref<!tpu.dma_semaphore, #tpu.memory_space<semaphore_mem>>) src(%dma_wait3A_557 : memref<80x256xf32, #tpu.memory_space<hbm>>) dst(%arg7 : memref<80x256xf32, #tpu.memory_space<vmem>>)
    %dma_wait3A_558 = arith.constant 0 : i32
    %dma_wait3A_559 = tpu.memref_slice %arg3[%dma_wait3A_558] : memref<50000xi32, #tpu.memory_space<hbm>> -> memref<80xi32, #tpu.memory_space<hbm>>
    %dma_wait3A_560 = arith.constant 0 : i32
    %dma_wait3A_561 = tpu.memref_slice %arg3[%dma_wait3A_560] : memref<50000xi32, #tpu.memory_space<hbm>> -> memref<80xi32, #tpu.memory_space<hbm>>
    tpu.wait_dma2 semaphore(%arg11 : memref<!tpu.dma_semaphore, #tpu.memory_space<semaphore_mem>>) src(%dma_wait3A_561 : memref<80xi32, #tpu.memory_space<hbm>>) dst(%arg5 : memref<80xi32, #tpu.memory_space<vmem>>)
    %dma_wait3A_562 = arith.constant 0 : i32
    %dma_wait3A_563 = arith.constant 0 : i32
    %dma_wait3A_564 = tpu.memref_slice %arg4[%dma_wait3A_562, %dma_wait3A_563] : memref<100000x256xf32, #tpu.memory_space<hbm>> -> memref<100000x256xf32, #tpu.memory_space<hbm>>
    tpu.wait_indirect_dma semaphore(%arg12 : memref<!tpu.dma_semaphore, #tpu.memory_space<semaphore_mem>>) src(%arg7 : memref<80x256xf32, #tpu.memory_space<vmem>>) dst(%dma_wait3A_564 : memref<100000x256xf32, #tpu.memory_space<hbm>>)
    %dma_start3A_565 = arith.constant 0 : i32
    %dma_start3A_566 = arith.constant 0 : i32
    %dma_start3A_567 = tpu.memref_slice %arg4[%dma_start3A_565, %dma_start3A_566] : memref<100000x256xf32, #tpu.memory_space<hbm>> -> memref<100000x256xf32, #tpu.memory_space<hbm>>
    tpu.enqueue_indirect_dma source(%arg7 : memref<80x256xf32, #tpu.memory_space<vmem>>) target(%dma_start3A_567 : memref<100000x256xf32, #tpu.memory_space<hbm>>) offsets(%arg5 : memref<80xi32, #tpu.memory_space<vmem>>) semaphore(%arg12 : memref<!tpu.dma_semaphore, #tpu.memory_space<semaphore_mem>>)
    %add3A_568 = arith.constant 17 : i32
    %add3A_569 = arith.addi %add3A_7, %add3A_568 : i32
    %mul3A_570 = arith.constant 80 : i32
    %mul3A_571 = arith.muli %add3A_569, %mul3A_570 : i32
    %dma_start3A_572 = arith.constant 0 : i32
    %dma_start3A_573 = tpu.memref_slice %arg2[%mul3A_571, %dma_start3A_572] : memref<50000x256xf32, #tpu.memory_space<hbm>> -> memref<80x256xf32, #tpu.memory_space<hbm>>
    %dma_start3A_574 = arith.constant 0 : i32
    %dma_start3A_575 = tpu.memref_slice %arg2[%mul3A_571, %dma_start3A_574] : memref<50000x256xf32, #tpu.memory_space<hbm>> -> memref<80x256xf32, #tpu.memory_space<hbm>>
    tpu.enqueue_dma source(%dma_start3A_575 : memref<80x256xf32, #tpu.memory_space<hbm>>) target(%arg8 : memref<80x256xf32, #tpu.memory_space<vmem>>) target_semaphore(%arg10 : memref<!tpu.dma_semaphore, #tpu.memory_space<semaphore_mem>>)
    %mul3A_576 = arith.constant 80 : i32
    %mul3A_577 = arith.muli %add3A_569, %mul3A_576 : i32
    %dma_start3A_578 = tpu.memref_slice %arg3[%mul3A_577] : memref<50000xi32, #tpu.memory_space<hbm>> -> memref<80xi32, #tpu.memory_space<hbm>>
    %dma_start3A_579 = tpu.memref_slice %arg3[%mul3A_577] : memref<50000xi32, #tpu.memory_space<hbm>> -> memref<80xi32, #tpu.memory_space<hbm>>
    tpu.enqueue_dma source(%dma_start3A_579 : memref<80xi32, #tpu.memory_space<hbm>>) target(%arg6 : memref<80xi32, #tpu.memory_space<vmem>>) target_semaphore(%arg11 : memref<!tpu.dma_semaphore, #tpu.memory_space<semaphore_mem>>)
    %dma_wait3A_580 = arith.constant 0 : i32
    %dma_wait3A_581 = arith.constant 0 : i32
    %dma_wait3A_582 = tpu.memref_slice %arg2[%dma_wait3A_580, %dma_wait3A_581] : memref<50000x256xf32, #tpu.memory_space<hbm>> -> memref<80x256xf32, #tpu.memory_space<hbm>>
    %dma_wait3A_583 = arith.constant 0 : i32
    %dma_wait3A_584 = arith.constant 0 : i32
    %dma_wait3A_585 = tpu.memref_slice %arg2[%dma_wait3A_583, %dma_wait3A_584] : memref<50000x256xf32, #tpu.memory_space<hbm>> -> memref<80x256xf32, #tpu.memory_space<hbm>>
    tpu.wait_dma2 semaphore(%arg10 : memref<!tpu.dma_semaphore, #tpu.memory_space<semaphore_mem>>) src(%dma_wait3A_585 : memref<80x256xf32, #tpu.memory_space<hbm>>) dst(%arg7 : memref<80x256xf32, #tpu.memory_space<vmem>>)
    %dma_wait3A_586 = arith.constant 0 : i32
    %dma_wait3A_587 = tpu.memref_slice %arg3[%dma_wait3A_586] : memref<50000xi32, #tpu.memory_space<hbm>> -> memref<80xi32, #tpu.memory_space<hbm>>
    %dma_wait3A_588 = arith.constant 0 : i32
    %dma_wait3A_589 = tpu.memref_slice %arg3[%dma_wait3A_588] : memref<50000xi32, #tpu.memory_space<hbm>> -> memref<80xi32, #tpu.memory_space<hbm>>
    tpu.wait_dma2 semaphore(%arg11 : memref<!tpu.dma_semaphore, #tpu.memory_space<semaphore_mem>>) src(%dma_wait3A_589 : memref<80xi32, #tpu.memory_space<hbm>>) dst(%arg5 : memref<80xi32, #tpu.memory_space<vmem>>)
    %dma_wait3A_590 = arith.constant 0 : i32
    %dma_wait3A_591 = arith.constant 0 : i32
    %dma_wait3A_592 = tpu.memref_slice %arg4[%dma_wait3A_590, %dma_wait3A_591] : memref<100000x256xf32, #tpu.memory_space<hbm>> -> memref<100000x256xf32, #tpu.memory_space<hbm>>
    tpu.wait_indirect_dma semaphore(%arg12 : memref<!tpu.dma_semaphore, #tpu.memory_space<semaphore_mem>>) src(%arg7 : memref<80x256xf32, #tpu.memory_space<vmem>>) dst(%dma_wait3A_592 : memref<100000x256xf32, #tpu.memory_space<hbm>>)
    %dma_start3A_593 = arith.constant 0 : i32
    %dma_start3A_594 = arith.constant 0 : i32
    %dma_start3A_595 = tpu.memref_slice %arg4[%dma_start3A_593, %dma_start3A_594] : memref<100000x256xf32, #tpu.memory_space<hbm>> -> memref<100000x256xf32, #tpu.memory_space<hbm>>
    tpu.enqueue_indirect_dma source(%arg8 : memref<80x256xf32, #tpu.memory_space<vmem>>) target(%dma_start3A_595 : memref<100000x256xf32, #tpu.memory_space<hbm>>) offsets(%arg6 : memref<80xi32, #tpu.memory_space<vmem>>) semaphore(%arg12 : memref<!tpu.dma_semaphore, #tpu.memory_space<semaphore_mem>>)
    %add3A_596 = arith.constant 18 : i32
    %add3A_597 = arith.addi %add3A_7, %add3A_596 : i32
    %mul3A_598 = arith.constant 80 : i32
    %mul3A_599 = arith.muli %add3A_597, %mul3A_598 : i32
    %dma_start3A_600 = arith.constant 0 : i32
    %dma_start3A_601 = tpu.memref_slice %arg2[%mul3A_599, %dma_start3A_600] : memref<50000x256xf32, #tpu.memory_space<hbm>> -> memref<80x256xf32, #tpu.memory_space<hbm>>
    %dma_start3A_602 = arith.constant 0 : i32
    %dma_start3A_603 = tpu.memref_slice %arg2[%mul3A_599, %dma_start3A_602] : memref<50000x256xf32, #tpu.memory_space<hbm>> -> memref<80x256xf32, #tpu.memory_space<hbm>>
    tpu.enqueue_dma source(%dma_start3A_603 : memref<80x256xf32, #tpu.memory_space<hbm>>) target(%arg7 : memref<80x256xf32, #tpu.memory_space<vmem>>) target_semaphore(%arg10 : memref<!tpu.dma_semaphore, #tpu.memory_space<semaphore_mem>>)
    %mul3A_604 = arith.constant 80 : i32
    %mul3A_605 = arith.muli %add3A_597, %mul3A_604 : i32
    %dma_start3A_606 = tpu.memref_slice %arg3[%mul3A_605] : memref<50000xi32, #tpu.memory_space<hbm>> -> memref<80xi32, #tpu.memory_space<hbm>>
    %dma_start3A_607 = tpu.memref_slice %arg3[%mul3A_605] : memref<50000xi32, #tpu.memory_space<hbm>> -> memref<80xi32, #tpu.memory_space<hbm>>
    tpu.enqueue_dma source(%dma_start3A_607 : memref<80xi32, #tpu.memory_space<hbm>>) target(%arg5 : memref<80xi32, #tpu.memory_space<vmem>>) target_semaphore(%arg11 : memref<!tpu.dma_semaphore, #tpu.memory_space<semaphore_mem>>)
    %dma_wait3A_608 = arith.constant 0 : i32
    %dma_wait3A_609 = arith.constant 0 : i32
    %dma_wait3A_610 = tpu.memref_slice %arg2[%dma_wait3A_608, %dma_wait3A_609] : memref<50000x256xf32, #tpu.memory_space<hbm>> -> memref<80x256xf32, #tpu.memory_space<hbm>>
    %dma_wait3A_611 = arith.constant 0 : i32
    %dma_wait3A_612 = arith.constant 0 : i32
    %dma_wait3A_613 = tpu.memref_slice %arg2[%dma_wait3A_611, %dma_wait3A_612] : memref<50000x256xf32, #tpu.memory_space<hbm>> -> memref<80x256xf32, #tpu.memory_space<hbm>>
    tpu.wait_dma2 semaphore(%arg10 : memref<!tpu.dma_semaphore, #tpu.memory_space<semaphore_mem>>) src(%dma_wait3A_613 : memref<80x256xf32, #tpu.memory_space<hbm>>) dst(%arg7 : memref<80x256xf32, #tpu.memory_space<vmem>>)
    %dma_wait3A_614 = arith.constant 0 : i32
    %dma_wait3A_615 = tpu.memref_slice %arg3[%dma_wait3A_614] : memref<50000xi32, #tpu.memory_space<hbm>> -> memref<80xi32, #tpu.memory_space<hbm>>
    %dma_wait3A_616 = arith.constant 0 : i32
    %dma_wait3A_617 = tpu.memref_slice %arg3[%dma_wait3A_616] : memref<50000xi32, #tpu.memory_space<hbm>> -> memref<80xi32, #tpu.memory_space<hbm>>
    tpu.wait_dma2 semaphore(%arg11 : memref<!tpu.dma_semaphore, #tpu.memory_space<semaphore_mem>>) src(%dma_wait3A_617 : memref<80xi32, #tpu.memory_space<hbm>>) dst(%arg5 : memref<80xi32, #tpu.memory_space<vmem>>)
    %dma_wait3A_618 = arith.constant 0 : i32
    %dma_wait3A_619 = arith.constant 0 : i32
    %dma_wait3A_620 = tpu.memref_slice %arg4[%dma_wait3A_618, %dma_wait3A_619] : memref<100000x256xf32, #tpu.memory_space<hbm>> -> memref<100000x256xf32, #tpu.memory_space<hbm>>
    tpu.wait_indirect_dma semaphore(%arg12 : memref<!tpu.dma_semaphore, #tpu.memory_space<semaphore_mem>>) src(%arg7 : memref<80x256xf32, #tpu.memory_space<vmem>>) dst(%dma_wait3A_620 : memref<100000x256xf32, #tpu.memory_space<hbm>>)
    %dma_start3A_621 = arith.constant 0 : i32
    %dma_start3A_622 = arith.constant 0 : i32
    %dma_start3A_623 = tpu.memref_slice %arg4[%dma_start3A_621, %dma_start3A_622] : memref<100000x256xf32, #tpu.memory_space<hbm>> -> memref<100000x256xf32, #tpu.memory_space<hbm>>
    tpu.enqueue_indirect_dma source(%arg7 : memref<80x256xf32, #tpu.memory_space<vmem>>) target(%dma_start3A_623 : memref<100000x256xf32, #tpu.memory_space<hbm>>) offsets(%arg5 : memref<80xi32, #tpu.memory_space<vmem>>) semaphore(%arg12 : memref<!tpu.dma_semaphore, #tpu.memory_space<semaphore_mem>>)
    %eq3A_624 = arith.constant 20 : i32
    %eq3A_625 = arith.cmpi eq, %add3A_3, %eq3A_624 : i32
    %convert_element_type3A_626 = arith.extui %eq3A_625 : i1 to i32
    %cond3A_627 = arith.constant 0 : i32
    %cond3A_628 = arith.cmpi ne, %convert_element_type3A_626, %cond3A_627 : i32
    scf.if %cond3A_628 {
      %add3A_646 = arith.constant 19 : i32
      %add3A_647 = arith.addi %add3A_7, %add3A_646 : i32
      %mul3A_648 = arith.constant 80 : i32
      %mul3A_649 = arith.muli %add3A_647, %mul3A_648 : i32
      %dma_start3A_650 = arith.constant 0 : i32
      %dma_start3A_651 = tpu.memref_slice %arg2[%mul3A_649, %dma_start3A_650] : memref<50000x256xf32, #tpu.memory_space<hbm>> -> memref<80x256xf32, #tpu.memory_space<hbm>>
      %dma_start3A_652 = arith.constant 0 : i32
      %dma_start3A_653 = tpu.memref_slice %arg2[%mul3A_649, %dma_start3A_652] : memref<50000x256xf32, #tpu.memory_space<hbm>> -> memref<80x256xf32, #tpu.memory_space<hbm>>
      tpu.enqueue_dma source(%dma_start3A_653 : memref<80x256xf32, #tpu.memory_space<hbm>>) target(%arg8 : memref<80x256xf32, #tpu.memory_space<vmem>>) target_semaphore(%arg10 : memref<!tpu.dma_semaphore, #tpu.memory_space<semaphore_mem>>)
      %mul3A_654 = arith.constant 80 : i32
      %mul3A_655 = arith.muli %add3A_647, %mul3A_654 : i32
      %dma_start3A_656 = tpu.memref_slice %arg3[%mul3A_655] : memref<50000xi32, #tpu.memory_space<hbm>> -> memref<80xi32, #tpu.memory_space<hbm>>
      %dma_start3A_657 = tpu.memref_slice %arg3[%mul3A_655] : memref<50000xi32, #tpu.memory_space<hbm>> -> memref<80xi32, #tpu.memory_space<hbm>>
      tpu.enqueue_dma source(%dma_start3A_657 : memref<80xi32, #tpu.memory_space<hbm>>) target(%arg6 : memref<80xi32, #tpu.memory_space<vmem>>) target_semaphore(%arg11 : memref<!tpu.dma_semaphore, #tpu.memory_space<semaphore_mem>>)
    } else {
    }
    %eq3A_629 = arith.constant 20 : i32
    %eq3A_630 = arith.cmpi eq, %add3A_3, %eq3A_629 : i32
    %convert_element_type3A_631 = arith.extui %eq3A_630 : i1 to i32
    %cond3A_632 = arith.constant 0 : i32
    %cond3A_633 = arith.cmpi ne, %convert_element_type3A_631, %cond3A_632 : i32
    scf.if %cond3A_633 {
      %dma_wait3A_646 = arith.constant 0 : i32
      %dma_wait3A_647 = arith.constant 0 : i32
      %dma_wait3A_648 = tpu.memref_slice %arg2[%dma_wait3A_646, %dma_wait3A_647] : memref<50000x256xf32, #tpu.memory_space<hbm>> -> memref<80x256xf32, #tpu.memory_space<hbm>>
      %dma_wait3A_649 = arith.constant 0 : i32
      %dma_wait3A_650 = arith.constant 0 : i32
      %dma_wait3A_651 = tpu.memref_slice %arg2[%dma_wait3A_649, %dma_wait3A_650] : memref<50000x256xf32, #tpu.memory_space<hbm>> -> memref<80x256xf32, #tpu.memory_space<hbm>>
      tpu.wait_dma2 semaphore(%arg10 : memref<!tpu.dma_semaphore, #tpu.memory_space<semaphore_mem>>) src(%dma_wait3A_651 : memref<80x256xf32, #tpu.memory_space<hbm>>) dst(%arg7 : memref<80x256xf32, #tpu.memory_space<vmem>>)
      %dma_wait3A_652 = arith.constant 0 : i32
      %dma_wait3A_653 = tpu.memref_slice %arg3[%dma_wait3A_652] : memref<50000xi32, #tpu.memory_space<hbm>> -> memref<80xi32, #tpu.memory_space<hbm>>
      %dma_wait3A_654 = arith.constant 0 : i32
      %dma_wait3A_655 = tpu.memref_slice %arg3[%dma_wait3A_654] : memref<50000xi32, #tpu.memory_space<hbm>> -> memref<80xi32, #tpu.memory_space<hbm>>
      tpu.wait_dma2 semaphore(%arg11 : memref<!tpu.dma_semaphore, #tpu.memory_space<semaphore_mem>>) src(%dma_wait3A_655 : memref<80xi32, #tpu.memory_space<hbm>>) dst(%arg5 : memref<80xi32, #tpu.memory_space<vmem>>)
      %dma_wait3A_656 = arith.constant 0 : i32
      %dma_wait3A_657 = arith.constant 0 : i32
      %dma_wait3A_658 = tpu.memref_slice %arg4[%dma_wait3A_656, %dma_wait3A_657] : memref<100000x256xf32, #tpu.memory_space<hbm>> -> memref<100000x256xf32, #tpu.memory_space<hbm>>
      tpu.wait_indirect_dma semaphore(%arg12 : memref<!tpu.dma_semaphore, #tpu.memory_space<semaphore_mem>>) src(%arg7 : memref<80x256xf32, #tpu.memory_space<vmem>>) dst(%dma_wait3A_658 : memref<100000x256xf32, #tpu.memory_space<hbm>>)
      %dma_start3A_659 = arith.constant 0 : i32
      %dma_start3A_660 = arith.constant 0 : i32
      %dma_start3A_661 = tpu.memref_slice %arg4[%dma_start3A_659, %dma_start3A_660] : memref<100000x256xf32, #tpu.memory_space<hbm>> -> memref<100000x256xf32, #tpu.memory_space<hbm>>
      tpu.enqueue_indirect_dma source(%arg8 : memref<80x256xf32, #tpu.memory_space<vmem>>) target(%dma_start3A_661 : memref<100000x256xf32, #tpu.memory_space<hbm>>) offsets(%arg6 : memref<80xi32, #tpu.memory_space<vmem>>) semaphore(%arg12 : memref<!tpu.dma_semaphore, #tpu.memory_space<semaphore_mem>>)
    } else {
    }
    %dma_wait3A_634 = arith.constant 0 : i32
    %dma_wait3A_635 = arith.constant 0 : i32
    %dma_wait3A_636 = tpu.memref_slice %arg4[%dma_wait3A_634, %dma_wait3A_635] : memref<100000x256xf32, #tpu.memory_space<hbm>> -> memref<100000x256xf32, #tpu.memory_space<hbm>>
    tpu.wait_indirect_dma semaphore(%arg12 : memref<!tpu.dma_semaphore, #tpu.memory_space<semaphore_mem>>) src(%arg7 : memref<80x256xf32, #tpu.memory_space<vmem>>) dst(%dma_wait3A_636 : memref<100000x256xf32, #tpu.memory_space<hbm>>)
    %while3A = arith.constant 0 : i32
    %while3A_637 = arith.constant 0 : i32
    %while3A_638 = arith.subi %add3A_12, %while3A_637 : i32
    %while3A_639 = arith.addi %while3A_637, %while3A_638 : i32
    %while3A_640 = arith.constant 1 : i32
    %while3A_641 = arith.divsi %while3A_638, %while3A_640 : i32
    %while3A_642 = arith.muli %while3A_641, %while3A_640 : i32
    %while3A_643 = arith.addi %while3A_637, %while3A_642 : i32
    %while3A_644 = arith.constant 1 : i32
    scf.for %while3A_646 = %while3A_637 to %while3A_643 step %while3A_644  : i32 {
      %dma_wait3A_647 = arith.constant 50000 : i32
      %dma_wait3A_648 = arith.constant 0 : i32
      %dma_wait3A_649 = tpu.memref_slice %arg4[%dma_wait3A_647, %dma_wait3A_648] : memref<100000x256xf32, #tpu.memory_space<hbm>> -> memref<200x256xf32, #tpu.memory_space<hbm>>
      %dma_wait3A_650 = arith.constant 50000 : i32
      %dma_wait3A_651 = arith.constant 0 : i32
      %dma_wait3A_652 = tpu.memref_slice %arg4[%dma_wait3A_650, %dma_wait3A_651] : memref<100000x256xf32, #tpu.memory_space<hbm>> -> memref<200x256xf32, #tpu.memory_space<hbm>>
      tpu.wait_dma2 semaphore(%arg13 : memref<!tpu.dma_semaphore, #tpu.memory_space<semaphore_mem>>) src(%arg9 : memref<200x256xf32, #tpu.memory_space<vmem>>) dst(%dma_wait3A_652 : memref<200x256xf32, #tpu.memory_space<hbm>>)
    }
    %while3A_645 = arith.constant 1 : i32
    scf.for %while3A_646 = %while3A_643 to %while3A_639 step %while3A_645  : i32 {
      %dma_wait3A_647 = arith.constant 50000 : i32
      %dma_wait3A_648 = arith.constant 0 : i32
      %dma_wait3A_649 = tpu.memref_slice %arg4[%dma_wait3A_647, %dma_wait3A_648] : memref<100000x256xf32, #tpu.memory_space<hbm>> -> memref<200x256xf32, #tpu.memory_space<hbm>>
      %dma_wait3A_650 = arith.constant 50000 : i32
      %dma_wait3A_651 = arith.constant 0 : i32
      %dma_wait3A_652 = tpu.memref_slice %arg4[%dma_wait3A_650, %dma_wait3A_651] : memref<100000x256xf32, #tpu.memory_space<hbm>> -> memref<200x256xf32, #tpu.memory_space<hbm>>
      tpu.wait_dma2 semaphore(%arg13 : memref<!tpu.dma_semaphore, #tpu.memory_space<semaphore_mem>>) src(%arg9 : memref<200x256xf32, #tpu.memory_space<vmem>>) dst(%dma_wait3A_652 : memref<200x256xf32, #tpu.memory_space<hbm>>)
    }
    return
  }
}

</mosaic_0001>

<sc_bundles>
// kernel: _unpool.3.cloned.1.call-start
scs
__scs_entry_jumppad:
0x0: {  	(pc) =	sbr.rel $0x88, $3  }
0x1: {  	(tag) =	ssettag $0x0;
	lr =	simm.s32 $0x1  }
0x2: {  	[smem:$0x3F9F] =	sst lr;
	_ =	strace $0xD0000000  }
0x3: {  	_ = 	snop  }
0x4: {  	_ = 	snop  }
0x5: {  	_ = 	snop  }
0x6: {  	_ = 	snop  }
0x7: {  	_ = 	snop  }
__scs_overlays_trampoline_lowered:
0x8: {  	[smem:$0x3FAE] =	sst s0  }
0x9: {  	[smem:$0x3FAF] =	sst s1  }
0xa: {  	[smem:$0x3FB0] =	sst s2  }
0xb: {  	[smem:$0x3FB1] =	sst s3  }
0xc: {  	[smem:$0x3FB2] =	sst s4  }
0xd: {  	[smem:$0x3FB3] =	sst s5  }
0xe: {  	[smem:$0x3FB4] =	sst s6  }
0xf: {  	[smem:$0x3FB5] =	sst s7  }
0x10: {  	[smem:$0x3FB6] =	sst s8  }
0x11: {  	[smem:$0x3FB7] =	sst s9;
	s0 =	simm.s32 @!p0 $0x0  }
0x12: {  	s1 =	sld [smem:$0x3F9D];
	s0 =	simm.s32 @p0 $0x1  }
0x13: {  	[smem:$0x3FB8] =	sst s0;
	s0 =	simm.s32 @!p1 $0x0  }
0x14: {  	s2 =	sld [smem:$0x3F9C];
	s0 =	simm.s32 @p1 $0x1  }
0x15: {  	[smem:$0x3FB9] =	sst s0;
	s0 =	simm.s32 @!p2 $0x0  }
0x16: {  	s3 =	sld [smem:$0x3FDB];
	s0 =	simm.s32 @p2 $0x1  }
0x17: {  	s4 =	simm.s32 $0x1BF5;
	[smem:$0x3FBB] =	sst s0  }
0x18: {  	s0 =	sld [smem:$0x3F9E];
	_ =	swait.ge [sflag:s4], $0x0  }
0x19: {  	s7 =	sld [smem:$0x3F9F]  }
0x1a: {  	s8 =	sadd.s32 $0xFFFFE003, lr  }
0x1b: {  	s9 =	sadd.s32 $0xFFFFFEF7, lr;
	s5 =	simm.s32 $0xFFFFFFFF;
	p2 =	slt.u32 s8, $0xFFFFF086  }
0x1c: {  	p1 =	slt.u32 s9, $0xF7A;
	s5 =	simm.s32 @!p2 $0x0  }
0x1d: {  	s5 =	simm.s32 @p1 $0x1;
	p0 =	seq.s32 s7, s2  }
0x1e: {  	s7 =	smul.u32 @!p0 $0xF7A, s2;
	p2 =	seq.s32 @!p0 s5, $0x0  }
0x1f: {  	s9 =	smul.u32 $0xF7A, s1;
	s8 =	simm.s32 @!p0 $0x1BF5;
	p2 =	por !p2, p0  }
0x20: {  	[sflag:s8] =	ssyncset.s32 @!p0 $0xFFFFF086;
	s6 =	sadd.s32 @!p0 s3, s7;
	s7 =	simm.s32 @!p0 $0x108  }
0x21: {  	s3 =	sadd.s32 s3, s9;
	s6 =	sadd.s32 @!p0 $0x88, s6;
	s7 =	simm.s32 @p2 $0x1082  }
0x22: {  	[simem:s7], [sflag:s8] =	dma.local @!p0 [hbm:s6], $0xF7A  }
0x23: {  	s9 =	sor.u32 $0xD0000000, s2;
	s6 =	simm.s32 $0x108;
	_ =	swait.ge @!p0 [sflag:s8], $0x0  }
0x24: {  	s3 =	sadd.s32 $0x88, s3;
	s6 =	simm.s32 @!p1 $0x1082;
	[sflag:s4] =	ssyncset.s32 $0xFFFFF086  }
0x25: {  	[simem:s6], [sflag:s4] =	dma.local [hbm:s3], $0xF7A  }
0x26: {  	[smem:$0x3F9F] =	sst s1;
	(tag) =	ssettag s2;
	_ =	strace s9  }
0x27: {  	s1 =	sld [smem:$0x3FAF]  }
0x28: {  	s2 =	sld [smem:$0x3FB0]  }
0x29: {  	s4 =	sld [smem:$0x3FB2]  }
0x2a: {  	p0 =	seq.s32 s5, $0x0;
	s5 =	sld [smem:$0x3FB3]  }
0x2b: {  	s6 =	sld [smem:$0x3FB4]  }
0x2c: {  	s7 =	sld [smem:$0x3FB5]  }
0x2d: {  	s3 =	simm.s32 $0x108;
	s8 =	sld [smem:$0x3FB6]  }
0x2e: {  	s3 =	simm.s32 @!p0 $0x1082;
	s9 =	sld [smem:$0x3FB7]  }
0x2f: {  	lr =	sadd.s32 s0, s3;
	s0 =	sld [smem:$0x3FAE]  }
0x30: {  	s3 =	sld [smem:$0x3FB1]  }
0x31: {  	[smem:$0x3FBA] =	sst s10  }
0x32: {  	s10 =	sld [smem:$0x3FB8];
	_ =	sdelay $0x3  }
0x33: {  	p0 =	seq.s32 s10, $0x1;
	s10 =	sld [smem:$0x3FBA];
	_ =	sdelay $0x3  }
0x34: {  	[smem:$0x3FBA] =	sst s10  }
0x35: {  	s10 =	sld [smem:$0x3FB9];
	_ =	sdelay $0x3  }
0x36: {  	p1 =	seq.s32 s10, $0x1;
	s10 =	sld [smem:$0x3FBA];
	_ =	sdelay $0x3  }
0x37: {  	[smem:$0x3FBA] =	sst s10  }
0x38: {  	s10 =	sld [smem:$0x3FBB]  }
0x39: {  	_ = 	snop;
	(pc) =	sbr.ind lr, $3  }
0x3a: {  	_ = 	snop  }
0x3b: {  	_ = 	snop  }
0x3c: {  	p2 =	seq.s32 s10, $0x1;
	s10 =	sld [smem:$0x3FBA]  }
0x3d: {  	_ =	shalt  }
0x3e: {  	_ =	shalt  }
0x3f: {  	_ =	shalt  }
0x40: {  	_ =	shalt  }
0x41: {  	_ =	shalt  }
0x42: {  	_ =	shalt  }
0x43: {  	_ =	shalt  }
0x44: {  	_ =	shalt  }
0x45: {  	_ =	shalt  }
0x46: {  	_ =	shalt  }
0x47: {  	_ =	shalt  }
0x48: {  	_ =	shalt  }
0x49: {  	_ =	shalt  }
0x4a: {  	_ =	shalt  }
0x4b: {  	_ =	shalt  }
0x4c: {  	_ =	shalt  }
0x4d: {  	_ =	shalt  }
0x4e: {  	_ =	shalt  }
0x4f: {  	_ =	shalt  }
0x50: {  	_ =	shalt  }
0x51: {  	_ =	shalt  }
0x52: {  	_ =	shalt  }
0x53: {  	_ =	shalt  }
0x54: {  	_ =	shalt  }
0x55: {  	_ =	shalt  }
0x56: {  	_ =	shalt  }
0x57: {  	_ =	shalt  }
0x58: {  	_ =	shalt  }
0x59: {  	_ =	shalt  }
0x5a: {  	_ =	shalt  }
0x5b: {  	_ =	shalt  }
0x5c: {  	_ =	shalt  }
0x5d: {  	_ =	shalt  }
0x5e: {  	_ =	shalt  }
0x5f: {  	_ =	shalt  }
0x60: {  	_ =	shalt  }
0x61: {  	_ =	shalt  }
0x62: {  	_ =	shalt  }
0x63: {  	_ =	shalt  }
0x64: {  	_ =	shalt  }
0x65: {  	_ =	shalt  }
0x66: {  	_ =	shalt  }
0x67: {  	_ =	shalt  }
0x68: {  	_ =	shalt  }
0x69: {  	_ =	shalt  }
0x6a: {  	_ =	shalt  }
0x6b: {  	_ =	shalt  }
0x6c: {  	_ =	shalt  }
0x6d: {  	_ =	shalt  }
0x6e: {  	_ =	shalt  }
0x6f: {  	_ =	shalt  }
0x70: {  	_ =	shalt  }
0x71: {  	_ =	shalt  }
0x72: {  	_ =	shalt  }
0x73: {  	_ =	shalt  }
0x74: {  	_ =	shalt  }
0x75: {  	_ =	shalt  }
0x76: {  	_ =	shalt  }
0x77: {  	_ =	shalt  }
0x78: {  	_ =	shalt  }
0x79: {  	_ =	shalt  }
0x7a: {  	_ =	shalt  }
0x7b: {  	_ =	shalt  }
0x7c: {  	_ =	shalt  }
0x7d: {  	_ =	shalt  }
0x7e: {  	_ =	shalt  }
0x7f: {  	_ =	shalt  }
0x80: {  	_ =	shalt  }
0x81: {  	_ =	shalt  }
0x82: {  	_ =	shalt  }
0x83: {  	_ =	shalt  }
0x84: {  	_ =	shalt  }
0x85: {  	_ =	shalt  }
0x86: {  	_ =	shalt  }
0x87: {  	_ =	shalt  }
.Lfunc_end0:
.L_simem_size_0:
called_computation_lowered:
.L_overlay_start_0:
0x88: {  	s2 =	sld [smem:$0x3FD9]  }
0x89: {  	s3 =	sld [smem:$0x3FFE];
	_ =	sdelay $0x1  }
0x8a: {  	s1 =	srdreg.scid  }
0x8b: {  	s0 =	sand.u32 $0x1, s1  }
0x8c: {  	s18 =	sshll.u32 s0, $0xA;
	s2 =	sadd.s32 s3, s2  }
0x8d: {  	s2 =	sadd.s32 s2, s18  }
0x8e: {  	[smem:$0x3FC6] =	sst s2  }
0x8f: {  	_ = 	snop  }
0x90: {  	s2 =	sld [smem:$0x3FC9]  }
0x91: {  	s19 =	sld [smem:$0x3FC8]  }
0x92: {  	s4 =	sld [smem:$0x3FD0];
	(tm) =	ssettm $0x1  }
0x93: {  	s5 =	sld [smem:$0x3FFB];
	_ =	sdelay $0x3  }
0x94: {  	_ =	strace s5  }
0x95: {  	s5 =	sld [smem:$0x3FFC];
	_ =	sdelay $0x3  }
0x96: {  	_ =	strace s5  }
0x97: {  	s5 =	sld [smem:$0x3FFD];
	_ =	sdelay $0x3  }
0x98: {  	_ =	strace s5  }
0x99: {  	_ =	strace $0x8FFFFFFF  }
0x9a: {  	s20 =	sld [smem:$0x3FDB];
	_ =	sdelay $0x1  }
0x9b: {  	s6 =	simm.s32 $_scs_section_size  }
0x9c: {  	s7 =	simm.s32 $_size__tile_overlayer_lowered;
	s8 =	simm.s32 $_tile_overlayer_lowered  }
0x9d: {  	s23 =	simm.s32 $0x1BFF;
	s22 =	sshll.u32 s8, $0x1;
	s5 =	sadd.s32 s6, s20  }
0x9e: {  	s9 =	simm.s32 $0x0;
	s21 =	sshll.u32 s7, $0x1;
	s7 =	sadd.s32 s22, s5  }
0x9f: {  	[timem:s9], [sflag:s23] =	dma.local [hbm:s7], s21  }
0xa0: {  	_ =	swait.ge [sflag:s23], s21  }
0xa1: {  	s6 =	ssub.s32 $0x0, s21;
	[sflag:s23] =	ssyncset.done $0x0  }
0xa2: {  	[sflag:s23] =	ssyncadd.s32 s6;
	_ =	sdelay $0x1  }
0xa3: {  	s24 =	simm.s32 $0x1B8B  }
0xa4: {  	_ =	swait.ge [sflag:s24], $0x1  }
0xa5: {  	[sflag:s24] =	ssyncset.done $0x0  }
0xa6: {  	s25 =	simm.s32 $0x1B8E;
	[sflag:s24] =	ssyncadd.s32 $0xFFFFFFFF  }
0xa7: {  	s26 =	simm.s32 $execute0_lowered;
	[smem:$0x3FD2] =	sst s25  }
0xa8: {  	s6 =	sshll.u32 s26, $0x1;
	_ =	strace $0x80000046;
	[dreg:$0x1] =	wrdreg $0xFFFFFFFF  }
0xa9: {  	s28 =	simm.s32 $_size_execute0_lowered;
	s5 =	sadd.s32 s5, s6;
	[dreg:$0x0] =	wrdreg $0x0  }
0xaa: {  	s6 =	sshll.u32 s28, $0x1;
	[dreg:$0x2] =	wrdreg s5  }
0xab: {  	[dreg:$0x3] =	wrdreg s6  }
0xac: {  	[dreg:$0x4] =	wrdreg $0xC0  }
0xad: {  	_ =	task [dreg:s9], $0x5FFFF  }
0xae: {  	[dreg:$0x1] =	wrdreg $0xFFFFFFFF  }
0xaf: {  	[dreg:$0x0] =	wrdreg $0x60  }
0xb0: {  	[dreg:$0x2] =	wrdreg s2  }
0xb1: {  	[dreg:$0x3] =	wrdreg s19  }
0xb2: {  	[dreg:$0x4] =	wrdreg s4  }
0xb3: {  	[dreg:$0x5] =	wrdreg $0x9  }
0xb4: {  	_ =	task.clear_ibuf [dreg:s9], $0x6FFFF;
	_ =	strace $0x90000046  }
0xb5: {  	s29 =	simm.s32 $0x9;
	_ =	strace $0x80000048  }
0xb6: {  	_ =	swait.ge [sflag:s29], $0x1  }
0xb7: {  	[sflag:s29] =	ssyncadd.s32 $0xFFFFFFFF  }
0xb8: {  	_ =	strace $0x90000048  }
0xb9: {  	_ =	sfence  }
0xba: {  	s30 =	sld [smem:$0x0];
	_ =	sdelay $0x2  }
0xbb: {  	s31 =	sshll.u32 s1, $0xD;
	s1 =	sshrl.u32 s1, $0x2  }
0xbc: {  	s3 =	sand.u32 $0x4000, s31;
	s1 =	sadd.s32 s1, s30  }
0xbd: {  	s0 =	sor.u32 s3, s0;
	s1 =	sshll.u32 s1, $0x11  }
0xbe: {  	s0 =	sor.u32 s1, s0  }
0xbf: {  	s0 =	sadd.s32 $0x8F2B, s0  }
0xc0: {  	[sflag:s0] =	ssyncadd.remote.s32 $0x1  }
0xc1: {  	_ =	sfence.sel $0xFFFF  }
0xc2: {  	[dreg:$0x0] =	wrdreg $0xFFFFFFFF;
	(pc) =	sbr.abs _section_cstart, $3  }
0xc3: {  	[dreg:$0x1] =	wrdreg $0xFFFFFFFF  }
0xc4: {  	_ =	task.clear_ibuf [dreg:s9], $0x2FFFF;
	_ =	strace $0x9FFFFFFF  }
0xc5: {  	(tm) =	ssettm $0x7FFFFFFF  }
tec
execute0_lowered:
.L_overlay_start_1:
0x0: {  	(tag) =	ssettag $0x1  }
0x1: {  	s0 =	srdreg.scid;
	s29 =	stileid.u32;
	s30 =	simm.s32 $0x1100  }
0x2: {  	s31 =	simm.s32 $0x1900;
	s1 =	sand.u32 $0x1, s0;
	s12 =	sshll.u32 s29, $0x1  }
0x3: {  	p1 =	slt.u32 s29, $0xD;
	s0 =	sor.u32 s1, s12;
	s13 =	ssub.s32 $0x2, s1  }
0x4: {  	s1 =	simm.s32 $0x0;
	s2 =	smul.u32 $0x13, s0;
	s3 =	smin.u32 s0, $0x11  }
0x5: {  	s4 =	smul.u32 $0x7, s0;
	s7 =	sshrl.u32 s13, $0x1;
	s14 =	smin.u32 s0, $0x1A  }
0x6: {  	p0 =	sgt.u32 s0, $0x10;
	s0 =	simm.s32 $0x8;
	s5 =	sadd.s32 s3, s2  }
0x7: {  	[smem:$0x7FF] =	sst s1;
	s0 =	simm.s32 @!p1 $0x7;
	s6 =	smul.u32 $0xA00, s5  }
0x8: {  	p1 =	sgt.u32 s29, $0xC;
	s29 =	simm.s32 $0x900;
	s8 =	smul.u32 $0x50, s5  }
0x9: {  	s3 =	rddreg [dreg:$0x0];
	s2 =	ssub.s32 s13, s7;
	s7 =	sadd.s32 s14, s4  }
0xa: {  	s10 =	smul.u32 $0xC800, s7;
	s15 =	sadd.s32 s3, s6;
	s4 =	sadd.s32 $0x50, s8  }
0xb: {  	s6 =	smul.u32 $0xA, s5;
	s5 =	sadd.s32 $0xA0, s8;
	s13 =	sadd.s32 $0x190, s8  }
0xc: {  	s10 =	sshrl.u32 s10, $0x3;
	[dreg:$0x4] =	wrdreg s15;
	s9 =	sshll.u32 s4, $0x5  }
0xd: {  	s17 =	sshll.u32 s5, $0x5;
	s19 =	sshll.u32 s13, $0x5;
	s16 =	sadd.s32 s3, s9  }
0xe: {  	s7 =	sadd.s32 s3, s17;
	s9 =	sadd.s32 $0xF0, s8;
	[dreg:$0x5] =	wrdreg s16  }
0xf: {  	s4 =	sshrl.u32 s4, $0x3;
	[dreg:$0x6] =	wrdreg s7;
	s11 =	sshll.u32 s9, $0x5  }
0x10: {  	s7 =	sadd.s32 $0x140, s8;
	s16 =	sadd.s32 $0x280, s8;
	s11 =	sadd.s32 s3, s11  }
0x11: {  	s12 =	sshll.u32 s7, $0x5;
	s21 =	sshll.u32 s16, $0x5;
	[dreg:$0x7] =	wrdreg s11  }
0x12: {  	s18 =	sadd.s32 s3, s12;
	s11 =	sadd.s32 s3, s19;
	s12 =	sadd.s32 $0x230, s8  }
0x13: {  	s19 =	sadd.s32 $0x370, s8;
	[dreg:$0x9] =	wrdreg s11;
	s11 =	sadd.s32 $0x1E0, s8  }
0x14: {  	[dreg:$0x8] =	wrdreg s18;
	s15 =	sshll.u32 s12, $0x5;
	s14 =	sshll.u32 s11, $0x5  }
0x15: {  	s23 =	sshll.u32 s19, $0x5;
	s20 =	sadd.s32 s3, s15;
	s14 =	sadd.s32 s3, s14  }
0x16: {  	s15 =	sadd.s32 $0x320, s8;
	[dreg:$0xa] =	wrdreg s14;
	s14 =	sadd.s32 s3, s21  }
0x17: {  	s18 =	sshll.u32 s15, $0x5;
	[dreg:$0xc] =	wrdreg s14;
	s14 =	sadd.s32 $0x2D0, s8  }
0x18: {  	[dreg:$0xb] =	wrdreg s20;
	s22 =	sadd.s32 s3, s18;
	s17 =	sshll.u32 s14, $0x5  }
0x19: {  	s18 =	sadd.s32 $0x410, s8;
	[dreg:$0xe] =	wrdreg s22;
	s17 =	sadd.s32 s3, s17  }
0x1a: {  	s21 =	sshll.u32 s18, $0x5;
	[dreg:$0xd] =	wrdreg s17;
	s17 =	sadd.s32 s3, s23  }
0x1b: {  	s22 =	sadd.s32 $0x460, s8;
	[dreg:$0xf] =	wrdreg s17;
	s17 =	sadd.s32 $0x3C0, s8  }
0x1c: {  	s24 =	sadd.s32 s3, s21;
	s25 =	sshll.u32 s22, $0x5;
	s20 =	sshll.u32 s17, $0x5  }
0x1d: {  	[dreg:$0x11] =	wrdreg s24;
	s23 =	sadd.s32 $0x500, s8;
	s20 =	sadd.s32 s3, s20  }
0x1e: {  	s24 =	sshll.u32 s23, $0x5;
	[dreg:$0x10] =	wrdreg s20;
	s20 =	sadd.s32 s3, s25  }
0x1f: {  	s24 =	sadd.s32 s3, s24;
	[dreg:$0x12] =	wrdreg s20;
	s20 =	sadd.s32 $0x4B0, s8  }
0x20: {  	[dreg:$0x14] =	wrdreg s24;
	s25 =	sadd.s32 $0x550, s8;
	s26 =	sshll.u32 s20, $0x5  }
0x21: {  	s24 =	rddreg [dreg:$0x1];
	s21 =	sadd.s32 s3, s26;
	s26 =	sshll.u32 s25, $0x5  }
0x22: {  	[dreg:$0x13] =	wrdreg s21;
	s21 =	sadd.s32 s3, s26;
	s26 =	sadd.s32 $0x5A0, s8  }
0x23: {  	s15 =	sshrl.u32 s15, $0x3;
	s6 =	sadd.s32 s24, s6;
	s28 =	sshll.u32 s26, $0x5  }
0x24: {  	s8 =	sadd.s32 $0x5F0, s8;
	[dreg:$0x15] =	wrdreg s21;
	s28 =	sadd.s32 s3, s28  }
0x25: {  	s4 =	sadd.s32 s24, s4;
	[dreg:$0x16] =	wrdreg s28;
	s28 =	sshll.u32 s8, $0x5  }
0x26: {  	s21 =	rddreg [dreg:$0x2];
	s3 =	sadd.s32 s3, s28;
	s28 =	simm.s32 $0x2  }
0x27: {  	[dreg:$0x17] =	wrdreg s3;
	s3 =	sadd.s32 s21, s10;
	s10 =	sshrl.u32 s9, $0x3  }
0x28: {  	s9 =	sshrl.u32 s11, $0x3;
	s11 =	sshrl.u32 s12, $0x3;
	s12 =	sshrl.u32 s16, $0x3  }
0x29: {  	s16 =	sshrl.u32 s19, $0x3;
	_ =	strace $0x80000047;
	[dreg:$0x18] =	wrdreg s6  }
0x2a: {  	s19 =	sshrl.u32 s17, $0x3;
	[dreg:$0x19] =	wrdreg s4;
	s6 =	sshrl.u32 s5, $0x3  }
0x2b: {  	s5 =	sadd.s32 s24, s10;
	s10 =	sadd.s32 s24, s9;
	[smem:$0x7F9] =	sst s0  }
0x2c: {  	s9 =	sshrl.u32 s22, $0x3;
	s17 =	sadd.s32 $0x186A00, s3;
	[dreg:$0x1b] =	wrdreg s5  }
0x2d: {  	s22 =	sadd.s32 $0x18CE00, s3;
	s0 =	simm.s32 $0x2900;
	[dreg:$0x1e] =	wrdreg s10  }
0x2e: {  	s4 =	sadd.s32 s24, s6;
	s6 =	sshrl.u32 s7, $0x3;
	[smem:$0x7F4] =	sst s17  }
0x2f: {  	s7 =	sshrl.u32 s13, $0x3;
	s13 =	sshrl.u32 s14, $0x3;
	[smem:$0x7F8] =	sst s22  }
0x30: {  	s10 =	sshrl.u32 s20, $0x3;
	s20 =	sadd.s32 $0x18B500, s3;
	[dreg:$0x1a] =	wrdreg s4  }
0x31: {  	s5 =	simm.s32 $0x5100;
	s4 =	sadd.s32 s24, s6;
	[smem:$0x7F7] =	sst s20  }
0x32: {  	s17 =	simm.s32 $0x9900;
	s14 =	sadd.s32 s24, s13;
	[dreg:$0x1c] =	wrdreg s4  }
0x33: {  	s6 =	sadd.s32 s24, s19;
	s19 =	sadd.s32 $0x189C00, s3;
	[smem:$0x7E9] =	sst s14  }
0x34: {  	s13 =	sshrl.u32 s25, $0x3;
	s25 =	sadd.s32 $0x191900, s3;
	[smem:$0x7EC] =	sst s6  }
0x35: {  	s20 =	simm.s32 $0x2100;
	s4 =	sadd.s32 s24, s7;
	[smem:$0x7F6] =	sst s19  }
0x36: {  	s7 =	sshrl.u32 s18, $0x3;
	s14 =	sshrl.u32 s26, $0x3;
	[smem:$0x7FC] =	sst s25  }
0x37: {  	s18 =	sadd.s32 $0x188300, s3;
	s26 =	smax.u32 s2, $0x1;
	[dreg:$0x1d] =	wrdreg s4  }
0x38: {  	s2 =	simm.s32 $0x3900;
	s19 =	simm.s32 $0x0;
	[smem:$0x7F5] =	sst s18  }
0x39: {  	s4 =	sadd.s32 s24, s11;
	s11 =	sadd.s32 s24, s10;
	[smem:$0x7FD] =	sst s26  }
0x3a: {  	s26 =	simm.s32 $0x1;
	s10 =	simm.s32 $0x6900;
	[dreg:$0x1f] =	wrdreg s4  }
0x3b: {  	s18 =	simm.s32 $0x4;
	s4 =	sadd.s32 s24, s12;
	[smem:$0x7EF] =	sst s11  }
0x3c: {  	s12 =	sshrl.u32 s23, $0x3;
	s23 =	sadd.s32 $0x18E700, s3;
	[smem:$0x7E8] =	sst s4  }
0x3d: {  	s11 =	simm.s32 $0x7100;
	s4 =	sadd.s32 s24, s15;
	[smem:$0x7FA] =	sst s23  }
0x3e: {  	s15 =	sadd.s32 s24, s14;
	s23 =	simm.s32 $0x3100;
	[smem:$0x7EA] =	sst s4  }
0x3f: {  	s4 =	sadd.s32 s24, s16;
	[smem:$0x7F2] =	sst s15;
	s16 =	sshrl.u32 s8, $0x3  }
0x40: {  	s15 =	simm.s32 $0x8900;
	[smem:$0x7EB] =	sst s4;
	s4 =	sadd.s32 s24, s7  }
0x41: {  	s7 =	simm.s32 $0x3;
	[smem:$0x7ED] =	sst s4;
	s4 =	sadd.s32 s24, s9  }
0x42: {  	[smem:$0x7EE] =	sst s4;
	s4 =	sadd.s32 s24, s12;
	s12 =	simm.s32 $0x7900  }
0x43: {  	[smem:$0x7F0] =	sst s4;
	s4 =	sadd.s32 s24, s13;
	s13 =	simm.s32 $0x8100  }
0x44: {  	v3 =	vlaneseq.u32;
	[smem:$0x7F1] =	sst s4;
	s4 =	sadd.s32 s24, s16;
	s24 =	sadd.s32 $0x190000, s3  }
0x45: {  	v0 =	vimm.f32 $0.0e+00;
	vm0 =	vmmov $0xffff;
	v2 =	vshrl.u32 v3, $0x3;
	s3 =	simm.s32 $0x4100;
	s16 =	simm.s32 $0x9100;
	[smem:$0x7F3] =	sst s4  }
0x46: {  	v1 =	vand.u32 $0x7, v3;
	v3 =	vor.u32 $0x8, v3;
	v2 =	vmul.u32 $0x8, v2;
	[smem:$0x7FB] =	sst s24;
	s24 =	simm.s32 $0x100;
	s4 =	simm.s32 $0x4900  }
.LBB2_1:
0x47: {  	s6 =	rddreg [dreg:$0x4]  }
0x48: {  	[tilespmem:s24], [sflag:$0x1] =	stream.linear.gather [hbm4b:s6+s1], $0x5000, $0x38;
	[tilespmem:$0x16900] =	vst v63  }
0x49: {  	s25 =	rddreg [dreg:$0x18];
	s14 =	simm.s32 $0x0  }
0x4a: {  	[tilespmem:s1], [sflag:$0x2] =	stream.linear.gather [hbm4b:s25+s1], $0x50, $0x38;
	[tilespmem:$0x16900] =	vst v63  }
0x4b: {  	s22 =	sand.u32 $0x400, s1;
	s14 =	sand.u32 $0xF800, s14;
	s25 =	simm.s32 $0x0  }
0x4c: {  	s14 =	sor.u32 s22, s14;
	s25 =	sand.u32 $0x380, s25  }
0x4d: {  	s22 =	sor.u32 s25, s14  }
0x4e: {  	[tilespmem:s22+$0xA170] =	vst v0  }
0x4f: {  	[tilespmem:s22+$0xA100] =	vst v0  }
0x50: {  	s14 =	simm.s32 $0x0;
	s25 =	simm.s32 $0x0;
	[tilespmem:s22+$0xA110] =	vst v0  }
.LBB2_2:
0x51: {  	s14 =	sadd.s32 $0x8, s14;
	[tilespmem:s22+$0xA120] =	vst v0  }
0x52: {  	s25 =	sadd.s32 $0x400, s25;
	s6 =	sshll.u32 s14, $0x4;
	p2 =	slt.u32 s14, $0xC78;
	[tilespmem:s22+$0xA130] =	vst v0  }
0x53: {  	s8 =	sand.u32 $0x400, s25;
	s9 =	sshll.u32 s14, $0x3;
	s6 =	sand.u32 $0xF800, s6;
	[tilespmem:s22+$0xA140] =	vst v0  }
.Ltmp0:
0x54: {  	s9 =	sand.u32 $0x380, s9;
	s6 =	sor.u32 s8, s6;
	[tilespmem:s22+$0xA150] =	vst v0;
	(pc) =	sbr.rel @p2 .LBB2_2-.Ltmp0, $4  }
0x55: {  	[tilespmem:s22+$0xA160] =	vst v0;
	s22 =	sor.u32 s9, s6  }
0x56: {  	[tilespmem:s22+$0xA170] =	vst v0  }
0x57: {  	[tilespmem:s22+$0xA100] =	vst v0  }
0x58: {  	[tilespmem:s22+$0xA110] =	vst v0  }
0x59: {  	[tilespmem:s22+$0xA120] =	vst v0  }
0x5a: {  	[tilespmem:s22+$0xA130] =	vst v0  }
0x5b: {  	[tilespmem:s22+$0xA140] =	vst v0;
	s6 =	sld [smem:$0x7F4]  }
0x5c: {  	[tilespmem:s22+$0xA150] =	vst v0  }
0x5d: {  	[tilespmem:s22+$0xA160] =	vst v0;
	s8 =	simm.s32 $0xA100  }
0x5e: {  	[hbm4b:s6+s1] =	stream.linear.scatter [tilespmem:s8], [sflag:$0x4], $0xC800, $0x38;
	[tilespmem:$0x16900] =	vst v63  }
0x5f: {  	_ =	swait.ge [sflag:s26], $0x5000  }
0x60: {  	[sflag:s26] =	ssyncset.done $0x0  }
0x61: {  	[sflag:s26] =	ssyncadd.s32 $0xFFFFB000  }
0x62: {  	_ =	swait.ge [sflag:s28], $0x50  }
0x63: {  	[sflag:s28] =	ssyncset.done $0x0  }
0x64: {  	[sflag:s28] =	ssyncadd.s32 $0xFFFFFFB0  }
0x65: {  	v4 =	vld [tilespmem:$0x0];
	_ =	sdelay $0x4  }
0x66: {  	v5 =	vshll.u32 v4, $0x1  }
0x67: {  	v4 =	vand.u32 $0x7, v4;
	v5 =	vand.u32 $0xFFFFFFF0, v5  }
0x68: {  	v4 =	vor.u32 v4, v5  }
0x69: {  	v5 =	vperm.xlane v4, v1;
	_ =	sdelay $0x1  }
0x6a: {  	v4 =	vperm.xlane v4, v3;
	v5 =	vadd.s32 v2, v5;
	_ =	sdelay $0x1  }
0x6b: {  	v4 =	vadd.s32 v2, v4;
	_ =	sdelay $0x2  }
0x6c: {  	[hbm4b:s21+s1] =	stream.indirect_vreg.scatter [tilespmem:s24], [sflag:$0x3], $0x80, v5, vm0, $0xb8;
	[tilespmem:$0x16900] =	vst v63  }
0x6d: {  	_ = 	snop  }
0x6e: {  	[hbm4b:s21+s1] =	stream.indirect_vreg.scatter [tilespmem:s29], [sflag:$0x3], $0x80, v4, vm0, $0xb8;
	[tilespmem:$0x16900] =	vst v63  }
0x6f: {  	v4 =	vld [tilespmem:$0x10];
	_ =	sdelay $0x4  }
0x70: {  	v5 =	vshll.u32 v4, $0x1  }
0x71: {  	v4 =	vand.u32 $0x7, v4;
	v5 =	vand.u32 $0xFFFFFFF0, v5  }
0x72: {  	v4 =	vor.u32 v4, v5  }
0x73: {  	v5 =	vperm.xlane v4, v1;
	_ =	sdelay $0x1  }
0x74: {  	v4 =	vperm.xlane v4, v3;
	v5 =	vadd.s32 v2, v5;
	_ =	sdelay $0x1  }
0x75: {  	v4 =	vadd.s32 v2, v4;
	_ =	sdelay $0x2  }
0x76: {  	[hbm4b:s21+s1] =	stream.indirect_vreg.scatter [tilespmem:s30], [sflag:$0x3], $0x80, v5, vm0, $0xb8;
	[tilespmem:$0x16900] =	vst v63  }
0x77: {  	_ = 	snop  }
0x78: {  	[hbm4b:s21+s1] =	stream.indirect_vreg.scatter [tilespmem:s31], [sflag:$0x3], $0x80, v4, vm0, $0xb8;
	[tilespmem:$0x16900] =	vst v63  }
0x79: {  	v4 =	vld [tilespmem:$0x20];
	_ =	sdelay $0x4  }
0x7a: {  	v5 =	vshll.u32 v4, $0x1  }
0x7b: {  	v4 =	vand.u32 $0x7, v4;
	v5 =	vand.u32 $0xFFFFFFF0, v5  }
0x7c: {  	v4 =	vor.u32 v4, v5  }
0x7d: {  	v5 =	vperm.xlane v4, v1;
	_ =	sdelay $0x1  }
0x7e: {  	v4 =	vperm.xlane v4, v3;
	v5 =	vadd.s32 v2, v5;
	_ =	sdelay $0x1  }
0x7f: {  	v4 =	vadd.s32 v2, v4;
	_ =	sdelay $0x2  }
0x80: {  	[hbm4b:s21+s1] =	stream.indirect_vreg.scatter [tilespmem:s20], [sflag:$0x3], $0x80, v5, vm0, $0xb8;
	[tilespmem:$0x16900] =	vst v63  }
0x81: {  	_ = 	snop  }
0x82: {  	[hbm4b:s21+s1] =	stream.indirect_vreg.scatter [tilespmem:s0], [sflag:$0x3], $0x80, v4, vm0, $0xb8;
	[tilespmem:$0x16900] =	vst v63  }
0x83: {  	v4 =	vld [tilespmem:$0x30];
	_ =	sdelay $0x4  }
0x84: {  	v5 =	vshll.u32 v4, $0x1  }
0x85: {  	v4 =	vand.u32 $0x7, v4;
	v5 =	vand.u32 $0xFFFFFFF0, v5  }
0x86: {  	v4 =	vor.u32 v4, v5  }
0x87: {  	v5 =	vperm.xlane v4, v1;
	_ =	sdelay $0x1  }
0x88: {  	v4 =	vperm.xlane v4, v3;
	v5 =	vadd.s32 v2, v5;
	_ =	sdelay $0x1  }
0x89: {  	v4 =	vadd.s32 v2, v4;
	_ =	sdelay $0x2  }
0x8a: {  	[hbm4b:s21+s1] =	stream.indirect_vreg.scatter [tilespmem:s23], [sflag:$0x3], $0x80, v5, vm0, $0xb8;
	[tilespmem:$0x16900] =	vst v63  }
0x8b: {  	_ = 	snop  }
0x8c: {  	[hbm4b:s21+s1] =	stream.indirect_vreg.scatter [tilespmem:s2], [sflag:$0x3], $0x80, v4, vm0, $0xb8;
	[tilespmem:$0x16900] =	vst v63  }
0x8d: {  	v4 =	vld [tilespmem:$0x40];
	_ =	sdelay $0x4  }
0x8e: {  	v5 =	vshll.u32 v4, $0x1  }
0x8f: {  	v4 =	vand.u32 $0x7, v4;
	v5 =	vand.u32 $0xFFFFFFF0, v5  }
0x90: {  	v4 =	vor.u32 v4, v5  }
0x91: {  	v5 =	vperm.xlane v4, v1;
	_ =	sdelay $0x1  }
0x92: {  	v4 =	vperm.xlane v4, v3;
	v5 =	vadd.s32 v2, v5;
	_ =	sdelay $0x1  }
0x93: {  	v4 =	vadd.s32 v2, v4;
	_ =	sdelay $0x2  }
0x94: {  	[hbm4b:s21+s1] =	stream.indirect_vreg.scatter [tilespmem:s3], [sflag:$0x3], $0x80, v5, vm0, $0xb8;
	[tilespmem:$0x16900] =	vst v63  }
0x95: {  	s14 =	rddreg [dreg:$0x5]  }
0x96: {  	[hbm4b:s21+s1] =	stream.indirect_vreg.scatter [tilespmem:s4], [sflag:$0x3], $0x80, v4, vm0, $0xb8;
	[tilespmem:$0x16900] =	vst v63  }
0x97: {  	s22 =	rddreg [dreg:$0x19]  }
0x98: {  	[tilespmem:s5], [sflag:$0x1] =	stream.linear.gather [hbm4b:s14+s1], $0x5000, $0x38;
	[tilespmem:$0x16900] =	vst v63  }
0x99: {  	s25 =	sld [smem:$0x7F5];
	s14 =	simm.s32 $0x80  }
0x9a: {  	[tilespmem:s14], [sflag:$0x2] =	stream.linear.gather [hbm4b:s22+s1], $0x50, $0x38;
	[tilespmem:$0x16900] =	vst v63  }
0x9b: {  	_ = 	snop  }
0x9c: {  	[hbm4b:s25+s1] =	stream.linear.scatter [tilespmem:s8], [sflag:$0x4], $0xC800, $0x38;
	[tilespmem:$0x16900] =	vst v63  }
0x9d: {  	_ =	swait.ge [sflag:s26], $0x5000  }
0x9e: {  	[sflag:s26] =	ssyncset.done $0x0  }
0x9f: {  	[sflag:s26] =	ssyncadd.s32 $0xFFFFB000  }
0xa0: {  	_ =	swait.ge [sflag:s28], $0x50  }
0xa1: {  	[sflag:s28] =	ssyncset.done $0x0  }
0xa2: {  	[sflag:s28] =	ssyncadd.s32 $0xFFFFFFB0  }
0xa3: {  	_ =	swait.ge [sflag:s7], $0x5000  }
0xa4: {  	[sflag:s7] =	ssyncset.done $0x0  }
0xa5: {  	[sflag:s7] =	ssyncadd.s32 $0xFFFFB000  }
0xa6: {  	v4 =	vld [tilespmem:$0x80];
	_ =	sdelay $0x4  }
0xa7: {  	v5 =	vshll.u32 v4, $0x1  }
0xa8: {  	v4 =	vand.u32 $0x7, v4;
	v5 =	vand.u32 $0xFFFFFFF0, v5  }
0xa9: {  	v4 =	vor.u32 v4, v5  }
0xaa: {  	v5 =	vperm.xlane v4, v1;
	_ =	sdelay $0x1  }
0xab: {  	v4 =	vperm.xlane v4, v3;
	v5 =	vadd.s32 v2, v5;
	_ =	sdelay $0x1  }
0xac: {  	v4 =	vadd.s32 v2, v4;
	_ =	sdelay $0x2  }
0xad: {  	[hbm4b:s21+s1] =	stream.indirect_vreg.scatter [tilespmem:s5], [sflag:$0x3], $0x80, v5, vm0, $0xb8;
	[tilespmem:$0x16900] =	vst v63  }
0xae: {  	s22 =	simm.s32 $0x5900  }
0xaf: {  	[hbm4b:s21+s1] =	stream.indirect_vreg.scatter [tilespmem:s22], [sflag:$0x3], $0x80, v4, vm0, $0xb8;
	[tilespmem:$0x16900] =	vst v63  }
0xb0: {  	v4 =	vld [tilespmem:$0x90];
	_ =	sdelay $0x4  }
0xb1: {  	v5 =	vshll.u32 v4, $0x1  }
0xb2: {  	v4 =	vand.u32 $0x7, v4;
	v5 =	vand.u32 $0xFFFFFFF0, v5  }
0xb3: {  	v4 =	vor.u32 v4, v5  }
0xb4: {  	v5 =	vperm.xlane v4, v1;
	_ =	sdelay $0x1  }
0xb5: {  	v4 =	vperm.xlane v4, v3;
	v5 =	vadd.s32 v2, v5;
	_ =	sdelay $0x1  }
0xb6: {  	v4 =	vadd.s32 v2, v4;
	_ =	sdelay $0x1  }
0xb7: {  	s25 =	simm.s32 $0x6100  }
0xb8: {  	[hbm4b:s21+s1] =	stream.indirect_vreg.scatter [tilespmem:s25], [sflag:$0x3], $0x80, v5, vm0, $0xb8;
	[tilespmem:$0x16900] =	vst v63  }
0xb9: {  	_ = 	snop  }
0xba: {  	[hbm4b:s21+s1] =	stream.indirect_vreg.scatter [tilespmem:s10], [sflag:$0x3], $0x80, v4, vm0, $0xb8;
	[tilespmem:$0x16900] =	vst v63  }
0xbb: {  	v4 =	vld [tilespmem:$0xA0];
	_ =	sdelay $0x4  }
0xbc: {  	v5 =	vshll.u32 v4, $0x1  }
0xbd: {  	v4 =	vand.u32 $0x7, v4;
	v5 =	vand.u32 $0xFFFFFFF0, v5  }
0xbe: {  	v4 =	vor.u32 v4, v5  }
0xbf: {  	v5 =	vperm.xlane v4, v1;
	_ =	sdelay $0x1  }
0xc0: {  	v4 =	vperm.xlane v4, v3;
	v5 =	vadd.s32 v2, v5;
	_ =	sdelay $0x1  }
0xc1: {  	v4 =	vadd.s32 v2, v4;
	_ =	sdelay $0x2  }
0xc2: {  	[hbm4b:s21+s1] =	stream.indirect_vreg.scatter [tilespmem:s11], [sflag:$0x3], $0x80, v5, vm0, $0xb8;
	[tilespmem:$0x16900] =	vst v63  }
0xc3: {  	_ = 	snop  }
0xc4: {  	[hbm4b:s21+s1] =	stream.indirect_vreg.scatter [tilespmem:s12], [sflag:$0x3], $0x80, v4, vm0, $0xb8;
	[tilespmem:$0x16900] =	vst v63  }
0xc5: {  	v4 =	vld [tilespmem:$0xB0];
	_ =	sdelay $0x4  }
0xc6: {  	v5 =	vshll.u32 v4, $0x1  }
0xc7: {  	v4 =	vand.u32 $0x7, v4;
	v5 =	vand.u32 $0xFFFFFFF0, v5  }
0xc8: {  	v4 =	vor.u32 v4, v5  }
0xc9: {  	v5 =	vperm.xlane v4, v1;
	_ =	sdelay $0x1  }
0xca: {  	v4 =	vperm.xlane v4, v3;
	v5 =	vadd.s32 v2, v5;
	_ =	sdelay $0x1  }
0xcb: {  	v4 =	vadd.s32 v2, v4;
	_ =	sdelay $0x2  }
0xcc: {  	[hbm4b:s21+s1] =	stream.indirect_vreg.scatter [tilespmem:s13], [sflag:$0x3], $0x80, v5, vm0, $0xb8;
	[tilespmem:$0x16900] =	vst v63  }
0xcd: {  	_ = 	snop  }
0xce: {  	[hbm4b:s21+s1] =	stream.indirect_vreg.scatter [tilespmem:s15], [sflag:$0x3], $0x80, v4, vm0, $0xb8;
	[tilespmem:$0x16900] =	vst v63  }
0xcf: {  	v4 =	vld [tilespmem:$0xC0];
	_ =	sdelay $0x4  }
0xd0: {  	v5 =	vshll.u32 v4, $0x1  }
0xd1: {  	v4 =	vand.u32 $0x7, v4;
	v5 =	vand.u32 $0xFFFFFFF0, v5  }
0xd2: {  	v4 =	vor.u32 v4, v5  }
0xd3: {  	v5 =	vperm.xlane v4, v1;
	_ =	sdelay $0x1  }
0xd4: {  	v4 =	vperm.xlane v4, v3;
	v5 =	vadd.s32 v2, v5;
	_ =	sdelay $0x1  }
0xd5: {  	v4 =	vadd.s32 v2, v4;
	_ =	sdelay $0x2  }
0xd6: {  	[hbm4b:s21+s1] =	stream.indirect_vreg.scatter [tilespmem:s16], [sflag:$0x3], $0x80, v5, vm0, $0xb8;
	[tilespmem:$0x16900] =	vst v63  }
0xd7: {  	_ = 	snop  }
0xd8: {  	[hbm4b:s21+s1] =	stream.indirect_vreg.scatter [tilespmem:s17], [sflag:$0x3], $0x80, v4, vm0, $0xb8;
	[tilespmem:$0x16900] =	vst v63  }
0xd9: {  	s9 =	rddreg [dreg:$0x6]  }
0xda: {  	[tilespmem:s24], [sflag:$0x1] =	stream.linear.gather [hbm4b:s9+s1], $0x5000, $0x38;
	[tilespmem:$0x16900] =	vst v63  }
0xdb: {  	s9 =	rddreg [dreg:$0x1a]  }
0xdc: {  	[tilespmem:s1], [sflag:$0x2] =	stream.linear.gather [hbm4b:s9+s1], $0x50, $0x38;
	[tilespmem:$0x16900] =	vst v63  }
0xdd: {  	s9 =	sld [smem:$0x7F6];
	_ =	sdelay $0x2  }
0xde: {  	[hbm4b:s9+s1] =	stream.linear.scatter [tilespmem:s8], [sflag:$0x4], $0xC800, $0x38;
	[tilespmem:$0x16900] =	vst v63  }
0xdf: {  	_ =	swait.ge [sflag:s26], $0x5000  }
0xe0: {  	[sflag:s26] =	ssyncset.done $0x0  }
0xe1: {  	[sflag:s26] =	ssyncadd.s32 $0xFFFFB000  }
0xe2: {  	_ =	swait.ge [sflag:s28], $0x50  }
0xe3: {  	[sflag:s28] =	ssyncset.done $0x0  }
0xe4: {  	[sflag:s28] =	ssyncadd.s32 $0xFFFFFFB0  }
0xe5: {  	_ =	swait.ge [sflag:s7], $0x5000  }
0xe6: {  	[sflag:s7] =	ssyncset.done $0x0  }
0xe7: {  	[sflag:s7] =	ssyncadd.s32 $0xFFFFB000  }
0xe8: {  	v4 =	vld [tilespmem:$0x0];
	_ =	sdelay $0x4  }
0xe9: {  	v5 =	vshll.u32 v4, $0x1  }
0xea: {  	v4 =	vand.u32 $0x7, v4;
	v5 =	vand.u32 $0xFFFFFFF0, v5  }
0xeb: {  	v4 =	vor.u32 v4, v5  }
0xec: {  	v5 =	vperm.xlane v4, v1;
	_ =	sdelay $0x1  }
0xed: {  	v4 =	vperm.xlane v4, v3;
	v5 =	vadd.s32 v2, v5;
	_ =	sdelay $0x1  }
0xee: {  	v4 =	vadd.s32 v2, v4;
	_ =	sdelay $0x2  }
0xef: {  	[hbm4b:s21+s1] =	stream.indirect_vreg.scatter [tilespmem:s24], [sflag:$0x3], $0x80, v5, vm0, $0xb8;
	[tilespmem:$0x16900] =	vst v63  }
0xf0: {  	_ = 	snop  }
0xf1: {  	[hbm4b:s21+s1] =	stream.indirect_vreg.scatter [tilespmem:s29], [sflag:$0x3], $0x80, v4, vm0, $0xb8;
	[tilespmem:$0x16900] =	vst v63  }
0xf2: {  	v4 =	vld [tilespmem:$0x10];
	_ =	sdelay $0x4  }
0xf3: {  	v5 =	vshll.u32 v4, $0x1  }
0xf4: {  	v4 =	vand.u32 $0x7, v4;
	v5 =	vand.u32 $0xFFFFFFF0, v5  }
0xf5: {  	v4 =	vor.u32 v4, v5  }
0xf6: {  	v5 =	vperm.xlane v4, v1;
	_ =	sdelay $0x1  }
0xf7: {  	v4 =	vperm.xlane v4, v3;
	v5 =	vadd.s32 v2, v5;
	_ =	sdelay $0x1  }
0xf8: {  	v4 =	vadd.s32 v2, v4;
	_ =	sdelay $0x2  }
0xf9: {  	[hbm4b:s21+s1] =	stream.indirect_vreg.scatter [tilespmem:s30], [sflag:$0x3], $0x80, v5, vm0, $0xb8;
	[tilespmem:$0x16900] =	vst v63  }
0xfa: {  	_ = 	snop  }
0xfb: {  	[hbm4b:s21+s1] =	stream.indirect_vreg.scatter [tilespmem:s31], [sflag:$0x3], $0x80, v4, vm0, $0xb8;
	[tilespmem:$0x16900] =	vst v63  }
0xfc: {  	v4 =	vld [tilespmem:$0x20];
	_ =	sdelay $0x4  }
0xfd: {  	v5 =	vshll.u32 v4, $0x1  }
0xfe: {  	v4 =	vand.u32 $0x7, v4;
	v5 =	vand.u32 $0xFFFFFFF0, v5  }
0xff: {  	v4 =	vor.u32 v4, v5  }
0x100: {  	v5 =	vperm.xlane v4, v1;
	_ =	sdelay $0x1  }
0x101: {  	v4 =	vperm.xlane v4, v3;
	v5 =	vadd.s32 v2, v5;
	_ =	sdelay $0x1  }
0x102: {  	v4 =	vadd.s32 v2, v4;
	_ =	sdelay $0x2  }
0x103: {  	[hbm4b:s21+s1] =	stream.indirect_vreg.scatter [tilespmem:s20], [sflag:$0x3], $0x80, v5, vm0, $0xb8;
	[tilespmem:$0x16900] =	vst v63  }
0x104: {  	_ = 	snop  }
0x105: {  	[hbm4b:s21+s1] =	stream.indirect_vreg.scatter [tilespmem:s0], [sflag:$0x3], $0x80, v4, vm0, $0xb8;
	[tilespmem:$0x16900] =	vst v63  }
0x106: {  	v4 =	vld [tilespmem:$0x30];
	_ =	sdelay $0x4  }
0x107: {  	v5 =	vshll.u32 v4, $0x1  }
0x108: {  	v4 =	vand.u32 $0x7, v4;
	v5 =	vand.u32 $0xFFFFFFF0, v5  }
0x109: {  	v4 =	vor.u32 v4, v5  }
0x10a: {  	v5 =	vperm.xlane v4, v1;
	_ =	sdelay $0x1  }
0x10b: {  	v4 =	vperm.xlane v4, v3;
	v5 =	vadd.s32 v2, v5;
	_ =	sdelay $0x1  }
0x10c: {  	v4 =	vadd.s32 v2, v4;
	_ =	sdelay $0x2  }
0x10d: {  	[hbm4b:s21+s1] =	stream.indirect_vreg.scatter [tilespmem:s23], [sflag:$0x3], $0x80, v5, vm0, $0xb8;
	[tilespmem:$0x16900] =	vst v63  }
0x10e: {  	_ = 	snop  }
0x10f: {  	[hbm4b:s21+s1] =	stream.indirect_vreg.scatter [tilespmem:s2], [sflag:$0x3], $0x80, v4, vm0, $0xb8;
	[tilespmem:$0x16900] =	vst v63  }
0x110: {  	v4 =	vld [tilespmem:$0x40];
	_ =	sdelay $0x4  }
0x111: {  	v5 =	vshll.u32 v4, $0x1  }
0x112: {  	v4 =	vand.u32 $0x7, v4;
	v5 =	vand.u32 $0xFFFFFFF0, v5  }
0x113: {  	v4 =	vor.u32 v4, v5  }
0x114: {  	v5 =	vperm.xlane v4, v1;
	_ =	sdelay $0x1  }
0x115: {  	v4 =	vperm.xlane v4, v3;
	v5 =	vadd.s32 v2, v5;
	_ =	sdelay $0x1  }
0x116: {  	v4 =	vadd.s32 v2, v4;
	_ =	sdelay $0x2  }
0x117: {  	[hbm4b:s21+s1] =	stream.indirect_vreg.scatter [tilespmem:s3], [sflag:$0x3], $0x80, v5, vm0, $0xb8;
	[tilespmem:$0x16900] =	vst v63  }
0x118: {  	_ = 	snop  }
0x119: {  	[hbm4b:s21+s1] =	stream.indirect_vreg.scatter [tilespmem:s4], [sflag:$0x3], $0x80, v4, vm0, $0xb8;
	[tilespmem:$0x16900] =	vst v63  }
0x11a: {  	s9 =	rddreg [dreg:$0x7]  }
0x11b: {  	[tilespmem:s5], [sflag:$0x1] =	stream.linear.gather [hbm4b:s9+s1], $0x5000, $0x38;
	[tilespmem:$0x16900] =	vst v63  }
0x11c: {  	s9 =	rddreg [dreg:$0x1b]  }
0x11d: {  	[tilespmem:s14], [sflag:$0x2] =	stream.linear.gather [hbm4b:s9+s1], $0x50, $0x38;
	[tilespmem:$0x16900] =	vst v63  }
0x11e: {  	s9 =	sld [smem:$0x7F7];
	_ =	sdelay $0x2  }
0x11f: {  	[hbm4b:s9+s1] =	stream.linear.scatter [tilespmem:s8], [sflag:$0x4], $0xC800, $0x38;
	[tilespmem:$0x16900] =	vst v63  }
0x120: {  	_ =	swait.ge [sflag:s26], $0x5000  }
0x121: {  	[sflag:s26] =	ssyncset.done $0x0  }
0x122: {  	[sflag:s26] =	ssyncadd.s32 $0xFFFFB000  }
0x123: {  	_ =	swait.ge [sflag:s28], $0x50  }
0x124: {  	[sflag:s28] =	ssyncset.done $0x0  }
0x125: {  	[sflag:s28] =	ssyncadd.s32 $0xFFFFFFB0  }
0x126: {  	_ =	swait.ge [sflag:s7], $0x5000  }
0x127: {  	[sflag:s7] =	ssyncset.done $0x0  }
0x128: {  	[sflag:s7] =	ssyncadd.s32 $0xFFFFB000  }
0x129: {  	v4 =	vld [tilespmem:$0x80];
	_ =	sdelay $0x4  }
0x12a: {  	v5 =	vshll.u32 v4, $0x1  }
0x12b: {  	v4 =	vand.u32 $0x7, v4;
	v5 =	vand.u32 $0xFFFFFFF0, v5  }
0x12c: {  	v4 =	vor.u32 v4, v5  }
0x12d: {  	v5 =	vperm.xlane v4, v1;
	_ =	sdelay $0x1  }
0x12e: {  	v4 =	vperm.xlane v4, v3;
	v5 =	vadd.s32 v2, v5;
	_ =	sdelay $0x1  }
0x12f: {  	v4 =	vadd.s32 v2, v4;
	_ =	sdelay $0x2  }
0x130: {  	[hbm4b:s21+s1] =	stream.indirect_vreg.scatter [tilespmem:s5], [sflag:$0x3], $0x80, v5, vm0, $0xb8;
	[tilespmem:$0x16900] =	vst v63  }
0x131: {  	_ = 	snop  }
0x132: {  	[hbm4b:s21+s1] =	stream.indirect_vreg.scatter [tilespmem:s22], [sflag:$0x3], $0x80, v4, vm0, $0xb8;
	[tilespmem:$0x16900] =	vst v63  }
0x133: {  	v4 =	vld [tilespmem:$0x90];
	_ =	sdelay $0x4  }
0x134: {  	v5 =	vshll.u32 v4, $0x1  }
0x135: {  	v4 =	vand.u32 $0x7, v4;
	v5 =	vand.u32 $0xFFFFFFF0, v5  }
0x136: {  	v4 =	vor.u32 v4, v5  }
0x137: {  	v5 =	vperm.xlane v4, v1;
	_ =	sdelay $0x1  }
0x138: {  	v4 =	vperm.xlane v4, v3;
	v5 =	vadd.s32 v2, v5;
	_ =	sdelay $0x1  }
0x139: {  	v4 =	vadd.s32 v2, v4;
	_ =	sdelay $0x2  }
0x13a: {  	[hbm4b:s21+s1] =	stream.indirect_vreg.scatter [tilespmem:s25], [sflag:$0x3], $0x80, v5, vm0, $0xb8;
	[tilespmem:$0x16900] =	vst v63  }
0x13b: {  	_ = 	snop  }
0x13c: {  	[hbm4b:s21+s1] =	stream.indirect_vreg.scatter [tilespmem:s10], [sflag:$0x3], $0x80, v4, vm0, $0xb8;
	[tilespmem:$0x16900] =	vst v63  }
0x13d: {  	v4 =	vld [tilespmem:$0xA0];
	_ =	sdelay $0x4  }
0x13e: {  	v5 =	vshll.u32 v4, $0x1  }
0x13f: {  	v4 =	vand.u32 $0x7, v4;
	v5 =	vand.u32 $0xFFFFFFF0, v5  }
0x140: {  	v4 =	vor.u32 v4, v5  }
0x141: {  	v5 =	vperm.xlane v4, v1;
	_ =	sdelay $0x1  }
0x142: {  	v4 =	vperm.xlane v4, v3;
	v5 =	vadd.s32 v2, v5;
	_ =	sdelay $0x1  }
0x143: {  	v4 =	vadd.s32 v2, v4;
	_ =	sdelay $0x2  }
0x144: {  	[hbm4b:s21+s1] =	stream.indirect_vreg.scatter [tilespmem:s11], [sflag:$0x3], $0x80, v5, vm0, $0xb8;
	[tilespmem:$0x16900] =	vst v63  }
0x145: {  	_ = 	snop  }
0x146: {  	[hbm4b:s21+s1] =	stream.indirect_vreg.scatter [tilespmem:s12], [sflag:$0x3], $0x80, v4, vm0, $0xb8;
	[tilespmem:$0x16900] =	vst v63  }
0x147: {  	v4 =	vld [tilespmem:$0xB0];
	_ =	sdelay $0x4  }
0x148: {  	v5 =	vshll.u32 v4, $0x1  }
0x149: {  	v4 =	vand.u32 $0x7, v4;
	v5 =	vand.u32 $0xFFFFFFF0, v5  }
0x14a: {  	v4 =	vor.u32 v4, v5  }
0x14b: {  	v5 =	vperm.xlane v4, v1;
	_ =	sdelay $0x1  }
0x14c: {  	v4 =	vperm.xlane v4, v3;
	v5 =	vadd.s32 v2, v5;
	_ =	sdelay $0x1  }
0x14d: {  	v4 =	vadd.s32 v2, v4;
	_ =	sdelay $0x2  }
0x14e: {  	[hbm4b:s21+s1] =	stream.indirect_vreg.scatter [tilespmem:s13], [sflag:$0x3], $0x80, v5, vm0, $0xb8;
	[tilespmem:$0x16900] =	vst v63  }
0x14f: {  	_ = 	snop  }
0x150: {  	[hbm4b:s21+s1] =	stream.indirect_vreg.scatter [tilespmem:s15], [sflag:$0x3], $0x80, v4, vm0, $0xb8;
	[tilespmem:$0x16900] =	vst v63  }
0x151: {  	v4 =	vld [tilespmem:$0xC0];
	_ =	sdelay $0x4  }
0x152: {  	v5 =	vshll.u32 v4, $0x1  }
0x153: {  	v4 =	vand.u32 $0x7, v4;
	v5 =	vand.u32 $0xFFFFFFF0, v5  }
0x154: {  	v4 =	vor.u32 v4, v5  }
0x155: {  	v5 =	vperm.xlane v4, v1;
	_ =	sdelay $0x1  }
0x156: {  	v4 =	vperm.xlane v4, v3;
	v5 =	vadd.s32 v2, v5;
	_ =	sdelay $0x1  }
0x157: {  	v4 =	vadd.s32 v2, v4;
	_ =	sdelay $0x2  }
0x158: {  	[hbm4b:s21+s1] =	stream.indirect_vreg.scatter [tilespmem:s16], [sflag:$0x3], $0x80, v5, vm0, $0xb8;
	[tilespmem:$0x16900] =	vst v63  }
0x159: {  	_ = 	snop  }
0x15a: {  	[hbm4b:s21+s1] =	stream.indirect_vreg.scatter [tilespmem:s17], [sflag:$0x3], $0x80, v4, vm0, $0xb8;
	[tilespmem:$0x16900] =	vst v63  }
0x15b: {  	s9 =	rddreg [dreg:$0x8]  }
0x15c: {  	[tilespmem:s24], [sflag:$0x1] =	stream.linear.gather [hbm4b:s9+s1], $0x5000, $0x38;
	[tilespmem:$0x16900] =	vst v63  }
0x15d: {  	s9 =	rddreg [dreg:$0x1c]  }
0x15e: {  	[tilespmem:s1], [sflag:$0x2] =	stream.linear.gather [hbm4b:s9+s1], $0x50, $0x38;
	[tilespmem:$0x16900] =	vst v63  }
0x15f: {  	s9 =	sld [smem:$0x7F8];
	_ =	sdelay $0x2  }
0x160: {  	[hbm4b:s9+s1] =	stream.linear.scatter [tilespmem:s8], [sflag:$0x4], $0xC800, $0x38;
	[tilespmem:$0x16900] =	vst v63  }
0x161: {  	_ =	swait.ge [sflag:s26], $0x5000  }
0x162: {  	[sflag:s26] =	ssyncset.done $0x0  }
0x163: {  	[sflag:s26] =	ssyncadd.s32 $0xFFFFB000  }
0x164: {  	_ =	swait.ge [sflag:s28], $0x50  }
0x165: {  	[sflag:s28] =	ssyncset.done $0x0  }
0x166: {  	[sflag:s28] =	ssyncadd.s32 $0xFFFFFFB0  }
0x167: {  	_ =	swait.ge [sflag:s7], $0x5000  }
0x168: {  	[sflag:s7] =	ssyncset.done $0x0  }
0x169: {  	[sflag:s7] =	ssyncadd.s32 $0xFFFFB000  }
0x16a: {  	v4 =	vld [tilespmem:$0x0];
	_ =	sdelay $0x4  }
0x16b: {  	v5 =	vshll.u32 v4, $0x1  }
0x16c: {  	v4 =	vand.u32 $0x7, v4;
	v5 =	vand.u32 $0xFFFFFFF0, v5  }
0x16d: {  	v4 =	vor.u32 v4, v5  }
0x16e: {  	v5 =	vperm.xlane v4, v1;
	_ =	sdelay $0x1  }
0x16f: {  	v4 =	vperm.xlane v4, v3;
	v5 =	vadd.s32 v2, v5;
	_ =	sdelay $0x1  }
0x170: {  	v4 =	vadd.s32 v2, v4;
	_ =	sdelay $0x2  }
0x171: {  	[hbm4b:s21+s1] =	stream.indirect_vreg.scatter [tilespmem:s24], [sflag:$0x3], $0x80, v5, vm0, $0xb8;
	[tilespmem:$0x16900] =	vst v63  }
0x172: {  	_ = 	snop  }
0x173: {  	[hbm4b:s21+s1] =	stream.indirect_vreg.scatter [tilespmem:s29], [sflag:$0x3], $0x80, v4, vm0, $0xb8;
	[tilespmem:$0x16900] =	vst v63  }
0x174: {  	v4 =	vld [tilespmem:$0x10];
	_ =	sdelay $0x4  }
0x175: {  	v5 =	vshll.u32 v4, $0x1  }
0x176: {  	v4 =	vand.u32 $0x7, v4;
	v5 =	vand.u32 $0xFFFFFFF0, v5  }
0x177: {  	v4 =	vor.u32 v4, v5  }
0x178: {  	v5 =	vperm.xlane v4, v1;
	_ =	sdelay $0x1  }
0x179: {  	v4 =	vperm.xlane v4, v3;
	v5 =	vadd.s32 v2, v5;
	_ =	sdelay $0x1  }
0x17a: {  	v4 =	vadd.s32 v2, v4;
	_ =	sdelay $0x2  }
0x17b: {  	[hbm4b:s21+s1] =	stream.indirect_vreg.scatter [tilespmem:s30], [sflag:$0x3], $0x80, v5, vm0, $0xb8;
	[tilespmem:$0x16900] =	vst v63  }
0x17c: {  	_ = 	snop  }
0x17d: {  	[hbm4b:s21+s1] =	stream.indirect_vreg.scatter [tilespmem:s31], [sflag:$0x3], $0x80, v4, vm0, $0xb8;
	[tilespmem:$0x16900] =	vst v63  }
0x17e: {  	v4 =	vld [tilespmem:$0x20];
	_ =	sdelay $0x4  }
0x17f: {  	v5 =	vshll.u32 v4, $0x1  }
0x180: {  	v4 =	vand.u32 $0x7, v4;
	v5 =	vand.u32 $0xFFFFFFF0, v5  }
0x181: {  	v4 =	vor.u32 v4, v5  }
0x182: {  	v5 =	vperm.xlane v4, v1;
	_ =	sdelay $0x1  }
0x183: {  	v4 =	vperm.xlane v4, v3;
	v5 =	vadd.s32 v2, v5;
	_ =	sdelay $0x1  }
0x184: {  	v4 =	vadd.s32 v2, v4;
	_ =	sdelay $0x2  }
0x185: {  	[hbm4b:s21+s1] =	stream.indirect_vreg.scatter [tilespmem:s20], [sflag:$0x3], $0x80, v5, vm0, $0xb8;
	[tilespmem:$0x16900] =	vst v63  }
0x186: {  	_ = 	snop  }
0x187: {  	[hbm4b:s21+s1] =	stream.indirect_vreg.scatter [tilespmem:s0], [sflag:$0x3], $0x80, v4, vm0, $0xb8;
	[tilespmem:$0x16900] =	vst v63  }
0x188: {  	v4 =	vld [tilespmem:$0x30];
	_ =	sdelay $0x4  }
0x189: {  	v5 =	vshll.u32 v4, $0x1  }
0x18a: {  	v4 =	vand.u32 $0x7, v4;
	v5 =	vand.u32 $0xFFFFFFF0, v5  }
0x18b: {  	v4 =	vor.u32 v4, v5  }
0x18c: {  	v5 =	vperm.xlane v4, v1;
	_ =	sdelay $0x1  }
0x18d: {  	v4 =	vperm.xlane v4, v3;
	v5 =	vadd.s32 v2, v5;
	_ =	sdelay $0x1  }
0x18e: {  	v4 =	vadd.s32 v2, v4;
	_ =	sdelay $0x2  }
0x18f: {  	[hbm4b:s21+s1] =	stream.indirect_vreg.scatter [tilespmem:s23], [sflag:$0x3], $0x80, v5, vm0, $0xb8;
	[tilespmem:$0x16900] =	vst v63  }
0x190: {  	_ = 	snop  }
0x191: {  	[hbm4b:s21+s1] =	stream.indirect_vreg.scatter [tilespmem:s2], [sflag:$0x3], $0x80, v4, vm0, $0xb8;
	[tilespmem:$0x16900] =	vst v63  }
0x192: {  	v4 =	vld [tilespmem:$0x40];
	_ =	sdelay $0x4  }
0x193: {  	v5 =	vshll.u32 v4, $0x1  }
0x194: {  	v4 =	vand.u32 $0x7, v4;
	v5 =	vand.u32 $0xFFFFFFF0, v5  }
0x195: {  	v4 =	vor.u32 v4, v5  }
0x196: {  	v5 =	vperm.xlane v4, v1;
	_ =	sdelay $0x1  }
0x197: {  	v4 =	vperm.xlane v4, v3;
	v5 =	vadd.s32 v2, v5;
	_ =	sdelay $0x1  }
0x198: {  	v4 =	vadd.s32 v2, v4;
	_ =	sdelay $0x2  }
0x199: {  	[hbm4b:s21+s1] =	stream.indirect_vreg.scatter [tilespmem:s3], [sflag:$0x3], $0x80, v5, vm0, $0xb8;
	[tilespmem:$0x16900] =	vst v63  }
0x19a: {  	_ = 	snop  }
0x19b: {  	[hbm4b:s21+s1] =	stream.indirect_vreg.scatter [tilespmem:s4], [sflag:$0x3], $0x80, v4, vm0, $0xb8;
	[tilespmem:$0x16900] =	vst v63  }
0x19c: {  	s9 =	rddreg [dreg:$0x9]  }
0x19d: {  	[tilespmem:s5], [sflag:$0x1] =	stream.linear.gather [hbm4b:s9+s1], $0x5000, $0x38;
	[tilespmem:$0x16900] =	vst v63  }
0x19e: {  	s9 =	rddreg [dreg:$0x1d]  }
0x19f: {  	[tilespmem:s14], [sflag:$0x2] =	stream.linear.gather [hbm4b:s9+s1], $0x50, $0x38;
	[tilespmem:$0x16900] =	vst v63  }
0x1a0: {  	s9 =	sld [smem:$0x7FA];
	_ =	sdelay $0x2  }
0x1a1: {  	[hbm4b:s9+s1] =	stream.linear.scatter [tilespmem:s8], [sflag:$0x4], $0xC800, $0x38;
	[tilespmem:$0x16900] =	vst v63  }
0x1a2: {  	_ =	swait.ge [sflag:s26], $0x5000  }
0x1a3: {  	[sflag:s26] =	ssyncset.done $0x0  }
0x1a4: {  	[sflag:s26] =	ssyncadd.s32 $0xFFFFB000  }
0x1a5: {  	_ =	swait.ge [sflag:s28], $0x50  }
0x1a6: {  	[sflag:s28] =	ssyncset.done $0x0  }
0x1a7: {  	[sflag:s28] =	ssyncadd.s32 $0xFFFFFFB0  }
0x1a8: {  	_ =	swait.ge [sflag:s7], $0x5000  }
0x1a9: {  	[sflag:s7] =	ssyncset.done $0x0  }
0x1aa: {  	[sflag:s7] =	ssyncadd.s32 $0xFFFFB000  }
0x1ab: {  	v4 =	vld [tilespmem:$0x80];
	_ =	sdelay $0x4  }
0x1ac: {  	v5 =	vshll.u32 v4, $0x1  }
0x1ad: {  	v4 =	vand.u32 $0x7, v4;
	v5 =	vand.u32 $0xFFFFFFF0, v5  }
0x1ae: {  	v4 =	vor.u32 v4, v5  }
0x1af: {  	v5 =	vperm.xlane v4, v1;
	_ =	sdelay $0x1  }
0x1b0: {  	v4 =	vperm.xlane v4, v3;
	v5 =	vadd.s32 v2, v5;
	_ =	sdelay $0x1  }
0x1b1: {  	v4 =	vadd.s32 v2, v4;
	_ =	sdelay $0x2  }
0x1b2: {  	[hbm4b:s21+s1] =	stream.indirect_vreg.scatter [tilespmem:s5], [sflag:$0x3], $0x80, v5, vm0, $0xb8;
	[tilespmem:$0x16900] =	vst v63  }
0x1b3: {  	_ = 	snop  }
0x1b4: {  	[hbm4b:s21+s1] =	stream.indirect_vreg.scatter [tilespmem:s22], [sflag:$0x3], $0x80, v4, vm0, $0xb8;
	[tilespmem:$0x16900] =	vst v63  }
0x1b5: {  	v4 =	vld [tilespmem:$0x90];
	_ =	sdelay $0x4  }
0x1b6: {  	v5 =	vshll.u32 v4, $0x1  }
0x1b7: {  	v4 =	vand.u32 $0x7, v4;
	v5 =	vand.u32 $0xFFFFFFF0, v5  }
0x1b8: {  	v4 =	vor.u32 v4, v5  }
0x1b9: {  	v5 =	vperm.xlane v4, v1;
	_ =	sdelay $0x1  }
0x1ba: {  	v4 =	vperm.xlane v4, v3;
	v5 =	vadd.s32 v2, v5;
	_ =	sdelay $0x1  }
0x1bb: {  	v4 =	vadd.s32 v2, v4;
	_ =	sdelay $0x2  }
0x1bc: {  	[hbm4b:s21+s1] =	stream.indirect_vreg.scatter [tilespmem:s25], [sflag:$0x3], $0x80, v5, vm0, $0xb8;
	[tilespmem:$0x16900] =	vst v63  }
0x1bd: {  	_ = 	snop  }
0x1be: {  	[hbm4b:s21+s1] =	stream.indirect_vreg.scatter [tilespmem:s10], [sflag:$0x3], $0x80, v4, vm0, $0xb8;
	[tilespmem:$0x16900] =	vst v63  }
0x1bf: {  	v4 =	vld [tilespmem:$0xA0];
	_ =	sdelay $0x4  }
0x1c0: {  	v5 =	vshll.u32 v4, $0x1  }
0x1c1: {  	v4 =	vand.u32 $0x7, v4;
	v5 =	vand.u32 $0xFFFFFFF0, v5  }
0x1c2: {  	v4 =	vor.u32 v4, v5  }
0x1c3: {  	v5 =	vperm.xlane v4, v1;
	_ =	sdelay $0x1  }
0x1c4: {  	v4 =	vperm.xlane v4, v3;
	v5 =	vadd.s32 v2, v5;
	_ =	sdelay $0x1  }
0x1c5: {  	v4 =	vadd.s32 v2, v4;
	_ =	sdelay $0x2  }
0x1c6: {  	[hbm4b:s21+s1] =	stream.indirect_vreg.scatter [tilespmem:s11], [sflag:$0x3], $0x80, v5, vm0, $0xb8;
	[tilespmem:$0x16900] =	vst v63  }
0x1c7: {  	_ = 	snop  }
0x1c8: {  	[hbm4b:s21+s1] =	stream.indirect_vreg.scatter [tilespmem:s12], [sflag:$0x3], $0x80, v4, vm0, $0xb8;
	[tilespmem:$0x16900] =	vst v63  }
0x1c9: {  	v4 =	vld [tilespmem:$0xB0];
	_ =	sdelay $0x4  }
0x1ca: {  	v5 =	vshll.u32 v4, $0x1  }
0x1cb: {  	v4 =	vand.u32 $0x7, v4;
	v5 =	vand.u32 $0xFFFFFFF0, v5  }
0x1cc: {  	v4 =	vor.u32 v4, v5  }
0x1cd: {  	v5 =	vperm.xlane v4, v1;
	_ =	sdelay $0x1  }
0x1ce: {  	v4 =	vperm.xlane v4, v3;
	v5 =	vadd.s32 v2, v5;
	_ =	sdelay $0x1  }
0x1cf: {  	v4 =	vadd.s32 v2, v4;
	_ =	sdelay $0x2  }
0x1d0: {  	[hbm4b:s21+s1] =	stream.indirect_vreg.scatter [tilespmem:s13], [sflag:$0x3], $0x80, v5, vm0, $0xb8;
	[tilespmem:$0x16900] =	vst v63  }
0x1d1: {  	_ = 	snop  }
0x1d2: {  	[hbm4b:s21+s1] =	stream.indirect_vreg.scatter [tilespmem:s15], [sflag:$0x3], $0x80, v4, vm0, $0xb8;
	[tilespmem:$0x16900] =	vst v63  }
0x1d3: {  	v4 =	vld [tilespmem:$0xC0];
	_ =	sdelay $0x4  }
0x1d4: {  	v5 =	vshll.u32 v4, $0x1  }
0x1d5: {  	v4 =	vand.u32 $0x7, v4;
	v5 =	vand.u32 $0xFFFFFFF0, v5  }
0x1d6: {  	v4 =	vor.u32 v4, v5  }
0x1d7: {  	v5 =	vperm.xlane v4, v1;
	_ =	sdelay $0x1  }
0x1d8: {  	v4 =	vperm.xlane v4, v3;
	v5 =	vadd.s32 v2, v5;
	_ =	sdelay $0x1  }
0x1d9: {  	v4 =	vadd.s32 v2, v4;
	_ =	sdelay $0x2  }
0x1da: {  	[hbm4b:s21+s1] =	stream.indirect_vreg.scatter [tilespmem:s16], [sflag:$0x3], $0x80, v5, vm0, $0xb8;
	[tilespmem:$0x16900] =	vst v63  }
0x1db: {  	_ = 	snop  }
0x1dc: {  	[hbm4b:s21+s1] =	stream.indirect_vreg.scatter [tilespmem:s17], [sflag:$0x3], $0x80, v4, vm0, $0xb8;
	[tilespmem:$0x16900] =	vst v63  }
0x1dd: {  	s9 =	rddreg [dreg:$0xa]  }
0x1de: {  	[tilespmem:s24], [sflag:$0x1] =	stream.linear.gather [hbm4b:s9+s1], $0x5000, $0x38;
	[tilespmem:$0x16900] =	vst v63  }
0x1df: {  	s9 =	rddreg [dreg:$0x1e]  }
0x1e0: {  	[tilespmem:s1], [sflag:$0x2] =	stream.linear.gather [hbm4b:s9+s1], $0x50, $0x38;
	[tilespmem:$0x16900] =	vst v63  }
0x1e1: {  	s9 =	sld [smem:$0x7FB];
	_ =	sdelay $0x2  }
0x1e2: {  	[hbm4b:s9+s1] =	stream.linear.scatter [tilespmem:s8], [sflag:$0x4], $0xC800, $0x38;
	[tilespmem:$0x16900] =	vst v63  }
0x1e3: {  	_ =	swait.ge [sflag:s26], $0x5000  }
0x1e4: {  	[sflag:s26] =	ssyncset.done $0x0  }
0x1e5: {  	[sflag:s26] =	ssyncadd.s32 $0xFFFFB000  }
0x1e6: {  	_ =	swait.ge [sflag:s28], $0x50  }
0x1e7: {  	[sflag:s28] =	ssyncset.done $0x0  }
0x1e8: {  	[sflag:s28] =	ssyncadd.s32 $0xFFFFFFB0  }
0x1e9: {  	_ =	swait.ge [sflag:s7], $0x5000  }
0x1ea: {  	[sflag:s7] =	ssyncset.done $0x0  }
0x1eb: {  	[sflag:s7] =	ssyncadd.s32 $0xFFFFB000  }
0x1ec: {  	v4 =	vld [tilespmem:$0x0];
	_ =	sdelay $0x4  }
0x1ed: {  	v5 =	vshll.u32 v4, $0x1  }
0x1ee: {  	v4 =	vand.u32 $0x7, v4;
	v5 =	vand.u32 $0xFFFFFFF0, v5  }
0x1ef: {  	v4 =	vor.u32 v4, v5  }
0x1f0: {  	v5 =	vperm.xlane v4, v1;
	_ =	sdelay $0x1  }
0x1f1: {  	v4 =	vperm.xlane v4, v3;
	v5 =	vadd.s32 v2, v5;
	_ =	sdelay $0x1  }
0x1f2: {  	v4 =	vadd.s32 v2, v4;
	_ =	sdelay $0x2  }
0x1f3: {  	[hbm4b:s21+s1] =	stream.indirect_vreg.scatter [tilespmem:s24], [sflag:$0x3], $0x80, v5, vm0, $0xb8;
	[tilespmem:$0x16900] =	vst v63  }
0x1f4: {  	_ = 	snop  }
0x1f5: {  	[hbm4b:s21+s1] =	stream.indirect_vreg.scatter [tilespmem:s29], [sflag:$0x3], $0x80, v4, vm0, $0xb8;
	[tilespmem:$0x16900] =	vst v63  }
0x1f6: {  	v4 =	vld [tilespmem:$0x10];
	_ =	sdelay $0x4  }
0x1f7: {  	v5 =	vshll.u32 v4, $0x1  }
0x1f8: {  	v4 =	vand.u32 $0x7, v4;
	v5 =	vand.u32 $0xFFFFFFF0, v5  }
0x1f9: {  	v4 =	vor.u32 v4, v5  }
0x1fa: {  	v5 =	vperm.xlane v4, v1;
	_ =	sdelay $0x1  }
0x1fb: {  	v4 =	vperm.xlane v4, v3;
	v5 =	vadd.s32 v2, v5;
	_ =	sdelay $0x1  }
0x1fc: {  	v4 =	vadd.s32 v2, v4;
	_ =	sdelay $0x2  }
0x1fd: {  	[hbm4b:s21+s1] =	stream.indirect_vreg.scatter [tilespmem:s30], [sflag:$0x3], $0x80, v5, vm0, $0xb8;
	[tilespmem:$0x16900] =	vst v63  }
0x1fe: {  	_ = 	snop  }
0x1ff: {  	[hbm4b:s21+s1] =	stream.indirect_vreg.scatter [tilespmem:s31], [sflag:$0x3], $0x80, v4, vm0, $0xb8;
	[tilespmem:$0x16900] =	vst v63  }
0x200: {  	v4 =	vld [tilespmem:$0x20];
	_ =	sdelay $0x4  }
0x201: {  	v5 =	vshll.u32 v4, $0x1  }
0x202: {  	v4 =	vand.u32 $0x7, v4;
	v5 =	vand.u32 $0xFFFFFFF0, v5  }
0x203: {  	v4 =	vor.u32 v4, v5  }
0x204: {  	v5 =	vperm.xlane v4, v1;
	_ =	sdelay $0x1  }
0x205: {  	v4 =	vperm.xlane v4, v3;
	v5 =	vadd.s32 v2, v5;
	_ =	sdelay $0x1  }
0x206: {  	v4 =	vadd.s32 v2, v4;
	_ =	sdelay $0x2  }
0x207: {  	[hbm4b:s21+s1] =	stream.indirect_vreg.scatter [tilespmem:s20], [sflag:$0x3], $0x80, v5, vm0, $0xb8;
	[tilespmem:$0x16900] =	vst v63  }
0x208: {  	_ = 	snop  }
0x209: {  	[hbm4b:s21+s1] =	stream.indirect_vreg.scatter [tilespmem:s0], [sflag:$0x3], $0x80, v4, vm0, $0xb8;
	[tilespmem:$0x16900] =	vst v63  }
0x20a: {  	v4 =	vld [tilespmem:$0x30];
	_ =	sdelay $0x4  }
0x20b: {  	v5 =	vshll.u32 v4, $0x1  }
0x20c: {  	v4 =	vand.u32 $0x7, v4;
	v5 =	vand.u32 $0xFFFFFFF0, v5  }
0x20d: {  	v4 =	vor.u32 v4, v5  }
0x20e: {  	v5 =	vperm.xlane v4, v1;
	_ =	sdelay $0x1  }
0x20f: {  	v4 =	vperm.xlane v4, v3;
	v5 =	vadd.s32 v2, v5;
	_ =	sdelay $0x1  }
0x210: {  	v4 =	vadd.s32 v2, v4;
	_ =	sdelay $0x2  }
0x211: {  	[hbm4b:s21+s1] =	stream.indirect_vreg.scatter [tilespmem:s23], [sflag:$0x3], $0x80, v5, vm0, $0xb8;
	[tilespmem:$0x16900] =	vst v63  }
0x212: {  	_ = 	snop  }
0x213: {  	[hbm4b:s21+s1] =	stream.indirect_vreg.scatter [tilespmem:s2], [sflag:$0x3], $0x80, v4, vm0, $0xb8;
	[tilespmem:$0x16900] =	vst v63  }
0x214: {  	v4 =	vld [tilespmem:$0x40];
	_ =	sdelay $0x4  }
0x215: {  	v5 =	vshll.u32 v4, $0x1  }
0x216: {  	v4 =	vand.u32 $0x7, v4;
	v5 =	vand.u32 $0xFFFFFFF0, v5  }
0x217: {  	v4 =	vor.u32 v4, v5  }
0x218: {  	v5 =	vperm.xlane v4, v1;
	_ =	sdelay $0x1  }
0x219: {  	v4 =	vperm.xlane v4, v3;
	v5 =	vadd.s32 v2, v5;
	_ =	sdelay $0x1  }
0x21a: {  	v4 =	vadd.s32 v2, v4;
	_ =	sdelay $0x2  }
0x21b: {  	[hbm4b:s21+s1] =	stream.indirect_vreg.scatter [tilespmem:s3], [sflag:$0x3], $0x80, v5, vm0, $0xb8;
	[tilespmem:$0x16900] =	vst v63  }
0x21c: {  	_ = 	snop  }
0x21d: {  	[hbm4b:s21+s1] =	stream.indirect_vreg.scatter [tilespmem:s4], [sflag:$0x3], $0x80, v4, vm0, $0xb8;
	[tilespmem:$0x16900] =	vst v63  }
0x21e: {  	s8 =	rddreg [dreg:$0xb]  }
0x21f: {  	[tilespmem:s5], [sflag:$0x1] =	stream.linear.gather [hbm4b:s8+s1], $0x5000, $0x38;
	[tilespmem:$0x16900] =	vst v63  }
0x220: {  	s9 =	rddreg [dreg:$0x1f]  }
0x221: {  	[tilespmem:s14], [sflag:$0x2] =	stream.linear.gather [hbm4b:s9+s1], $0x50, $0x38;
	[tilespmem:$0x16900] =	vst v63  }
0x222: {  	s9 =	sld [smem:$0x7FC];
	_ =	sdelay $0x1  }
0x223: {  	s6 =	simm.s32 @!p1 $0x0;
	s8 =	simm.s32 @!p1 $0xA100  }
0x224: {  	[hbm4b:s9+s6] =	stream.linear.scatter @!p1 [tilespmem:s8], [sflag:$0x4], $0xC800, $0x38;
	[tilespmem:$0x16900] =	vst v63  }
0x225: {  	_ =	swait.ge [sflag:s26], $0x5000  }
0x226: {  	[sflag:s26] =	ssyncset.done $0x0  }
0x227: {  	[sflag:s26] =	ssyncadd.s32 $0xFFFFB000  }
0x228: {  	_ =	swait.ge [sflag:s28], $0x50  }
0x229: {  	[sflag:s28] =	ssyncset.done $0x0  }
0x22a: {  	[sflag:s28] =	ssyncadd.s32 $0xFFFFFFB0  }
0x22b: {  	_ =	swait.ge [sflag:s7], $0x5000  }
0x22c: {  	[sflag:s7] =	ssyncset.done $0x0  }
0x22d: {  	[sflag:s7] =	ssyncadd.s32 $0xFFFFB000  }
0x22e: {  	v4 =	vld [tilespmem:$0x80];
	_ =	sdelay $0x4  }
0x22f: {  	v5 =	vshll.u32 v4, $0x1  }
0x230: {  	v4 =	vand.u32 $0x7, v4;
	v5 =	vand.u32 $0xFFFFFFF0, v5  }
0x231: {  	v4 =	vor.u32 v4, v5  }
0x232: {  	v5 =	vperm.xlane v4, v1;
	_ =	sdelay $0x1  }
0x233: {  	v4 =	vperm.xlane v4, v3;
	v5 =	vadd.s32 v2, v5;
	_ =	sdelay $0x1  }
0x234: {  	v4 =	vadd.s32 v2, v4;
	_ =	sdelay $0x2  }
0x235: {  	[hbm4b:s21+s1] =	stream.indirect_vreg.scatter [tilespmem:s5], [sflag:$0x3], $0x80, v5, vm0, $0xb8;
	[tilespmem:$0x16900] =	vst v63  }
0x236: {  	_ = 	snop  }
0x237: {  	[hbm4b:s21+s1] =	stream.indirect_vreg.scatter [tilespmem:s22], [sflag:$0x3], $0x80, v4, vm0, $0xb8;
	[tilespmem:$0x16900] =	vst v63  }
0x238: {  	v4 =	vld [tilespmem:$0x90];
	_ =	sdelay $0x4  }
0x239: {  	v5 =	vshll.u32 v4, $0x1  }
0x23a: {  	v4 =	vand.u32 $0x7, v4;
	v5 =	vand.u32 $0xFFFFFFF0, v5  }
0x23b: {  	v4 =	vor.u32 v4, v5  }
0x23c: {  	v5 =	vperm.xlane v4, v1;
	_ =	sdelay $0x1  }
0x23d: {  	v4 =	vperm.xlane v4, v3;
	v5 =	vadd.s32 v2, v5;
	_ =	sdelay $0x1  }
0x23e: {  	v4 =	vadd.s32 v2, v4;
	_ =	sdelay $0x2  }
0x23f: {  	[hbm4b:s21+s1] =	stream.indirect_vreg.scatter [tilespmem:s25], [sflag:$0x3], $0x80, v5, vm0, $0xb8;
	[tilespmem:$0x16900] =	vst v63  }
0x240: {  	_ = 	snop  }
0x241: {  	[hbm4b:s21+s1] =	stream.indirect_vreg.scatter [tilespmem:s10], [sflag:$0x3], $0x80, v4, vm0, $0xb8;
	[tilespmem:$0x16900] =	vst v63  }
0x242: {  	v4 =	vld [tilespmem:$0xA0];
	_ =	sdelay $0x4  }
0x243: {  	v5 =	vshll.u32 v4, $0x1  }
0x244: {  	v4 =	vand.u32 $0x7, v4;
	v5 =	vand.u32 $0xFFFFFFF0, v5  }
0x245: {  	v4 =	vor.u32 v4, v5  }
0x246: {  	v5 =	vperm.xlane v4, v1;
	_ =	sdelay $0x1  }
0x247: {  	v4 =	vperm.xlane v4, v3;
	v5 =	vadd.s32 v2, v5;
	_ =	sdelay $0x1  }
0x248: {  	v4 =	vadd.s32 v2, v4;
	_ =	sdelay $0x2  }
0x249: {  	[hbm4b:s21+s1] =	stream.indirect_vreg.scatter [tilespmem:s11], [sflag:$0x3], $0x80, v5, vm0, $0xb8;
	[tilespmem:$0x16900] =	vst v63  }
0x24a: {  	_ = 	snop  }
0x24b: {  	[hbm4b:s21+s1] =	stream.indirect_vreg.scatter [tilespmem:s12], [sflag:$0x3], $0x80, v4, vm0, $0xb8;
	[tilespmem:$0x16900] =	vst v63  }
0x24c: {  	v4 =	vld [tilespmem:$0xB0];
	_ =	sdelay $0x4  }
0x24d: {  	v5 =	vshll.u32 v4, $0x1  }
0x24e: {  	v4 =	vand.u32 $0x7, v4;
	v5 =	vand.u32 $0xFFFFFFF0, v5  }
0x24f: {  	v4 =	vor.u32 v4, v5  }
0x250: {  	v5 =	vperm.xlane v4, v1;
	_ =	sdelay $0x1  }
0x251: {  	v4 =	vperm.xlane v4, v3;
	v5 =	vadd.s32 v2, v5;
	_ =	sdelay $0x1  }
0x252: {  	v4 =	vadd.s32 v2, v4;
	_ =	sdelay $0x2  }
0x253: {  	[hbm4b:s21+s1] =	stream.indirect_vreg.scatter [tilespmem:s13], [sflag:$0x3], $0x80, v5, vm0, $0xb8;
	[tilespmem:$0x16900] =	vst v63  }
0x254: {  	_ = 	snop  }
0x255: {  	[hbm4b:s21+s1] =	stream.indirect_vreg.scatter [tilespmem:s15], [sflag:$0x3], $0x80, v4, vm0, $0xb8;
	[tilespmem:$0x16900] =	vst v63  }
0x256: {  	v4 =	vld [tilespmem:$0xC0];
	_ =	sdelay $0x4  }
0x257: {  	v5 =	vshll.u32 v4, $0x1  }
0x258: {  	v4 =	vand.u32 $0x7, v4;
	v5 =	vand.u32 $0xFFFFFFF0, v5  }
0x259: {  	v4 =	vor.u32 v4, v5  }
0x25a: {  	v5 =	vperm.xlane v4, v1;
	_ =	sdelay $0x1  }
0x25b: {  	v4 =	vperm.xlane v4, v3;
	v5 =	vadd.s32 v2, v5;
	_ =	sdelay $0x1  }
0x25c: {  	v4 =	vadd.s32 v2, v4;
	_ =	sdelay $0x2  }
0x25d: {  	[hbm4b:s21+s1] =	stream.indirect_vreg.scatter [tilespmem:s16], [sflag:$0x3], $0x80, v5, vm0, $0xb8;
	[tilespmem:$0x16900] =	vst v63  }
0x25e: {  	s8 =	rddreg [dreg:$0xc]  }
0x25f: {  	[hbm4b:s21+s1] =	stream.indirect_vreg.scatter [tilespmem:s17], [sflag:$0x3], $0x80, v4, vm0, $0xb8;
	[tilespmem:$0x16900] =	vst v63  }
0x260: {  	s9 =	sld [smem:$0x7E8]  }
0x261: {  	[tilespmem:s24], [sflag:$0x1] =	stream.linear.gather [hbm4b:s8+s1], $0x5000, $0x38;
	[tilespmem:$0x16900] =	vst v63  }
0x262: {  	_ = 	snop  }
0x263: {  	[tilespmem:s1], [sflag:$0x2] =	stream.linear.gather [hbm4b:s9+s1], $0x50, $0x38;
	[tilespmem:$0x16900] =	vst v63  }
0x264: {  	_ =	swait.ge [sflag:s26], $0x5000  }
0x265: {  	[sflag:s26] =	ssyncset.done $0x0  }
0x266: {  	[sflag:s26] =	ssyncadd.s32 $0xFFFFB000  }
0x267: {  	_ =	swait.ge [sflag:s28], $0x50  }
0x268: {  	[sflag:s28] =	ssyncset.done $0x0  }
0x269: {  	[sflag:s28] =	ssyncadd.s32 $0xFFFFFFB0  }
0x26a: {  	_ =	swait.ge [sflag:s7], $0x5000  }
0x26b: {  	[sflag:s7] =	ssyncset.done $0x0  }
0x26c: {  	[sflag:s7] =	ssyncadd.s32 $0xFFFFB000  }
0x26d: {  	v4 =	vld [tilespmem:$0x0];
	_ =	sdelay $0x4  }
0x26e: {  	v5 =	vshll.u32 v4, $0x1  }
0x26f: {  	v4 =	vand.u32 $0x7, v4;
	v5 =	vand.u32 $0xFFFFFFF0, v5  }
0x270: {  	v4 =	vor.u32 v4, v5  }
0x271: {  	v5 =	vperm.xlane v4, v1;
	_ =	sdelay $0x1  }
0x272: {  	v4 =	vperm.xlane v4, v3;
	v5 =	vadd.s32 v2, v5;
	_ =	sdelay $0x1  }
0x273: {  	v4 =	vadd.s32 v2, v4;
	_ =	sdelay $0x2  }
0x274: {  	[hbm4b:s21+s1] =	stream.indirect_vreg.scatter [tilespmem:s24], [sflag:$0x3], $0x80, v5, vm0, $0xb8;
	[tilespmem:$0x16900] =	vst v63  }
0x275: {  	_ = 	snop  }
0x276: {  	[hbm4b:s21+s1] =	stream.indirect_vreg.scatter [tilespmem:s29], [sflag:$0x3], $0x80, v4, vm0, $0xb8;
	[tilespmem:$0x16900] =	vst v63  }
0x277: {  	v4 =	vld [tilespmem:$0x10];
	_ =	sdelay $0x4  }
0x278: {  	v5 =	vshll.u32 v4, $0x1  }
0x279: {  	v4 =	vand.u32 $0x7, v4;
	v5 =	vand.u32 $0xFFFFFFF0, v5  }
0x27a: {  	v4 =	vor.u32 v4, v5  }
0x27b: {  	v5 =	vperm.xlane v4, v1;
	_ =	sdelay $0x1  }
0x27c: {  	v4 =	vperm.xlane v4, v3;
	v5 =	vadd.s32 v2, v5;
	_ =	sdelay $0x1  }
0x27d: {  	v4 =	vadd.s32 v2, v4;
	_ =	sdelay $0x2  }
0x27e: {  	[hbm4b:s21+s1] =	stream.indirect_vreg.scatter [tilespmem:s30], [sflag:$0x3], $0x80, v5, vm0, $0xb8;
	[tilespmem:$0x16900] =	vst v63  }
0x27f: {  	_ = 	snop  }
0x280: {  	[hbm4b:s21+s1] =	stream.indirect_vreg.scatter [tilespmem:s31], [sflag:$0x3], $0x80, v4, vm0, $0xb8;
	[tilespmem:$0x16900] =	vst v63  }
0x281: {  	v4 =	vld [tilespmem:$0x20];
	_ =	sdelay $0x4  }
0x282: {  	v5 =	vshll.u32 v4, $0x1  }
0x283: {  	v4 =	vand.u32 $0x7, v4;
	v5 =	vand.u32 $0xFFFFFFF0, v5  }
0x284: {  	v4 =	vor.u32 v4, v5  }
0x285: {  	v5 =	vperm.xlane v4, v1;
	_ =	sdelay $0x1  }
0x286: {  	v4 =	vperm.xlane v4, v3;
	v5 =	vadd.s32 v2, v5;
	_ =	sdelay $0x1  }
0x287: {  	v4 =	vadd.s32 v2, v4;
	_ =	sdelay $0x2  }
0x288: {  	[hbm4b:s21+s1] =	stream.indirect_vreg.scatter [tilespmem:s20], [sflag:$0x3], $0x80, v5, vm0, $0xb8;
	[tilespmem:$0x16900] =	vst v63  }
0x289: {  	_ = 	snop  }
0x28a: {  	[hbm4b:s21+s1] =	stream.indirect_vreg.scatter [tilespmem:s0], [sflag:$0x3], $0x80, v4, vm0, $0xb8;
	[tilespmem:$0x16900] =	vst v63  }
0x28b: {  	v4 =	vld [tilespmem:$0x30];
	_ =	sdelay $0x4  }
0x28c: {  	v5 =	vshll.u32 v4, $0x1  }
0x28d: {  	v4 =	vand.u32 $0x7, v4;
	v5 =	vand.u32 $0xFFFFFFF0, v5  }
0x28e: {  	v4 =	vor.u32 v4, v5  }
0x28f: {  	v5 =	vperm.xlane v4, v1;
	_ =	sdelay $0x1  }
0x290: {  	v4 =	vperm.xlane v4, v3;
	v5 =	vadd.s32 v2, v5;
	_ =	sdelay $0x1  }
0x291: {  	v4 =	vadd.s32 v2, v4;
	_ =	sdelay $0x2  }
0x292: {  	[hbm4b:s21+s1] =	stream.indirect_vreg.scatter [tilespmem:s23], [sflag:$0x3], $0x80, v5, vm0, $0xb8;
	[tilespmem:$0x16900] =	vst v63  }
0x293: {  	_ = 	snop  }
0x294: {  	[hbm4b:s21+s1] =	stream.indirect_vreg.scatter [tilespmem:s2], [sflag:$0x3], $0x80, v4, vm0, $0xb8;
	[tilespmem:$0x16900] =	vst v63  }
0x295: {  	v4 =	vld [tilespmem:$0x40];
	_ =	sdelay $0x4  }
0x296: {  	v5 =	vshll.u32 v4, $0x1  }
0x297: {  	v4 =	vand.u32 $0x7, v4;
	v5 =	vand.u32 $0xFFFFFFF0, v5  }
0x298: {  	v4 =	vor.u32 v4, v5  }
0x299: {  	v5 =	vperm.xlane v4, v1;
	_ =	sdelay $0x1  }
0x29a: {  	v4 =	vperm.xlane v4, v3;
	v5 =	vadd.s32 v2, v5;
	_ =	sdelay $0x1  }
0x29b: {  	v4 =	vadd.s32 v2, v4;
	_ =	sdelay $0x2  }
0x29c: {  	[hbm4b:s21+s1] =	stream.indirect_vreg.scatter [tilespmem:s3], [sflag:$0x3], $0x80, v5, vm0, $0xb8;
	[tilespmem:$0x16900] =	vst v63  }
0x29d: {  	s8 =	rddreg [dreg:$0xd]  }
0x29e: {  	[hbm4b:s21+s1] =	stream.indirect_vreg.scatter [tilespmem:s4], [sflag:$0x3], $0x80, v4, vm0, $0xb8;
	[tilespmem:$0x16900] =	vst v63  }
0x29f: {  	s9 =	sld [smem:$0x7E9]  }
0x2a0: {  	[tilespmem:s5], [sflag:$0x1] =	stream.linear.gather [hbm4b:s8+s1], $0x5000, $0x38;
	[tilespmem:$0x16900] =	vst v63  }
0x2a1: {  	_ = 	snop  }
0x2a2: {  	[tilespmem:s14], [sflag:$0x2] =	stream.linear.gather [hbm4b:s9+s1], $0x50, $0x38;
	[tilespmem:$0x16900] =	vst v63  }
0x2a3: {  	_ =	swait.ge [sflag:s26], $0x5000  }
0x2a4: {  	[sflag:s26] =	ssyncset.done $0x0  }
0x2a5: {  	[sflag:s26] =	ssyncadd.s32 $0xFFFFB000  }
0x2a6: {  	_ =	swait.ge [sflag:s28], $0x50  }
0x2a7: {  	[sflag:s28] =	ssyncset.done $0x0  }
0x2a8: {  	[sflag:s28] =	ssyncadd.s32 $0xFFFFFFB0  }
0x2a9: {  	_ =	swait.ge [sflag:s7], $0x5000  }
0x2aa: {  	[sflag:s7] =	ssyncset.done $0x0  }
0x2ab: {  	[sflag:s7] =	ssyncadd.s32 $0xFFFFB000  }
0x2ac: {  	v4 =	vld [tilespmem:$0x80];
	_ =	sdelay $0x4  }
0x2ad: {  	v5 =	vshll.u32 v4, $0x1  }
0x2ae: {  	v4 =	vand.u32 $0x7, v4;
	v5 =	vand.u32 $0xFFFFFFF0, v5  }
0x2af: {  	v4 =	vor.u32 v4, v5  }
0x2b0: {  	v5 =	vperm.xlane v4, v1;
	_ =	sdelay $0x1  }
0x2b1: {  	v4 =	vperm.xlane v4, v3;
	v5 =	vadd.s32 v2, v5;
	_ =	sdelay $0x1  }
0x2b2: {  	v4 =	vadd.s32 v2, v4;
	_ =	sdelay $0x2  }
0x2b3: {  	[hbm4b:s21+s1] =	stream.indirect_vreg.scatter [tilespmem:s5], [sflag:$0x3], $0x80, v5, vm0, $0xb8;
	[tilespmem:$0x16900] =	vst v63  }
0x2b4: {  	_ = 	snop  }
0x2b5: {  	[hbm4b:s21+s1] =	stream.indirect_vreg.scatter [tilespmem:s22], [sflag:$0x3], $0x80, v4, vm0, $0xb8;
	[tilespmem:$0x16900] =	vst v63  }
0x2b6: {  	v4 =	vld [tilespmem:$0x90];
	_ =	sdelay $0x4  }
0x2b7: {  	v5 =	vshll.u32 v4, $0x1  }
0x2b8: {  	v4 =	vand.u32 $0x7, v4;
	v5 =	vand.u32 $0xFFFFFFF0, v5  }
0x2b9: {  	v4 =	vor.u32 v4, v5  }
0x2ba: {  	v5 =	vperm.xlane v4, v1;
	_ =	sdelay $0x1  }
0x2bb: {  	v4 =	vperm.xlane v4, v3;
	v5 =	vadd.s32 v2, v5;
	_ =	sdelay $0x1  }
0x2bc: {  	v4 =	vadd.s32 v2, v4;
	_ =	sdelay $0x2  }
0x2bd: {  	[hbm4b:s21+s1] =	stream.indirect_vreg.scatter [tilespmem:s25], [sflag:$0x3], $0x80, v5, vm0, $0xb8;
	[tilespmem:$0x16900] =	vst v63  }
0x2be: {  	_ = 	snop  }
0x2bf: {  	[hbm4b:s21+s1] =	stream.indirect_vreg.scatter [tilespmem:s10], [sflag:$0x3], $0x80, v4, vm0, $0xb8;
	[tilespmem:$0x16900] =	vst v63  }
0x2c0: {  	v4 =	vld [tilespmem:$0xA0];
	_ =	sdelay $0x4  }
0x2c1: {  	v5 =	vshll.u32 v4, $0x1  }
0x2c2: {  	v4 =	vand.u32 $0x7, v4;
	v5 =	vand.u32 $0xFFFFFFF0, v5  }
0x2c3: {  	v4 =	vor.u32 v4, v5  }
0x2c4: {  	v5 =	vperm.xlane v4, v1;
	_ =	sdelay $0x1  }
0x2c5: {  	v4 =	vperm.xlane v4, v3;
	v5 =	vadd.s32 v2, v5;
	_ =	sdelay $0x1  }
0x2c6: {  	v4 =	vadd.s32 v2, v4;
	_ =	sdelay $0x2  }
0x2c7: {  	[hbm4b:s21+s1] =	stream.indirect_vreg.scatter [tilespmem:s11], [sflag:$0x3], $0x80, v5, vm0, $0xb8;
	[tilespmem:$0x16900] =	vst v63  }
0x2c8: {  	_ = 	snop  }
0x2c9: {  	[hbm4b:s21+s1] =	stream.indirect_vreg.scatter [tilespmem:s12], [sflag:$0x3], $0x80, v4, vm0, $0xb8;
	[tilespmem:$0x16900] =	vst v63  }
0x2ca: {  	v4 =	vld [tilespmem:$0xB0];
	_ =	sdelay $0x4  }
0x2cb: {  	v5 =	vshll.u32 v4, $0x1  }
0x2cc: {  	v4 =	vand.u32 $0x7, v4;
	v5 =	vand.u32 $0xFFFFFFF0, v5  }
0x2cd: {  	v4 =	vor.u32 v4, v5  }
0x2ce: {  	v5 =	vperm.xlane v4, v1;
	_ =	sdelay $0x1  }
0x2cf: {  	v4 =	vperm.xlane v4, v3;
	v5 =	vadd.s32 v2, v5;
	_ =	sdelay $0x1  }
0x2d0: {  	v4 =	vadd.s32 v2, v4;
	_ =	sdelay $0x2  }
0x2d1: {  	[hbm4b:s21+s1] =	stream.indirect_vreg.scatter [tilespmem:s13], [sflag:$0x3], $0x80, v5, vm0, $0xb8;
	[tilespmem:$0x16900] =	vst v63  }
0x2d2: {  	_ = 	snop  }
0x2d3: {  	[hbm4b:s21+s1] =	stream.indirect_vreg.scatter [tilespmem:s15], [sflag:$0x3], $0x80, v4, vm0, $0xb8;
	[tilespmem:$0x16900] =	vst v63  }
0x2d4: {  	v4 =	vld [tilespmem:$0xC0];
	_ =	sdelay $0x4  }
0x2d5: {  	v5 =	vshll.u32 v4, $0x1  }
0x2d6: {  	v4 =	vand.u32 $0x7, v4;
	v5 =	vand.u32 $0xFFFFFFF0, v5  }
0x2d7: {  	v4 =	vor.u32 v4, v5  }
0x2d8: {  	v5 =	vperm.xlane v4, v1;
	_ =	sdelay $0x1  }
0x2d9: {  	v4 =	vperm.xlane v4, v3;
	v5 =	vadd.s32 v2, v5;
	_ =	sdelay $0x1  }
0x2da: {  	v4 =	vadd.s32 v2, v4;
	_ =	sdelay $0x2  }
0x2db: {  	[hbm4b:s21+s1] =	stream.indirect_vreg.scatter [tilespmem:s16], [sflag:$0x3], $0x80, v5, vm0, $0xb8;
	[tilespmem:$0x16900] =	vst v63  }
0x2dc: {  	s8 =	rddreg [dreg:$0xe]  }
0x2dd: {  	[hbm4b:s21+s1] =	stream.indirect_vreg.scatter [tilespmem:s17], [sflag:$0x3], $0x80, v4, vm0, $0xb8;
	[tilespmem:$0x16900] =	vst v63  }
0x2de: {  	s9 =	sld [smem:$0x7EA]  }
0x2df: {  	[tilespmem:s24], [sflag:$0x1] =	stream.linear.gather [hbm4b:s8+s1], $0x5000, $0x38;
	[tilespmem:$0x16900] =	vst v63  }
0x2e0: {  	_ = 	snop  }
0x2e1: {  	[tilespmem:s1], [sflag:$0x2] =	stream.linear.gather [hbm4b:s9+s1], $0x50, $0x38;
	[tilespmem:$0x16900] =	vst v63  }
0x2e2: {  	_ =	swait.ge [sflag:s26], $0x5000  }
0x2e3: {  	[sflag:s26] =	ssyncset.done $0x0  }
0x2e4: {  	[sflag:s26] =	ssyncadd.s32 $0xFFFFB000  }
0x2e5: {  	_ =	swait.ge [sflag:s28], $0x50  }
0x2e6: {  	[sflag:s28] =	ssyncset.done $0x0  }
0x2e7: {  	[sflag:s28] =	ssyncadd.s32 $0xFFFFFFB0  }
0x2e8: {  	_ =	swait.ge [sflag:s7], $0x5000  }
0x2e9: {  	[sflag:s7] =	ssyncset.done $0x0  }
0x2ea: {  	[sflag:s7] =	ssyncadd.s32 $0xFFFFB000  }
0x2eb: {  	v4 =	vld [tilespmem:$0x0];
	_ =	sdelay $0x4  }
0x2ec: {  	v5 =	vshll.u32 v4, $0x1  }
0x2ed: {  	v4 =	vand.u32 $0x7, v4;
	v5 =	vand.u32 $0xFFFFFFF0, v5  }
0x2ee: {  	v4 =	vor.u32 v4, v5  }
0x2ef: {  	v5 =	vperm.xlane v4, v1;
	_ =	sdelay $0x1  }
0x2f0: {  	v4 =	vperm.xlane v4, v3;
	v5 =	vadd.s32 v2, v5;
	_ =	sdelay $0x1  }
0x2f1: {  	v4 =	vadd.s32 v2, v4;
	_ =	sdelay $0x2  }
0x2f2: {  	[hbm4b:s21+s1] =	stream.indirect_vreg.scatter [tilespmem:s24], [sflag:$0x3], $0x80, v5, vm0, $0xb8;
	[tilespmem:$0x16900] =	vst v63  }
0x2f3: {  	_ = 	snop  }
0x2f4: {  	[hbm4b:s21+s1] =	stream.indirect_vreg.scatter [tilespmem:s29], [sflag:$0x3], $0x80, v4, vm0, $0xb8;
	[tilespmem:$0x16900] =	vst v63  }
0x2f5: {  	v4 =	vld [tilespmem:$0x10];
	_ =	sdelay $0x4  }
0x2f6: {  	v5 =	vshll.u32 v4, $0x1  }
0x2f7: {  	v4 =	vand.u32 $0x7, v4;
	v5 =	vand.u32 $0xFFFFFFF0, v5  }
0x2f8: {  	v4 =	vor.u32 v4, v5  }
0x2f9: {  	v5 =	vperm.xlane v4, v1;
	_ =	sdelay $0x1  }
0x2fa: {  	v4 =	vperm.xlane v4, v3;
	v5 =	vadd.s32 v2, v5;
	_ =	sdelay $0x1  }
0x2fb: {  	v4 =	vadd.s32 v2, v4;
	_ =	sdelay $0x2  }
0x2fc: {  	[hbm4b:s21+s1] =	stream.indirect_vreg.scatter [tilespmem:s30], [sflag:$0x3], $0x80, v5, vm0, $0xb8;
	[tilespmem:$0x16900] =	vst v63  }
0x2fd: {  	_ = 	snop  }
0x2fe: {  	[hbm4b:s21+s1] =	stream.indirect_vreg.scatter [tilespmem:s31], [sflag:$0x3], $0x80, v4, vm0, $0xb8;
	[tilespmem:$0x16900] =	vst v63  }
0x2ff: {  	v4 =	vld [tilespmem:$0x20];
	_ =	sdelay $0x4  }
0x300: {  	v5 =	vshll.u32 v4, $0x1  }
0x301: {  	v4 =	vand.u32 $0x7, v4;
	v5 =	vand.u32 $0xFFFFFFF0, v5  }
0x302: {  	v4 =	vor.u32 v4, v5  }
0x303: {  	v5 =	vperm.xlane v4, v1;
	_ =	sdelay $0x1  }
0x304: {  	v4 =	vperm.xlane v4, v3;
	v5 =	vadd.s32 v2, v5;
	_ =	sdelay $0x1  }
0x305: {  	v4 =	vadd.s32 v2, v4;
	_ =	sdelay $0x2  }
0x306: {  	[hbm4b:s21+s1] =	stream.indirect_vreg.scatter [tilespmem:s20], [sflag:$0x3], $0x80, v5, vm0, $0xb8;
	[tilespmem:$0x16900] =	vst v63  }
0x307: {  	_ = 	snop  }
0x308: {  	[hbm4b:s21+s1] =	stream.indirect_vreg.scatter [tilespmem:s0], [sflag:$0x3], $0x80, v4, vm0, $0xb8;
	[tilespmem:$0x16900] =	vst v63  }
0x309: {  	v4 =	vld [tilespmem:$0x30];
	_ =	sdelay $0x4  }
0x30a: {  	v5 =	vshll.u32 v4, $0x1  }
0x30b: {  	v4 =	vand.u32 $0x7, v4;
	v5 =	vand.u32 $0xFFFFFFF0, v5  }
0x30c: {  	v4 =	vor.u32 v4, v5  }
0x30d: {  	v5 =	vperm.xlane v4, v1;
	_ =	sdelay $0x1  }
0x30e: {  	v4 =	vperm.xlane v4, v3;
	v5 =	vadd.s32 v2, v5;
	_ =	sdelay $0x1  }
0x30f: {  	v4 =	vadd.s32 v2, v4;
	_ =	sdelay $0x2  }
0x310: {  	[hbm4b:s21+s1] =	stream.indirect_vreg.scatter [tilespmem:s23], [sflag:$0x3], $0x80, v5, vm0, $0xb8;
	[tilespmem:$0x16900] =	vst v63  }
0x311: {  	_ = 	snop  }
0x312: {  	[hbm4b:s21+s1] =	stream.indirect_vreg.scatter [tilespmem:s2], [sflag:$0x3], $0x80, v4, vm0, $0xb8;
	[tilespmem:$0x16900] =	vst v63  }
0x313: {  	v4 =	vld [tilespmem:$0x40];
	_ =	sdelay $0x4  }
0x314: {  	v5 =	vshll.u32 v4, $0x1  }
0x315: {  	v4 =	vand.u32 $0x7, v4;
	v5 =	vand.u32 $0xFFFFFFF0, v5  }
0x316: {  	v4 =	vor.u32 v4, v5  }
0x317: {  	v5 =	vperm.xlane v4, v1;
	_ =	sdelay $0x1  }
0x318: {  	v4 =	vperm.xlane v4, v3;
	v5 =	vadd.s32 v2, v5;
	_ =	sdelay $0x1  }
0x319: {  	v4 =	vadd.s32 v2, v4;
	_ =	sdelay $0x2  }
0x31a: {  	[hbm4b:s21+s1] =	stream.indirect_vreg.scatter [tilespmem:s3], [sflag:$0x3], $0x80, v5, vm0, $0xb8;
	[tilespmem:$0x16900] =	vst v63  }
0x31b: {  	s8 =	rddreg [dreg:$0xf]  }
0x31c: {  	[hbm4b:s21+s1] =	stream.indirect_vreg.scatter [tilespmem:s4], [sflag:$0x3], $0x80, v4, vm0, $0xb8;
	[tilespmem:$0x16900] =	vst v63  }
0x31d: {  	s9 =	sld [smem:$0x7EB]  }
0x31e: {  	[tilespmem:s5], [sflag:$0x1] =	stream.linear.gather [hbm4b:s8+s1], $0x5000, $0x38;
	[tilespmem:$0x16900] =	vst v63  }
0x31f: {  	_ = 	snop  }
0x320: {  	[tilespmem:s14], [sflag:$0x2] =	stream.linear.gather [hbm4b:s9+s1], $0x50, $0x38;
	[tilespmem:$0x16900] =	vst v63  }
0x321: {  	_ =	swait.ge [sflag:s26], $0x5000  }
0x322: {  	[sflag:s26] =	ssyncset.done $0x0  }
0x323: {  	[sflag:s26] =	ssyncadd.s32 $0xFFFFB000  }
0x324: {  	_ =	swait.ge [sflag:s28], $0x50  }
0x325: {  	[sflag:s28] =	ssyncset.done $0x0  }
0x326: {  	[sflag:s28] =	ssyncadd.s32 $0xFFFFFFB0  }
0x327: {  	_ =	swait.ge [sflag:s7], $0x5000  }
0x328: {  	[sflag:s7] =	ssyncset.done $0x0  }
0x329: {  	[sflag:s7] =	ssyncadd.s32 $0xFFFFB000  }
0x32a: {  	v4 =	vld [tilespmem:$0x80];
	_ =	sdelay $0x4  }
0x32b: {  	v5 =	vshll.u32 v4, $0x1  }
0x32c: {  	v4 =	vand.u32 $0x7, v4;
	v5 =	vand.u32 $0xFFFFFFF0, v5  }
0x32d: {  	v4 =	vor.u32 v4, v5  }
0x32e: {  	v5 =	vperm.xlane v4, v1;
	_ =	sdelay $0x1  }
0x32f: {  	v4 =	vperm.xlane v4, v3;
	v5 =	vadd.s32 v2, v5;
	_ =	sdelay $0x1  }
0x330: {  	v4 =	vadd.s32 v2, v4;
	_ =	sdelay $0x2  }
0x331: {  	[hbm4b:s21+s1] =	stream.indirect_vreg.scatter [tilespmem:s5], [sflag:$0x3], $0x80, v5, vm0, $0xb8;
	[tilespmem:$0x16900] =	vst v63  }
0x332: {  	_ = 	snop  }
0x333: {  	[hbm4b:s21+s1] =	stream.indirect_vreg.scatter [tilespmem:s22], [sflag:$0x3], $0x80, v4, vm0, $0xb8;
	[tilespmem:$0x16900] =	vst v63  }
0x334: {  	v4 =	vld [tilespmem:$0x90];
	_ =	sdelay $0x4  }
0x335: {  	v5 =	vshll.u32 v4, $0x1  }
0x336: {  	v4 =	vand.u32 $0x7, v4;
	v5 =	vand.u32 $0xFFFFFFF0, v5  }
0x337: {  	v4 =	vor.u32 v4, v5  }
0x338: {  	v5 =	vperm.xlane v4, v1;
	_ =	sdelay $0x1  }
0x339: {  	v4 =	vperm.xlane v4, v3;
	v5 =	vadd.s32 v2, v5;
	_ =	sdelay $0x1  }
0x33a: {  	v4 =	vadd.s32 v2, v4;
	_ =	sdelay $0x2  }
0x33b: {  	[hbm4b:s21+s1] =	stream.indirect_vreg.scatter [tilespmem:s25], [sflag:$0x3], $0x80, v5, vm0, $0xb8;
	[tilespmem:$0x16900] =	vst v63  }
0x33c: {  	_ = 	snop  }
0x33d: {  	[hbm4b:s21+s1] =	stream.indirect_vreg.scatter [tilespmem:s10], [sflag:$0x3], $0x80, v4, vm0, $0xb8;
	[tilespmem:$0x16900] =	vst v63  }
0x33e: {  	v4 =	vld [tilespmem:$0xA0];
	_ =	sdelay $0x4  }
0x33f: {  	v5 =	vshll.u32 v4, $0x1  }
0x340: {  	v4 =	vand.u32 $0x7, v4;
	v5 =	vand.u32 $0xFFFFFFF0, v5  }
0x341: {  	v4 =	vor.u32 v4, v5  }
0x342: {  	v5 =	vperm.xlane v4, v1;
	_ =	sdelay $0x1  }
0x343: {  	v4 =	vperm.xlane v4, v3;
	v5 =	vadd.s32 v2, v5;
	_ =	sdelay $0x1  }
0x344: {  	v4 =	vadd.s32 v2, v4;
	_ =	sdelay $0x2  }
0x345: {  	[hbm4b:s21+s1] =	stream.indirect_vreg.scatter [tilespmem:s11], [sflag:$0x3], $0x80, v5, vm0, $0xb8;
	[tilespmem:$0x16900] =	vst v63  }
0x346: {  	_ = 	snop  }
0x347: {  	[hbm4b:s21+s1] =	stream.indirect_vreg.scatter [tilespmem:s12], [sflag:$0x3], $0x80, v4, vm0, $0xb8;
	[tilespmem:$0x16900] =	vst v63  }
0x348: {  	v4 =	vld [tilespmem:$0xB0];
	_ =	sdelay $0x4  }
0x349: {  	v5 =	vshll.u32 v4, $0x1  }
0x34a: {  	v4 =	vand.u32 $0x7, v4;
	v5 =	vand.u32 $0xFFFFFFF0, v5  }
0x34b: {  	v4 =	vor.u32 v4, v5  }
0x34c: {  	v5 =	vperm.xlane v4, v1;
	_ =	sdelay $0x1  }
0x34d: {  	v4 =	vperm.xlane v4, v3;
	v5 =	vadd.s32 v2, v5;
	_ =	sdelay $0x1  }
0x34e: {  	v4 =	vadd.s32 v2, v4;
	_ =	sdelay $0x2  }
0x34f: {  	[hbm4b:s21+s1] =	stream.indirect_vreg.scatter [tilespmem:s13], [sflag:$0x3], $0x80, v5, vm0, $0xb8;
	[tilespmem:$0x16900] =	vst v63  }
0x350: {  	_ = 	snop  }
0x351: {  	[hbm4b:s21+s1] =	stream.indirect_vreg.scatter [tilespmem:s15], [sflag:$0x3], $0x80, v4, vm0, $0xb8;
	[tilespmem:$0x16900] =	vst v63  }
0x352: {  	v4 =	vld [tilespmem:$0xC0];
	_ =	sdelay $0x4  }
0x353: {  	v5 =	vshll.u32 v4, $0x1  }
0x354: {  	v4 =	vand.u32 $0x7, v4;
	v5 =	vand.u32 $0xFFFFFFF0, v5  }
0x355: {  	v4 =	vor.u32 v4, v5  }
0x356: {  	v5 =	vperm.xlane v4, v1;
	_ =	sdelay $0x1  }
0x357: {  	v4 =	vperm.xlane v4, v3;
	v5 =	vadd.s32 v2, v5;
	_ =	sdelay $0x1  }
0x358: {  	v4 =	vadd.s32 v2, v4;
	_ =	sdelay $0x2  }
0x359: {  	[hbm4b:s21+s1] =	stream.indirect_vreg.scatter [tilespmem:s16], [sflag:$0x3], $0x80, v5, vm0, $0xb8;
	[tilespmem:$0x16900] =	vst v63  }
0x35a: {  	s8 =	rddreg [dreg:$0x10]  }
0x35b: {  	[hbm4b:s21+s1] =	stream.indirect_vreg.scatter [tilespmem:s17], [sflag:$0x3], $0x80, v4, vm0, $0xb8;
	[tilespmem:$0x16900] =	vst v63  }
0x35c: {  	s9 =	sld [smem:$0x7EC]  }
0x35d: {  	[tilespmem:s24], [sflag:$0x1] =	stream.linear.gather [hbm4b:s8+s1], $0x5000, $0x38;
	[tilespmem:$0x16900] =	vst v63  }
0x35e: {  	_ = 	snop  }
0x35f: {  	[tilespmem:s1], [sflag:$0x2] =	stream.linear.gather [hbm4b:s9+s1], $0x50, $0x38;
	[tilespmem:$0x16900] =	vst v63  }
0x360: {  	_ =	swait.ge [sflag:s26], $0x5000  }
0x361: {  	[sflag:s26] =	ssyncset.done $0x0  }
0x362: {  	[sflag:s26] =	ssyncadd.s32 $0xFFFFB000  }
0x363: {  	_ =	swait.ge [sflag:s28], $0x50  }
0x364: {  	[sflag:s28] =	ssyncset.done $0x0  }
0x365: {  	[sflag:s28] =	ssyncadd.s32 $0xFFFFFFB0  }
0x366: {  	_ =	swait.ge [sflag:s7], $0x5000  }
0x367: {  	[sflag:s7] =	ssyncset.done $0x0  }
0x368: {  	[sflag:s7] =	ssyncadd.s32 $0xFFFFB000  }
0x369: {  	v4 =	vld [tilespmem:$0x0];
	_ =	sdelay $0x4  }
0x36a: {  	v5 =	vshll.u32 v4, $0x1  }
0x36b: {  	v4 =	vand.u32 $0x7, v4;
	v5 =	vand.u32 $0xFFFFFFF0, v5  }
0x36c: {  	v4 =	vor.u32 v4, v5  }
0x36d: {  	v5 =	vperm.xlane v4, v1;
	_ =	sdelay $0x1  }
0x36e: {  	v4 =	vperm.xlane v4, v3;
	v5 =	vadd.s32 v2, v5;
	_ =	sdelay $0x1  }
0x36f: {  	v4 =	vadd.s32 v2, v4;
	_ =	sdelay $0x2  }
0x370: {  	[hbm4b:s21+s1] =	stream.indirect_vreg.scatter [tilespmem:s24], [sflag:$0x3], $0x80, v5, vm0, $0xb8;
	[tilespmem:$0x16900] =	vst v63  }
0x371: {  	_ = 	snop  }
0x372: {  	[hbm4b:s21+s1] =	stream.indirect_vreg.scatter [tilespmem:s29], [sflag:$0x3], $0x80, v4, vm0, $0xb8;
	[tilespmem:$0x16900] =	vst v63  }
0x373: {  	v4 =	vld [tilespmem:$0x10];
	_ =	sdelay $0x4  }
0x374: {  	v5 =	vshll.u32 v4, $0x1  }
0x375: {  	v4 =	vand.u32 $0x7, v4;
	v5 =	vand.u32 $0xFFFFFFF0, v5  }
0x376: {  	v4 =	vor.u32 v4, v5  }
0x377: {  	v5 =	vperm.xlane v4, v1;
	_ =	sdelay $0x1  }
0x378: {  	v4 =	vperm.xlane v4, v3;
	v5 =	vadd.s32 v2, v5;
	_ =	sdelay $0x1  }
0x379: {  	v4 =	vadd.s32 v2, v4;
	_ =	sdelay $0x2  }
0x37a: {  	[hbm4b:s21+s1] =	stream.indirect_vreg.scatter [tilespmem:s30], [sflag:$0x3], $0x80, v5, vm0, $0xb8;
	[tilespmem:$0x16900] =	vst v63  }
0x37b: {  	_ = 	snop  }
0x37c: {  	[hbm4b:s21+s1] =	stream.indirect_vreg.scatter [tilespmem:s31], [sflag:$0x3], $0x80, v4, vm0, $0xb8;
	[tilespmem:$0x16900] =	vst v63  }
0x37d: {  	v4 =	vld [tilespmem:$0x20];
	_ =	sdelay $0x4  }
0x37e: {  	v5 =	vshll.u32 v4, $0x1  }
0x37f: {  	v4 =	vand.u32 $0x7, v4;
	v5 =	vand.u32 $0xFFFFFFF0, v5  }
0x380: {  	v4 =	vor.u32 v4, v5  }
0x381: {  	v5 =	vperm.xlane v4, v1;
	_ =	sdelay $0x1  }
0x382: {  	v4 =	vperm.xlane v4, v3;
	v5 =	vadd.s32 v2, v5;
	_ =	sdelay $0x1  }
0x383: {  	v4 =	vadd.s32 v2, v4;
	_ =	sdelay $0x2  }
0x384: {  	[hbm4b:s21+s1] =	stream.indirect_vreg.scatter [tilespmem:s20], [sflag:$0x3], $0x80, v5, vm0, $0xb8;
	[tilespmem:$0x16900] =	vst v63  }
0x385: {  	_ = 	snop  }
0x386: {  	[hbm4b:s21+s1] =	stream.indirect_vreg.scatter [tilespmem:s0], [sflag:$0x3], $0x80, v4, vm0, $0xb8;
	[tilespmem:$0x16900] =	vst v63  }
0x387: {  	v4 =	vld [tilespmem:$0x30];
	_ =	sdelay $0x4  }
0x388: {  	v5 =	vshll.u32 v4, $0x1  }
0x389: {  	v4 =	vand.u32 $0x7, v4;
	v5 =	vand.u32 $0xFFFFFFF0, v5  }
0x38a: {  	v4 =	vor.u32 v4, v5  }
0x38b: {  	v5 =	vperm.xlane v4, v1;
	_ =	sdelay $0x1  }
0x38c: {  	v4 =	vperm.xlane v4, v3;
	v5 =	vadd.s32 v2, v5;
	_ =	sdelay $0x1  }
0x38d: {  	v4 =	vadd.s32 v2, v4;
	_ =	sdelay $0x2  }
0x38e: {  	[hbm4b:s21+s1] =	stream.indirect_vreg.scatter [tilespmem:s23], [sflag:$0x3], $0x80, v5, vm0, $0xb8;
	[tilespmem:$0x16900] =	vst v63  }
0x38f: {  	_ = 	snop  }
0x390: {  	[hbm4b:s21+s1] =	stream.indirect_vreg.scatter [tilespmem:s2], [sflag:$0x3], $0x80, v4, vm0, $0xb8;
	[tilespmem:$0x16900] =	vst v63  }
0x391: {  	v4 =	vld [tilespmem:$0x40];
	_ =	sdelay $0x4  }
0x392: {  	v5 =	vshll.u32 v4, $0x1  }
0x393: {  	v4 =	vand.u32 $0x7, v4;
	v5 =	vand.u32 $0xFFFFFFF0, v5  }
0x394: {  	v4 =	vor.u32 v4, v5  }
0x395: {  	v5 =	vperm.xlane v4, v1;
	_ =	sdelay $0x1  }
0x396: {  	v4 =	vperm.xlane v4, v3;
	v5 =	vadd.s32 v2, v5;
	_ =	sdelay $0x1  }
0x397: {  	v4 =	vadd.s32 v2, v4;
	_ =	sdelay $0x2  }
0x398: {  	[hbm4b:s21+s1] =	stream.indirect_vreg.scatter [tilespmem:s3], [sflag:$0x3], $0x80, v5, vm0, $0xb8;
	[tilespmem:$0x16900] =	vst v63  }
0x399: {  	s8 =	rddreg [dreg:$0x11]  }
0x39a: {  	[hbm4b:s21+s1] =	stream.indirect_vreg.scatter [tilespmem:s4], [sflag:$0x3], $0x80, v4, vm0, $0xb8;
	[tilespmem:$0x16900] =	vst v63  }
0x39b: {  	s9 =	sld [smem:$0x7ED]  }
0x39c: {  	[tilespmem:s5], [sflag:$0x1] =	stream.linear.gather [hbm4b:s8+s1], $0x5000, $0x38;
	[tilespmem:$0x16900] =	vst v63  }
0x39d: {  	_ = 	snop  }
0x39e: {  	[tilespmem:s14], [sflag:$0x2] =	stream.linear.gather [hbm4b:s9+s1], $0x50, $0x38;
	[tilespmem:$0x16900] =	vst v63  }
0x39f: {  	_ =	swait.ge [sflag:s26], $0x5000  }
0x3a0: {  	[sflag:s26] =	ssyncset.done $0x0  }
0x3a1: {  	[sflag:s26] =	ssyncadd.s32 $0xFFFFB000  }
0x3a2: {  	_ =	swait.ge [sflag:s28], $0x50  }
0x3a3: {  	[sflag:s28] =	ssyncset.done $0x0  }
0x3a4: {  	[sflag:s28] =	ssyncadd.s32 $0xFFFFFFB0  }
0x3a5: {  	_ =	swait.ge [sflag:s7], $0x5000  }
0x3a6: {  	[sflag:s7] =	ssyncset.done $0x0  }
0x3a7: {  	[sflag:s7] =	ssyncadd.s32 $0xFFFFB000  }
0x3a8: {  	v4 =	vld [tilespmem:$0x80];
	_ =	sdelay $0x4  }
0x3a9: {  	v5 =	vshll.u32 v4, $0x1  }
0x3aa: {  	v4 =	vand.u32 $0x7, v4;
	v5 =	vand.u32 $0xFFFFFFF0, v5  }
0x3ab: {  	v4 =	vor.u32 v4, v5  }
0x3ac: {  	v5 =	vperm.xlane v4, v1;
	_ =	sdelay $0x1  }
0x3ad: {  	v4 =	vperm.xlane v4, v3;
	v5 =	vadd.s32 v2, v5;
	_ =	sdelay $0x1  }
0x3ae: {  	v4 =	vadd.s32 v2, v4;
	_ =	sdelay $0x2  }
0x3af: {  	[hbm4b:s21+s1] =	stream.indirect_vreg.scatter [tilespmem:s5], [sflag:$0x3], $0x80, v5, vm0, $0xb8;
	[tilespmem:$0x16900] =	vst v63  }
0x3b0: {  	_ = 	snop  }
0x3b1: {  	[hbm4b:s21+s1] =	stream.indirect_vreg.scatter [tilespmem:s22], [sflag:$0x3], $0x80, v4, vm0, $0xb8;
	[tilespmem:$0x16900] =	vst v63  }
0x3b2: {  	v4 =	vld [tilespmem:$0x90];
	_ =	sdelay $0x4  }
0x3b3: {  	v5 =	vshll.u32 v4, $0x1  }
0x3b4: {  	v4 =	vand.u32 $0x7, v4;
	v5 =	vand.u32 $0xFFFFFFF0, v5  }
0x3b5: {  	v4 =	vor.u32 v4, v5  }
0x3b6: {  	v5 =	vperm.xlane v4, v1;
	_ =	sdelay $0x1  }
0x3b7: {  	v4 =	vperm.xlane v4, v3;
	v5 =	vadd.s32 v2, v5;
	_ =	sdelay $0x1  }
0x3b8: {  	v4 =	vadd.s32 v2, v4;
	_ =	sdelay $0x2  }
0x3b9: {  	[hbm4b:s21+s1] =	stream.indirect_vreg.scatter [tilespmem:s25], [sflag:$0x3], $0x80, v5, vm0, $0xb8;
	[tilespmem:$0x16900] =	vst v63  }
0x3ba: {  	_ = 	snop  }
0x3bb: {  	[hbm4b:s21+s1] =	stream.indirect_vreg.scatter [tilespmem:s10], [sflag:$0x3], $0x80, v4, vm0, $0xb8;
	[tilespmem:$0x16900] =	vst v63  }
0x3bc: {  	v4 =	vld [tilespmem:$0xA0];
	_ =	sdelay $0x4  }
0x3bd: {  	v5 =	vshll.u32 v4, $0x1  }
0x3be: {  	v4 =	vand.u32 $0x7, v4;
	v5 =	vand.u32 $0xFFFFFFF0, v5  }
0x3bf: {  	v4 =	vor.u32 v4, v5  }
0x3c0: {  	v5 =	vperm.xlane v4, v1;
	_ =	sdelay $0x1  }
0x3c1: {  	v4 =	vperm.xlane v4, v3;
	v5 =	vadd.s32 v2, v5;
	_ =	sdelay $0x1  }
0x3c2: {  	v4 =	vadd.s32 v2, v4;
	_ =	sdelay $0x2  }
0x3c3: {  	[hbm4b:s21+s1] =	stream.indirect_vreg.scatter [tilespmem:s11], [sflag:$0x3], $0x80, v5, vm0, $0xb8;
	[tilespmem:$0x16900] =	vst v63  }
0x3c4: {  	_ = 	snop  }
0x3c5: {  	[hbm4b:s21+s1] =	stream.indirect_vreg.scatter [tilespmem:s12], [sflag:$0x3], $0x80, v4, vm0, $0xb8;
	[tilespmem:$0x16900] =	vst v63  }
0x3c6: {  	v4 =	vld [tilespmem:$0xB0];
	_ =	sdelay $0x4  }
0x3c7: {  	v5 =	vshll.u32 v4, $0x1  }
0x3c8: {  	v4 =	vand.u32 $0x7, v4;
	v5 =	vand.u32 $0xFFFFFFF0, v5  }
0x3c9: {  	v4 =	vor.u32 v4, v5  }
0x3ca: {  	v5 =	vperm.xlane v4, v1;
	_ =	sdelay $0x1  }
0x3cb: {  	v4 =	vperm.xlane v4, v3;
	v5 =	vadd.s32 v2, v5;
	_ =	sdelay $0x1  }
0x3cc: {  	v4 =	vadd.s32 v2, v4;
	_ =	sdelay $0x2  }
0x3cd: {  	[hbm4b:s21+s1] =	stream.indirect_vreg.scatter [tilespmem:s13], [sflag:$0x3], $0x80, v5, vm0, $0xb8;
	[tilespmem:$0x16900] =	vst v63  }
0x3ce: {  	_ = 	snop  }
0x3cf: {  	[hbm4b:s21+s1] =	stream.indirect_vreg.scatter [tilespmem:s15], [sflag:$0x3], $0x80, v4, vm0, $0xb8;
	[tilespmem:$0x16900] =	vst v63  }
0x3d0: {  	v4 =	vld [tilespmem:$0xC0];
	_ =	sdelay $0x4  }
0x3d1: {  	v5 =	vshll.u32 v4, $0x1  }
0x3d2: {  	v4 =	vand.u32 $0x7, v4;
	v5 =	vand.u32 $0xFFFFFFF0, v5  }
0x3d3: {  	v4 =	vor.u32 v4, v5  }
0x3d4: {  	v5 =	vperm.xlane v4, v1;
	_ =	sdelay $0x1  }
0x3d5: {  	v4 =	vperm.xlane v4, v3;
	v5 =	vadd.s32 v2, v5;
	_ =	sdelay $0x1  }
0x3d6: {  	v4 =	vadd.s32 v2, v4;
	_ =	sdelay $0x2  }
0x3d7: {  	[hbm4b:s21+s1] =	stream.indirect_vreg.scatter [tilespmem:s16], [sflag:$0x3], $0x80, v5, vm0, $0xb8;
	[tilespmem:$0x16900] =	vst v63  }
0x3d8: {  	s8 =	rddreg [dreg:$0x12]  }
0x3d9: {  	[hbm4b:s21+s1] =	stream.indirect_vreg.scatter [tilespmem:s17], [sflag:$0x3], $0x80, v4, vm0, $0xb8;
	[tilespmem:$0x16900] =	vst v63  }
0x3da: {  	s9 =	sld [smem:$0x7EE]  }
0x3db: {  	[tilespmem:s24], [sflag:$0x1] =	stream.linear.gather [hbm4b:s8+s1], $0x5000, $0x38;
	[tilespmem:$0x16900] =	vst v63  }
0x3dc: {  	_ = 	snop  }
0x3dd: {  	[tilespmem:s1], [sflag:$0x2] =	stream.linear.gather [hbm4b:s9+s1], $0x50, $0x38;
	[tilespmem:$0x16900] =	vst v63  }
0x3de: {  	_ =	swait.ge [sflag:s26], $0x5000  }
0x3df: {  	[sflag:s26] =	ssyncset.done $0x0  }
0x3e0: {  	[sflag:s26] =	ssyncadd.s32 $0xFFFFB000  }
0x3e1: {  	_ =	swait.ge [sflag:s28], $0x50  }
0x3e2: {  	[sflag:s28] =	ssyncset.done $0x0  }
0x3e3: {  	[sflag:s28] =	ssyncadd.s32 $0xFFFFFFB0  }
0x3e4: {  	_ =	swait.ge [sflag:s7], $0x5000  }
0x3e5: {  	[sflag:s7] =	ssyncset.done $0x0  }
0x3e6: {  	[sflag:s7] =	ssyncadd.s32 $0xFFFFB000  }
0x3e7: {  	v4 =	vld [tilespmem:$0x0];
	_ =	sdelay $0x4  }
0x3e8: {  	v5 =	vshll.u32 v4, $0x1  }
0x3e9: {  	v4 =	vand.u32 $0x7, v4;
	v5 =	vand.u32 $0xFFFFFFF0, v5  }
0x3ea: {  	v4 =	vor.u32 v4, v5  }
0x3eb: {  	v5 =	vperm.xlane v4, v1;
	_ =	sdelay $0x1  }
0x3ec: {  	v4 =	vperm.xlane v4, v3;
	v5 =	vadd.s32 v2, v5;
	_ =	sdelay $0x1  }
0x3ed: {  	v4 =	vadd.s32 v2, v4;
	_ =	sdelay $0x2  }
0x3ee: {  	[hbm4b:s21+s1] =	stream.indirect_vreg.scatter [tilespmem:s24], [sflag:$0x3], $0x80, v5, vm0, $0xb8;
	[tilespmem:$0x16900] =	vst v63  }
0x3ef: {  	_ = 	snop  }
0x3f0: {  	[hbm4b:s21+s1] =	stream.indirect_vreg.scatter [tilespmem:s29], [sflag:$0x3], $0x80, v4, vm0, $0xb8;
	[tilespmem:$0x16900] =	vst v63  }
0x3f1: {  	v4 =	vld [tilespmem:$0x10];
	_ =	sdelay $0x4  }
0x3f2: {  	v5 =	vshll.u32 v4, $0x1  }
0x3f3: {  	v4 =	vand.u32 $0x7, v4;
	v5 =	vand.u32 $0xFFFFFFF0, v5  }
0x3f4: {  	v4 =	vor.u32 v4, v5  }
0x3f5: {  	v5 =	vperm.xlane v4, v1;
	_ =	sdelay $0x1  }
0x3f6: {  	v4 =	vperm.xlane v4, v3;
	v5 =	vadd.s32 v2, v5;
	_ =	sdelay $0x1  }
0x3f7: {  	v4 =	vadd.s32 v2, v4;
	_ =	sdelay $0x2  }
0x3f8: {  	[hbm4b:s21+s1] =	stream.indirect_vreg.scatter [tilespmem:s30], [sflag:$0x3], $0x80, v5, vm0, $0xb8;
	[tilespmem:$0x16900] =	vst v63  }
0x3f9: {  	_ = 	snop  }
0x3fa: {  	[hbm4b:s21+s1] =	stream.indirect_vreg.scatter [tilespmem:s31], [sflag:$0x3], $0x80, v4, vm0, $0xb8;
	[tilespmem:$0x16900] =	vst v63  }
0x3fb: {  	v4 =	vld [tilespmem:$0x20];
	_ =	sdelay $0x4  }
0x3fc: {  	v5 =	vshll.u32 v4, $0x1  }
0x3fd: {  	v4 =	vand.u32 $0x7, v4;
	v5 =	vand.u32 $0xFFFFFFF0, v5  }
0x3fe: {  	v4 =	vor.u32 v4, v5  }
0x3ff: {  	v5 =	vperm.xlane v4, v1;
	_ =	sdelay $0x1  }
0x400: {  	v4 =	vperm.xlane v4, v3;
	v5 =	vadd.s32 v2, v5;
	_ =	sdelay $0x1  }
0x401: {  	v4 =	vadd.s32 v2, v4;
	_ =	sdelay $0x2  }
0x402: {  	[hbm4b:s21+s1] =	stream.indirect_vreg.scatter [tilespmem:s20], [sflag:$0x3], $0x80, v5, vm0, $0xb8;
	[tilespmem:$0x16900] =	vst v63  }
0x403: {  	_ = 	snop  }
0x404: {  	[hbm4b:s21+s1] =	stream.indirect_vreg.scatter [tilespmem:s0], [sflag:$0x3], $0x80, v4, vm0, $0xb8;
	[tilespmem:$0x16900] =	vst v63  }
0x405: {  	v4 =	vld [tilespmem:$0x30];
	_ =	sdelay $0x4  }
0x406: {  	v5 =	vshll.u32 v4, $0x1  }
0x407: {  	v4 =	vand.u32 $0x7, v4;
	v5 =	vand.u32 $0xFFFFFFF0, v5  }
0x408: {  	v4 =	vor.u32 v4, v5  }
0x409: {  	v5 =	vperm.xlane v4, v1;
	_ =	sdelay $0x1  }
0x40a: {  	v4 =	vperm.xlane v4, v3;
	v5 =	vadd.s32 v2, v5;
	_ =	sdelay $0x1  }
0x40b: {  	v4 =	vadd.s32 v2, v4;
	_ =	sdelay $0x2  }
0x40c: {  	[hbm4b:s21+s1] =	stream.indirect_vreg.scatter [tilespmem:s23], [sflag:$0x3], $0x80, v5, vm0, $0xb8;
	[tilespmem:$0x16900] =	vst v63  }
0x40d: {  	_ = 	snop  }
0x40e: {  	[hbm4b:s21+s1] =	stream.indirect_vreg.scatter [tilespmem:s2], [sflag:$0x3], $0x80, v4, vm0, $0xb8;
	[tilespmem:$0x16900] =	vst v63  }
0x40f: {  	v4 =	vld [tilespmem:$0x40];
	_ =	sdelay $0x4  }
0x410: {  	v5 =	vshll.u32 v4, $0x1  }
0x411: {  	v4 =	vand.u32 $0x7, v4;
	v5 =	vand.u32 $0xFFFFFFF0, v5  }
0x412: {  	v4 =	vor.u32 v4, v5  }
0x413: {  	v5 =	vperm.xlane v4, v1;
	_ =	sdelay $0x1  }
0x414: {  	v4 =	vperm.xlane v4, v3;
	v5 =	vadd.s32 v2, v5;
	_ =	sdelay $0x1  }
0x415: {  	v4 =	vadd.s32 v2, v4;
	_ =	sdelay $0x2  }
0x416: {  	[hbm4b:s21+s1] =	stream.indirect_vreg.scatter [tilespmem:s3], [sflag:$0x3], $0x80, v5, vm0, $0xb8;
	[tilespmem:$0x16900] =	vst v63  }
0x417: {  	s8 =	rddreg [dreg:$0x13]  }
0x418: {  	[hbm4b:s21+s1] =	stream.indirect_vreg.scatter [tilespmem:s4], [sflag:$0x3], $0x80, v4, vm0, $0xb8;
	[tilespmem:$0x16900] =	vst v63  }
0x419: {  	s9 =	sld [smem:$0x7EF]  }
0x41a: {  	[tilespmem:s5], [sflag:$0x1] =	stream.linear.gather [hbm4b:s8+s1], $0x5000, $0x38;
	[tilespmem:$0x16900] =	vst v63  }
0x41b: {  	_ = 	snop  }
0x41c: {  	[tilespmem:s14], [sflag:$0x2] =	stream.linear.gather [hbm4b:s9+s1], $0x50, $0x38;
	[tilespmem:$0x16900] =	vst v63  }
0x41d: {  	_ =	swait.ge [sflag:s26], $0x5000  }
0x41e: {  	[sflag:s26] =	ssyncset.done $0x0  }
0x41f: {  	[sflag:s26] =	ssyncadd.s32 $0xFFFFB000  }
0x420: {  	_ =	swait.ge [sflag:s28], $0x50  }
0x421: {  	[sflag:s28] =	ssyncset.done $0x0  }
0x422: {  	[sflag:s28] =	ssyncadd.s32 $0xFFFFFFB0  }
0x423: {  	_ =	swait.ge [sflag:s7], $0x5000  }
0x424: {  	[sflag:s7] =	ssyncset.done $0x0  }
0x425: {  	[sflag:s7] =	ssyncadd.s32 $0xFFFFB000  }
0x426: {  	v4 =	vld [tilespmem:$0x80];
	_ =	sdelay $0x4  }
0x427: {  	v5 =	vshll.u32 v4, $0x1  }
0x428: {  	v4 =	vand.u32 $0x7, v4;
	v5 =	vand.u32 $0xFFFFFFF0, v5  }
0x429: {  	v4 =	vor.u32 v4, v5  }
0x42a: {  	v5 =	vperm.xlane v4, v1;
	_ =	sdelay $0x1  }
0x42b: {  	v4 =	vperm.xlane v4, v3;
	v5 =	vadd.s32 v2, v5;
	_ =	sdelay $0x1  }
0x42c: {  	v4 =	vadd.s32 v2, v4;
	_ =	sdelay $0x2  }
0x42d: {  	[hbm4b:s21+s1] =	stream.indirect_vreg.scatter [tilespmem:s5], [sflag:$0x3], $0x80, v5, vm0, $0xb8;
	[tilespmem:$0x16900] =	vst v63  }
0x42e: {  	_ = 	snop  }
0x42f: {  	[hbm4b:s21+s1] =	stream.indirect_vreg.scatter [tilespmem:s22], [sflag:$0x3], $0x80, v4, vm0, $0xb8;
	[tilespmem:$0x16900] =	vst v63  }
0x430: {  	v4 =	vld [tilespmem:$0x90];
	_ =	sdelay $0x4  }
0x431: {  	v5 =	vshll.u32 v4, $0x1  }
0x432: {  	v4 =	vand.u32 $0x7, v4;
	v5 =	vand.u32 $0xFFFFFFF0, v5  }
0x433: {  	v4 =	vor.u32 v4, v5  }
0x434: {  	v5 =	vperm.xlane v4, v1;
	_ =	sdelay $0x1  }
0x435: {  	v4 =	vperm.xlane v4, v3;
	v5 =	vadd.s32 v2, v5;
	_ =	sdelay $0x1  }
0x436: {  	v4 =	vadd.s32 v2, v4;
	_ =	sdelay $0x2  }
0x437: {  	[hbm4b:s21+s1] =	stream.indirect_vreg.scatter [tilespmem:s25], [sflag:$0x3], $0x80, v5, vm0, $0xb8;
	[tilespmem:$0x16900] =	vst v63  }
0x438: {  	_ = 	snop  }
0x439: {  	[hbm4b:s21+s1] =	stream.indirect_vreg.scatter [tilespmem:s10], [sflag:$0x3], $0x80, v4, vm0, $0xb8;
	[tilespmem:$0x16900] =	vst v63  }
0x43a: {  	v4 =	vld [tilespmem:$0xA0];
	_ =	sdelay $0x4  }
0x43b: {  	v5 =	vshll.u32 v4, $0x1  }
0x43c: {  	v4 =	vand.u32 $0x7, v4;
	v5 =	vand.u32 $0xFFFFFFF0, v5  }
0x43d: {  	v4 =	vor.u32 v4, v5  }
0x43e: {  	v5 =	vperm.xlane v4, v1;
	_ =	sdelay $0x1  }
0x43f: {  	v4 =	vperm.xlane v4, v3;
	v5 =	vadd.s32 v2, v5;
	_ =	sdelay $0x1  }
0x440: {  	v4 =	vadd.s32 v2, v4;
	_ =	sdelay $0x2  }
0x441: {  	[hbm4b:s21+s1] =	stream.indirect_vreg.scatter [tilespmem:s11], [sflag:$0x3], $0x80, v5, vm0, $0xb8;
	[tilespmem:$0x16900] =	vst v63  }
0x442: {  	_ = 	snop  }
0x443: {  	[hbm4b:s21+s1] =	stream.indirect_vreg.scatter [tilespmem:s12], [sflag:$0x3], $0x80, v4, vm0, $0xb8;
	[tilespmem:$0x16900] =	vst v63  }
0x444: {  	v4 =	vld [tilespmem:$0xB0];
	_ =	sdelay $0x4  }
0x445: {  	v5 =	vshll.u32 v4, $0x1  }
0x446: {  	v4 =	vand.u32 $0x7, v4;
	v5 =	vand.u32 $0xFFFFFFF0, v5  }
0x447: {  	v4 =	vor.u32 v4, v5  }
0x448: {  	v5 =	vperm.xlane v4, v1;
	_ =	sdelay $0x1  }
0x449: {  	v4 =	vperm.xlane v4, v3;
	v5 =	vadd.s32 v2, v5;
	_ =	sdelay $0x1  }
0x44a: {  	v4 =	vadd.s32 v2, v4;
	_ =	sdelay $0x2  }
0x44b: {  	[hbm4b:s21+s1] =	stream.indirect_vreg.scatter [tilespmem:s13], [sflag:$0x3], $0x80, v5, vm0, $0xb8;
	[tilespmem:$0x16900] =	vst v63  }
0x44c: {  	_ = 	snop  }
0x44d: {  	[hbm4b:s21+s1] =	stream.indirect_vreg.scatter [tilespmem:s15], [sflag:$0x3], $0x80, v4, vm0, $0xb8;
	[tilespmem:$0x16900] =	vst v63  }
0x44e: {  	v4 =	vld [tilespmem:$0xC0];
	_ =	sdelay $0x4  }
0x44f: {  	v5 =	vshll.u32 v4, $0x1  }
0x450: {  	v4 =	vand.u32 $0x7, v4;
	v5 =	vand.u32 $0xFFFFFFF0, v5  }
0x451: {  	v4 =	vor.u32 v4, v5  }
0x452: {  	v5 =	vperm.xlane v4, v1;
	_ =	sdelay $0x1  }
0x453: {  	v4 =	vperm.xlane v4, v3;
	v5 =	vadd.s32 v2, v5;
	_ =	sdelay $0x1  }
0x454: {  	v4 =	vadd.s32 v2, v4;
	_ =	sdelay $0x2  }
0x455: {  	[hbm4b:s21+s1] =	stream.indirect_vreg.scatter [tilespmem:s16], [sflag:$0x3], $0x80, v5, vm0, $0xb8;
	[tilespmem:$0x16900] =	vst v63  }
0x456: {  	s8 =	rddreg [dreg:$0x14]  }
0x457: {  	[hbm4b:s21+s1] =	stream.indirect_vreg.scatter [tilespmem:s17], [sflag:$0x3], $0x80, v4, vm0, $0xb8;
	[tilespmem:$0x16900] =	vst v63  }
0x458: {  	s9 =	sld [smem:$0x7F0]  }
0x459: {  	[tilespmem:s24], [sflag:$0x1] =	stream.linear.gather [hbm4b:s8+s1], $0x5000, $0x38;
	[tilespmem:$0x16900] =	vst v63  }
0x45a: {  	_ = 	snop  }
0x45b: {  	[tilespmem:s1], [sflag:$0x2] =	stream.linear.gather [hbm4b:s9+s1], $0x50, $0x38;
	[tilespmem:$0x16900] =	vst v63  }
0x45c: {  	_ =	swait.ge [sflag:s26], $0x5000  }
0x45d: {  	[sflag:s26] =	ssyncset.done $0x0  }
0x45e: {  	[sflag:s26] =	ssyncadd.s32 $0xFFFFB000  }
0x45f: {  	_ =	swait.ge [sflag:s28], $0x50  }
0x460: {  	[sflag:s28] =	ssyncset.done $0x0  }
0x461: {  	[sflag:s28] =	ssyncadd.s32 $0xFFFFFFB0  }
0x462: {  	_ =	swait.ge [sflag:s7], $0x5000  }
0x463: {  	[sflag:s7] =	ssyncset.done $0x0  }
0x464: {  	[sflag:s7] =	ssyncadd.s32 $0xFFFFB000  }
0x465: {  	v4 =	vld [tilespmem:$0x0];
	_ =	sdelay $0x4  }
0x466: {  	v5 =	vshll.u32 v4, $0x1  }
0x467: {  	v4 =	vand.u32 $0x7, v4;
	v5 =	vand.u32 $0xFFFFFFF0, v5  }
0x468: {  	v4 =	vor.u32 v4, v5  }
0x469: {  	v5 =	vperm.xlane v4, v1;
	_ =	sdelay $0x1  }
0x46a: {  	v4 =	vperm.xlane v4, v3;
	v5 =	vadd.s32 v2, v5;
	_ =	sdelay $0x1  }
0x46b: {  	v4 =	vadd.s32 v2, v4;
	_ =	sdelay $0x2  }
0x46c: {  	[hbm4b:s21+s1] =	stream.indirect_vreg.scatter [tilespmem:s24], [sflag:$0x3], $0x80, v5, vm0, $0xb8;
	[tilespmem:$0x16900] =	vst v63  }
0x46d: {  	_ = 	snop  }
0x46e: {  	[hbm4b:s21+s1] =	stream.indirect_vreg.scatter [tilespmem:s29], [sflag:$0x3], $0x80, v4, vm0, $0xb8;
	[tilespmem:$0x16900] =	vst v63  }
0x46f: {  	v4 =	vld [tilespmem:$0x10];
	_ =	sdelay $0x4  }
0x470: {  	v5 =	vshll.u32 v4, $0x1  }
0x471: {  	v4 =	vand.u32 $0x7, v4;
	v5 =	vand.u32 $0xFFFFFFF0, v5  }
0x472: {  	v4 =	vor.u32 v4, v5  }
0x473: {  	v5 =	vperm.xlane v4, v1;
	_ =	sdelay $0x1  }
0x474: {  	v4 =	vperm.xlane v4, v3;
	v5 =	vadd.s32 v2, v5;
	_ =	sdelay $0x1  }
0x475: {  	v4 =	vadd.s32 v2, v4;
	_ =	sdelay $0x2  }
0x476: {  	[hbm4b:s21+s1] =	stream.indirect_vreg.scatter [tilespmem:s30], [sflag:$0x3], $0x80, v5, vm0, $0xb8;
	[tilespmem:$0x16900] =	vst v63  }
0x477: {  	_ = 	snop  }
0x478: {  	[hbm4b:s21+s1] =	stream.indirect_vreg.scatter [tilespmem:s31], [sflag:$0x3], $0x80, v4, vm0, $0xb8;
	[tilespmem:$0x16900] =	vst v63  }
0x479: {  	v4 =	vld [tilespmem:$0x20];
	_ =	sdelay $0x4  }
0x47a: {  	v5 =	vshll.u32 v4, $0x1  }
0x47b: {  	v4 =	vand.u32 $0x7, v4;
	v5 =	vand.u32 $0xFFFFFFF0, v5  }
0x47c: {  	v4 =	vor.u32 v4, v5  }
0x47d: {  	v5 =	vperm.xlane v4, v1;
	_ =	sdelay $0x1  }
0x47e: {  	v4 =	vperm.xlane v4, v3;
	v5 =	vadd.s32 v2, v5;
	_ =	sdelay $0x1  }
0x47f: {  	v4 =	vadd.s32 v2, v4;
	_ =	sdelay $0x2  }
0x480: {  	[hbm4b:s21+s1] =	stream.indirect_vreg.scatter [tilespmem:s20], [sflag:$0x3], $0x80, v5, vm0, $0xb8;
	[tilespmem:$0x16900] =	vst v63  }
0x481: {  	_ = 	snop  }
0x482: {  	[hbm4b:s21+s1] =	stream.indirect_vreg.scatter [tilespmem:s0], [sflag:$0x3], $0x80, v4, vm0, $0xb8;
	[tilespmem:$0x16900] =	vst v63  }
0x483: {  	v4 =	vld [tilespmem:$0x30];
	_ =	sdelay $0x4  }
0x484: {  	v5 =	vshll.u32 v4, $0x1  }
0x485: {  	v4 =	vand.u32 $0x7, v4;
	v5 =	vand.u32 $0xFFFFFFF0, v5  }
0x486: {  	v4 =	vor.u32 v4, v5  }
0x487: {  	v5 =	vperm.xlane v4, v1;
	_ =	sdelay $0x1  }
0x488: {  	v4 =	vperm.xlane v4, v3;
	v5 =	vadd.s32 v2, v5;
	_ =	sdelay $0x1  }
0x489: {  	v4 =	vadd.s32 v2, v4;
	_ =	sdelay $0x2  }
0x48a: {  	[hbm4b:s21+s1] =	stream.indirect_vreg.scatter [tilespmem:s23], [sflag:$0x3], $0x80, v5, vm0, $0xb8;
	[tilespmem:$0x16900] =	vst v63  }
0x48b: {  	_ = 	snop  }
0x48c: {  	[hbm4b:s21+s1] =	stream.indirect_vreg.scatter [tilespmem:s2], [sflag:$0x3], $0x80, v4, vm0, $0xb8;
	[tilespmem:$0x16900] =	vst v63  }
0x48d: {  	v4 =	vld [tilespmem:$0x40];
	_ =	sdelay $0x4  }
0x48e: {  	v5 =	vshll.u32 v4, $0x1  }
0x48f: {  	v4 =	vand.u32 $0x7, v4;
	v5 =	vand.u32 $0xFFFFFFF0, v5  }
0x490: {  	v4 =	vor.u32 v4, v5  }
0x491: {  	v5 =	vperm.xlane v4, v1;
	_ =	sdelay $0x1  }
0x492: {  	v4 =	vperm.xlane v4, v3;
	v5 =	vadd.s32 v2, v5;
	_ =	sdelay $0x1  }
0x493: {  	v4 =	vadd.s32 v2, v4;
	_ =	sdelay $0x2  }
0x494: {  	[hbm4b:s21+s1] =	stream.indirect_vreg.scatter [tilespmem:s3], [sflag:$0x3], $0x80, v5, vm0, $0xb8;
	[tilespmem:$0x16900] =	vst v63  }
0x495: {  	s8 =	rddreg [dreg:$0x15]  }
0x496: {  	[hbm4b:s21+s1] =	stream.indirect_vreg.scatter [tilespmem:s4], [sflag:$0x3], $0x80, v4, vm0, $0xb8;
	[tilespmem:$0x16900] =	vst v63  }
0x497: {  	s9 =	sld [smem:$0x7F1]  }
0x498: {  	[tilespmem:s5], [sflag:$0x1] =	stream.linear.gather [hbm4b:s8+s1], $0x5000, $0x38;
	[tilespmem:$0x16900] =	vst v63  }
0x499: {  	_ = 	snop  }
0x49a: {  	[tilespmem:s14], [sflag:$0x2] =	stream.linear.gather [hbm4b:s9+s1], $0x50, $0x38;
	[tilespmem:$0x16900] =	vst v63  }
0x49b: {  	_ =	swait.ge [sflag:s26], $0x5000  }
0x49c: {  	[sflag:s26] =	ssyncset.done $0x0  }
0x49d: {  	[sflag:s26] =	ssyncadd.s32 $0xFFFFB000  }
0x49e: {  	_ =	swait.ge [sflag:s28], $0x50  }
0x49f: {  	[sflag:s28] =	ssyncset.done $0x0  }
0x4a0: {  	[sflag:s28] =	ssyncadd.s32 $0xFFFFFFB0  }
0x4a1: {  	_ =	swait.ge [sflag:s7], $0x5000  }
0x4a2: {  	[sflag:s7] =	ssyncset.done $0x0  }
0x4a3: {  	[sflag:s7] =	ssyncadd.s32 $0xFFFFB000  }
0x4a4: {  	v4 =	vld [tilespmem:$0x80];
	_ =	sdelay $0x4  }
0x4a5: {  	v5 =	vshll.u32 v4, $0x1  }
0x4a6: {  	v4 =	vand.u32 $0x7, v4;
	v5 =	vand.u32 $0xFFFFFFF0, v5  }
0x4a7: {  	v4 =	vor.u32 v4, v5  }
0x4a8: {  	v5 =	vperm.xlane v4, v1;
	_ =	sdelay $0x1  }
0x4a9: {  	v4 =	vperm.xlane v4, v3;
	v5 =	vadd.s32 v2, v5;
	_ =	sdelay $0x1  }
0x4aa: {  	v4 =	vadd.s32 v2, v4;
	_ =	sdelay $0x2  }
0x4ab: {  	[hbm4b:s21+s1] =	stream.indirect_vreg.scatter [tilespmem:s5], [sflag:$0x3], $0x80, v5, vm0, $0xb8;
	[tilespmem:$0x16900] =	vst v63  }
0x4ac: {  	_ = 	snop  }
0x4ad: {  	[hbm4b:s21+s1] =	stream.indirect_vreg.scatter [tilespmem:s22], [sflag:$0x3], $0x80, v4, vm0, $0xb8;
	[tilespmem:$0x16900] =	vst v63  }
0x4ae: {  	v4 =	vld [tilespmem:$0x90];
	_ =	sdelay $0x4  }
0x4af: {  	v5 =	vshll.u32 v4, $0x1  }
0x4b0: {  	v4 =	vand.u32 $0x7, v4;
	v5 =	vand.u32 $0xFFFFFFF0, v5  }
0x4b1: {  	v4 =	vor.u32 v4, v5  }
0x4b2: {  	v5 =	vperm.xlane v4, v1;
	_ =	sdelay $0x1  }
0x4b3: {  	v4 =	vperm.xlane v4, v3;
	v5 =	vadd.s32 v2, v5;
	_ =	sdelay $0x1  }
0x4b4: {  	v4 =	vadd.s32 v2, v4;
	_ =	sdelay $0x2  }
0x4b5: {  	[hbm4b:s21+s1] =	stream.indirect_vreg.scatter [tilespmem:s25], [sflag:$0x3], $0x80, v5, vm0, $0xb8;
	[tilespmem:$0x16900] =	vst v63  }
0x4b6: {  	_ = 	snop  }
0x4b7: {  	[hbm4b:s21+s1] =	stream.indirect_vreg.scatter [tilespmem:s10], [sflag:$0x3], $0x80, v4, vm0, $0xb8;
	[tilespmem:$0x16900] =	vst v63  }
0x4b8: {  	v4 =	vld [tilespmem:$0xA0];
	_ =	sdelay $0x4  }
0x4b9: {  	v5 =	vshll.u32 v4, $0x1  }
0x4ba: {  	v4 =	vand.u32 $0x7, v4;
	v5 =	vand.u32 $0xFFFFFFF0, v5  }
0x4bb: {  	v4 =	vor.u32 v4, v5  }
0x4bc: {  	v5 =	vperm.xlane v4, v1;
	_ =	sdelay $0x1  }
0x4bd: {  	v4 =	vperm.xlane v4, v3;
	v5 =	vadd.s32 v2, v5;
	_ =	sdelay $0x1  }
0x4be: {  	v4 =	vadd.s32 v2, v4;
	_ =	sdelay $0x2  }
0x4bf: {  	[hbm4b:s21+s1] =	stream.indirect_vreg.scatter [tilespmem:s11], [sflag:$0x3], $0x80, v5, vm0, $0xb8;
	[tilespmem:$0x16900] =	vst v63  }
0x4c0: {  	_ = 	snop  }
0x4c1: {  	[hbm4b:s21+s1] =	stream.indirect_vreg.scatter [tilespmem:s12], [sflag:$0x3], $0x80, v4, vm0, $0xb8;
	[tilespmem:$0x16900] =	vst v63  }
0x4c2: {  	v4 =	vld [tilespmem:$0xB0];
	_ =	sdelay $0x4  }
0x4c3: {  	v5 =	vshll.u32 v4, $0x1  }
0x4c4: {  	v4 =	vand.u32 $0x7, v4;
	v5 =	vand.u32 $0xFFFFFFF0, v5  }
0x4c5: {  	v4 =	vor.u32 v4, v5  }
0x4c6: {  	v5 =	vperm.xlane v4, v1;
	_ =	sdelay $0x1  }
0x4c7: {  	v4 =	vperm.xlane v4, v3;
	v5 =	vadd.s32 v2, v5;
	_ =	sdelay $0x1  }
0x4c8: {  	v4 =	vadd.s32 v2, v4;
	_ =	sdelay $0x2  }
0x4c9: {  	[hbm4b:s21+s1] =	stream.indirect_vreg.scatter [tilespmem:s13], [sflag:$0x3], $0x80, v5, vm0, $0xb8;
	[tilespmem:$0x16900] =	vst v63  }
0x4ca: {  	_ = 	snop  }
0x4cb: {  	[hbm4b:s21+s1] =	stream.indirect_vreg.scatter [tilespmem:s15], [sflag:$0x3], $0x80, v4, vm0, $0xb8;
	[tilespmem:$0x16900] =	vst v63  }
0x4cc: {  	v4 =	vld [tilespmem:$0xC0];
	_ =	sdelay $0x4  }
0x4cd: {  	v5 =	vshll.u32 v4, $0x1  }
0x4ce: {  	v4 =	vand.u32 $0x7, v4;
	v5 =	vand.u32 $0xFFFFFFF0, v5  }
0x4cf: {  	v4 =	vor.u32 v4, v5  }
0x4d0: {  	v5 =	vperm.xlane v4, v1;
	_ =	sdelay $0x1  }
0x4d1: {  	v4 =	vperm.xlane v4, v3;
	v5 =	vadd.s32 v2, v5;
	_ =	sdelay $0x1  }
0x4d2: {  	v4 =	vadd.s32 v2, v4;
	_ =	sdelay $0x2  }
0x4d3: {  	[hbm4b:s21+s1] =	stream.indirect_vreg.scatter [tilespmem:s16], [sflag:$0x3], $0x80, v5, vm0, $0xb8;
	[tilespmem:$0x16900] =	vst v63  }
0x4d4: {  	s22 =	rddreg [dreg:$0x16]  }
0x4d5: {  	[hbm4b:s21+s1] =	stream.indirect_vreg.scatter [tilespmem:s17], [sflag:$0x3], $0x80, v4, vm0, $0xb8;
	[tilespmem:$0x16900] =	vst v63  }
0x4d6: {  	s25 =	sld [smem:$0x7F2]  }
0x4d7: {  	[tilespmem:s24], [sflag:$0x1] =	stream.linear.gather [hbm4b:s22+s1], $0x5000, $0x38;
	[tilespmem:$0x16900] =	vst v63  }
0x4d8: {  	_ = 	snop  }
0x4d9: {  	[tilespmem:s1], [sflag:$0x2] =	stream.linear.gather [hbm4b:s25+s1], $0x50, $0x38;
	[tilespmem:$0x16900] =	vst v63  }
0x4da: {  	_ =	swait.ge [sflag:s26], $0x5000  }
0x4db: {  	[sflag:s26] =	ssyncset.done $0x0  }
0x4dc: {  	[sflag:s26] =	ssyncadd.s32 $0xFFFFB000  }
0x4dd: {  	_ =	swait.ge [sflag:s28], $0x50  }
0x4de: {  	[sflag:s28] =	ssyncset.done $0x0  }
0x4df: {  	[sflag:s28] =	ssyncadd.s32 $0xFFFFFFB0  }
0x4e0: {  	_ =	swait.ge [sflag:s7], $0x5000  }
0x4e1: {  	[sflag:s7] =	ssyncset.done $0x0  }
0x4e2: {  	[sflag:s7] =	ssyncadd.s32 $0xFFFFB000  }
0x4e3: {  	v4 =	vld [tilespmem:$0x0];
	_ =	sdelay $0x4  }
0x4e4: {  	v5 =	vshll.u32 v4, $0x1  }
0x4e5: {  	v4 =	vand.u32 $0x7, v4;
	v5 =	vand.u32 $0xFFFFFFF0, v5  }
0x4e6: {  	v4 =	vor.u32 v4, v5  }
0x4e7: {  	v5 =	vperm.xlane v4, v1;
	_ =	sdelay $0x1  }
0x4e8: {  	v4 =	vperm.xlane v4, v3;
	v5 =	vadd.s32 v2, v5;
	_ =	sdelay $0x1  }
0x4e9: {  	v4 =	vadd.s32 v2, v4;
	_ =	sdelay $0x2  }
0x4ea: {  	[hbm4b:s21+s1] =	stream.indirect_vreg.scatter [tilespmem:s24], [sflag:$0x3], $0x80, v5, vm0, $0xb8;
	[tilespmem:$0x16900] =	vst v63  }
0x4eb: {  	_ = 	snop  }
0x4ec: {  	[hbm4b:s21+s1] =	stream.indirect_vreg.scatter [tilespmem:s29], [sflag:$0x3], $0x80, v4, vm0, $0xb8;
	[tilespmem:$0x16900] =	vst v63  }
0x4ed: {  	v4 =	vld [tilespmem:$0x10];
	_ =	sdelay $0x4  }
0x4ee: {  	v5 =	vshll.u32 v4, $0x1  }
0x4ef: {  	v4 =	vand.u32 $0x7, v4;
	v5 =	vand.u32 $0xFFFFFFF0, v5  }
0x4f0: {  	v4 =	vor.u32 v4, v5  }
0x4f1: {  	v5 =	vperm.xlane v4, v1;
	_ =	sdelay $0x1  }
0x4f2: {  	v4 =	vperm.xlane v4, v3;
	v5 =	vadd.s32 v2, v5;
	_ =	sdelay $0x1  }
0x4f3: {  	v4 =	vadd.s32 v2, v4;
	_ =	sdelay $0x2  }
0x4f4: {  	[hbm4b:s21+s1] =	stream.indirect_vreg.scatter [tilespmem:s30], [sflag:$0x3], $0x80, v5, vm0, $0xb8;
	[tilespmem:$0x16900] =	vst v63  }
0x4f5: {  	_ = 	snop  }
0x4f6: {  	[hbm4b:s21+s1] =	stream.indirect_vreg.scatter [tilespmem:s31], [sflag:$0x3], $0x80, v4, vm0, $0xb8;
	[tilespmem:$0x16900] =	vst v63  }
0x4f7: {  	v4 =	vld [tilespmem:$0x20];
	_ =	sdelay $0x4  }
0x4f8: {  	v5 =	vshll.u32 v4, $0x1  }
0x4f9: {  	v4 =	vand.u32 $0x7, v4;
	v5 =	vand.u32 $0xFFFFFFF0, v5  }
0x4fa: {  	v4 =	vor.u32 v4, v5  }
0x4fb: {  	v5 =	vperm.xlane v4, v1;
	_ =	sdelay $0x1  }
0x4fc: {  	v4 =	vperm.xlane v4, v3;
	v5 =	vadd.s32 v2, v5;
	_ =	sdelay $0x1  }
0x4fd: {  	v4 =	vadd.s32 v2, v4;
	_ =	sdelay $0x2  }
0x4fe: {  	[hbm4b:s21+s1] =	stream.indirect_vreg.scatter [tilespmem:s20], [sflag:$0x3], $0x80, v5, vm0, $0xb8;
	[tilespmem:$0x16900] =	vst v63  }
0x4ff: {  	_ = 	snop  }
0x500: {  	[hbm4b:s21+s1] =	stream.indirect_vreg.scatter [tilespmem:s0], [sflag:$0x3], $0x80, v4, vm0, $0xb8;
	[tilespmem:$0x16900] =	vst v63  }
0x501: {  	v4 =	vld [tilespmem:$0x30];
	_ =	sdelay $0x4  }
0x502: {  	v5 =	vshll.u32 v4, $0x1  }
0x503: {  	v4 =	vand.u32 $0x7, v4;
	v5 =	vand.u32 $0xFFFFFFF0, v5  }
0x504: {  	v4 =	vor.u32 v4, v5  }
0x505: {  	v5 =	vperm.xlane v4, v1;
	_ =	sdelay $0x1  }
0x506: {  	v4 =	vperm.xlane v4, v3;
	v5 =	vadd.s32 v2, v5;
	_ =	sdelay $0x1  }
0x507: {  	v4 =	vadd.s32 v2, v4;
	_ =	sdelay $0x2  }
0x508: {  	[hbm4b:s21+s1] =	stream.indirect_vreg.scatter [tilespmem:s23], [sflag:$0x3], $0x80, v5, vm0, $0xb8;
	[tilespmem:$0x16900] =	vst v63  }
0x509: {  	_ = 	snop  }
0x50a: {  	[hbm4b:s21+s1] =	stream.indirect_vreg.scatter [tilespmem:s2], [sflag:$0x3], $0x80, v4, vm0, $0xb8;
	[tilespmem:$0x16900] =	vst v63  }
0x50b: {  	v4 =	vld [tilespmem:$0x40];
	_ =	sdelay $0x4  }
0x50c: {  	v5 =	vshll.u32 v4, $0x1  }
0x50d: {  	v4 =	vand.u32 $0x7, v4;
	v5 =	vand.u32 $0xFFFFFFF0, v5  }
0x50e: {  	v4 =	vor.u32 v4, v5  }
0x50f: {  	v5 =	vperm.xlane v4, v1;
	_ =	sdelay $0x1  }
0x510: {  	v4 =	vperm.xlane v4, v3;
	v5 =	vadd.s32 v2, v5;
	_ =	sdelay $0x1  }
0x511: {  	v4 =	vadd.s32 v2, v4  }
.Ltmp1:
0x512: {  	_ = 	snop;
	(pc) =	sbr.rel @p0 .LBB2_5-.Ltmp1, $4  }
0x513: {  	_ = 	snop  }
0x514: {  	[hbm4b:s21+s1] =	stream.indirect_vreg.scatter [tilespmem:s3], [sflag:$0x3], $0x80, v5, vm0, $0xb8;
	[tilespmem:$0x16900] =	vst v63  }
0x515: {  	s8 =	simm.s32 $0x80;
	s9 =	simm.s32 $0x5900;
	s14 =	simm.s32 $0x6100  }
0x516: {  	[hbm4b:s21+s1] =	stream.indirect_vreg.scatter [tilespmem:s4], [sflag:$0x3], $0x80, v4, vm0, $0xb8;
	[tilespmem:$0x16900] =	vst v63  }
0x517: {  	s6 =	rddreg [dreg:$0x17]  }
0x518: {  	s25 =	sld [smem:$0x7F3]  }
0x519: {  	[tilespmem:s5], [sflag:$0x1] =	stream.linear.gather [hbm4b:s6+s1], $0x5000, $0x38;
	[tilespmem:$0x16900] =	vst v63  }
0x51a: {  	_ = 	snop  }
0x51b: {  	[tilespmem:s8], [sflag:$0x2] =	stream.linear.gather [hbm4b:s25+s1], $0x50, $0x38;
	[tilespmem:$0x16900] =	vst v63  }
0x51c: {  	_ =	swait.ge [sflag:s26], $0x5000  }
0x51d: {  	[sflag:s26] =	ssyncset.done $0x0  }
0x51e: {  	[sflag:s26] =	ssyncadd.s32 $0xFFFFB000  }
0x51f: {  	_ =	swait.ge [sflag:s28], $0x50  }
0x520: {  	[sflag:s28] =	ssyncset.done $0x0  }
0x521: {  	[sflag:s28] =	ssyncadd.s32 $0xFFFFFFB0  }
0x522: {  	_ =	swait.ge [sflag:s7], $0x5000  }
0x523: {  	[sflag:s7] =	ssyncset.done $0x0  }
0x524: {  	[sflag:s7] =	ssyncadd.s32 $0xFFFFB000  }
0x525: {  	v4 =	vld [tilespmem:$0x80];
	_ =	sdelay $0x4  }
0x526: {  	v5 =	vshll.u32 v4, $0x1  }
0x527: {  	v4 =	vand.u32 $0x7, v4;
	v5 =	vand.u32 $0xFFFFFFF0, v5  }
0x528: {  	v4 =	vor.u32 v4, v5  }
0x529: {  	v5 =	vperm.xlane v4, v1;
	_ =	sdelay $0x1  }
0x52a: {  	v4 =	vperm.xlane v4, v3;
	v5 =	vadd.s32 v2, v5;
	_ =	sdelay $0x1  }
0x52b: {  	v4 =	vadd.s32 v2, v4;
	_ =	sdelay $0x2  }
0x52c: {  	[hbm4b:s21+s1] =	stream.indirect_vreg.scatter [tilespmem:s5], [sflag:$0x3], $0x80, v5, vm0, $0xb8;
	[tilespmem:$0x16900] =	vst v63  }
0x52d: {  	_ = 	snop  }
0x52e: {  	[hbm4b:s21+s1] =	stream.indirect_vreg.scatter [tilespmem:s9], [sflag:$0x3], $0x80, v4, vm0, $0xb8;
	[tilespmem:$0x16900] =	vst v63  }
0x52f: {  	v4 =	vld [tilespmem:$0x90];
	_ =	sdelay $0x4  }
0x530: {  	v5 =	vshll.u32 v4, $0x1  }
0x531: {  	v4 =	vand.u32 $0x7, v4;
	v5 =	vand.u32 $0xFFFFFFF0, v5  }
0x532: {  	v4 =	vor.u32 v4, v5  }
0x533: {  	v5 =	vperm.xlane v4, v1;
	_ =	sdelay $0x1  }
0x534: {  	v4 =	vperm.xlane v4, v3;
	v5 =	vadd.s32 v2, v5;
	_ =	sdelay $0x1  }
0x535: {  	v4 =	vadd.s32 v2, v4;
	_ =	sdelay $0x2  }
0x536: {  	[hbm4b:s21+s1] =	stream.indirect_vreg.scatter [tilespmem:s14], [sflag:$0x3], $0x80, v5, vm0, $0xb8;
	[tilespmem:$0x16900] =	vst v63  }
0x537: {  	_ = 	snop  }
0x538: {  	[hbm4b:s21+s1] =	stream.indirect_vreg.scatter [tilespmem:s10], [sflag:$0x3], $0x80, v4, vm0, $0xb8;
	[tilespmem:$0x16900] =	vst v63  }
0x539: {  	v4 =	vld [tilespmem:$0xA0];
	_ =	sdelay $0x4  }
0x53a: {  	v5 =	vshll.u32 v4, $0x1  }
0x53b: {  	v4 =	vand.u32 $0x7, v4;
	v5 =	vand.u32 $0xFFFFFFF0, v5  }
0x53c: {  	v4 =	vor.u32 v4, v5  }
0x53d: {  	v5 =	vperm.xlane v4, v1;
	_ =	sdelay $0x1  }
0x53e: {  	v4 =	vperm.xlane v4, v3;
	v5 =	vadd.s32 v2, v5;
	_ =	sdelay $0x1  }
0x53f: {  	v4 =	vadd.s32 v2, v4;
	_ =	sdelay $0x2  }
0x540: {  	[hbm4b:s21+s1] =	stream.indirect_vreg.scatter [tilespmem:s11], [sflag:$0x3], $0x80, v5, vm0, $0xb8;
	[tilespmem:$0x16900] =	vst v63  }
0x541: {  	_ = 	snop  }
0x542: {  	[hbm4b:s21+s1] =	stream.indirect_vreg.scatter [tilespmem:s12], [sflag:$0x3], $0x80, v4, vm0, $0xb8;
	[tilespmem:$0x16900] =	vst v63  }
0x543: {  	v4 =	vld [tilespmem:$0xB0];
	_ =	sdelay $0x4  }
0x544: {  	v5 =	vshll.u32 v4, $0x1  }
0x545: {  	v4 =	vand.u32 $0x7, v4;
	v5 =	vand.u32 $0xFFFFFFF0, v5  }
0x546: {  	v4 =	vor.u32 v4, v5  }
0x547: {  	v5 =	vperm.xlane v4, v1;
	_ =	sdelay $0x1  }
0x548: {  	v4 =	vperm.xlane v4, v3;
	v5 =	vadd.s32 v2, v5;
	_ =	sdelay $0x1  }
0x549: {  	v4 =	vadd.s32 v2, v4;
	_ =	sdelay $0x2  }
0x54a: {  	[hbm4b:s21+s1] =	stream.indirect_vreg.scatter [tilespmem:s13], [sflag:$0x3], $0x80, v5, vm0, $0xb8;
	[tilespmem:$0x16900] =	vst v63  }
0x54b: {  	_ = 	snop  }
0x54c: {  	[hbm4b:s21+s1] =	stream.indirect_vreg.scatter [tilespmem:s15], [sflag:$0x3], $0x80, v4, vm0, $0xb8;
	[tilespmem:$0x16900] =	vst v63  }
0x54d: {  	v4 =	vld [tilespmem:$0xC0];
	_ =	sdelay $0x4  }
0x54e: {  	v5 =	vshll.u32 v4, $0x1  }
0x54f: {  	v4 =	vand.u32 $0x7, v4;
	v5 =	vand.u32 $0xFFFFFFF0, v5  }
0x550: {  	v4 =	vor.u32 v4, v5  }
0x551: {  	v5 =	vperm.xlane v4, v1;
	_ =	sdelay $0x1  }
0x552: {  	v4 =	vperm.xlane v4, v3;
	v5 =	vadd.s32 v2, v5;
	_ =	sdelay $0x1  }
0x553: {  	v4 =	vadd.s32 v2, v4;
	_ =	sdelay $0x2  }
0x554: {  	[hbm4b:s21+s1] =	stream.indirect_vreg.scatter [tilespmem:s16], [sflag:$0x3], $0x80, v5, vm0, $0xb8;
	[tilespmem:$0x16900] =	vst v63  }
0x555: {  	_ = 	snop  }
0x556: {  	[hbm4b:s21+s1] =	stream.indirect_vreg.scatter [tilespmem:s17], [sflag:$0x3], $0x80, v4, vm0, $0xb8;
	[tilespmem:$0x16900] =	vst v63  }
.LBB2_5:
0x557: {  	_ =	swait.ge [sflag:s7], $0x5000  }
0x558: {  	s6 =	sld [smem:$0x7F9];
	_ =	sdelay $0x2  }
0x559: {  	p2 =	sne.s32 s6, $0x1  }
.Ltmp2:
0x55a: {  	_ = 	snop;
	(pc) =	sbr.rel @!p2 .LBB2_7-.Ltmp2, $4  }
0x55b: {  	[sflag:s7] =	ssyncset.done $0x0  }
0x55c: {  	[sflag:s7] =	ssyncadd.s32 $0xFFFFB000  }
0x55d: {  	_ =	swait.ge [sflag:s18], $0xC800  }
0x55e: {  	s14 =	sadd.s32 $0xFFFFFFFF, s6;
	[sflag:s18] =	ssyncset.done $0x0  }
.LBB2_6:
0x55f: {  	p2 =	sne.s32 s14, $0x1;
	s14 =	sadd.s32 $0xFFFFFFFF, s14;
	[sflag:s18] =	ssyncadd.s32 $0xFFFF3800  }
.Ltmp3:
0x560: {  	(pc) =	sbr.rel @p2 .LBB2_6-.Ltmp3, $3  }
0x561: {  	_ =	sdelay $0x1  }
0x562: {  	_ =	swait.ge [sflag:s18], $0xC800  }
0x563: {  	[sflag:s18] =	ssyncset.done $0x0  }
.LBB2_7:
0x564: {  	s6 =	sld [smem:$0x7FD];
	_ =	sdelay $0x1  }
0x565: {  	s19 =	sadd.s32 $0x1, s19  }
0x566: {  	p2 =	sne.s32 s19, s6  }
.Ltmp4:
0x567: {  	_ = 	snop;
	(pc) =	sbr.rel @p2 .LBB2_1-.Ltmp4, $2  }
0x568: {  	_ =	sdelay $0x2  }
0x569: {  	[sflag:s18] =	ssyncadd.s32 $0xFFFF3800  }
0x56a: {  	_ =	sfence.sel $0x180000  }
0x56b: {  	[bflag:$0x0] =	sbarrier.arrive $0xFFFF  }
0x56c: {  	_ =	strace $0x90000047  }
0x56d: {  	s0 =	stileid.u32;
	[bflag:$0x2] =	sbarrier.arrive $0xFFFF  }
0x56e: {  	p0 =	sne.s32 s0, $0x0;
	s0 =	rddreg [dreg:$0x3]  }
0x56f: {  	s0 =	sadd.s32 @!p0 $0x100000, s0  }
0x570: {  	[sflag:s0] =	ssyncadd.tile.s32 @!p0 $0x1;
	_ =	shalt  }
.Lfunc_end2:
_tile_overlayer_lowered:
.L_overlay_start_2:
0x571: {  	(tag) =	ssettag $0x2  }
0x572: {  	s0 =	rddreg [dreg:$0x0];
	s2 =	stileid.u32  }
0x573: {  	s1 =	rddreg [dreg:$0x1];
	p0 =	sne.s32 s2, $0x0  }
0x574: {  	s3 =	rddreg [dreg:$0x2];
	[bflag:$0x3] =	sbarrier.arrive $0xFFFF;
	s2 =	simm.s32 @!p0 $0x1C05  }
0x575: {  	[timem:s3], [sflag:s2] =	dma.local @!p0 [hbm:s0], s1  }
0x576: {  	s0 =	simm.s32 @!p0 $0x5  }
0x577: {  	_ =	swait.ge @!p0 [sflag:s0], s1  }
0x578: {  	s1 =	ssub.s32 @!p0 $0x0, s1;
	[sflag:s0] =	ssyncset.done @!p0 $0x0  }
0x579: {  	[sflag:s0] =	ssyncadd.s32 @!p0 s1  }
0x57a: {  	[bflag:$0x3] =	sbarrier.arrive $0xFFFF  }
0x57b: {  	_ =	shalt  }

</sc_bundles>
